<compile_context>
chip_gen: v7x
topology: tpu7x:2x2x1
jax: 0.10.2.dev20260603
libtpu: 0.0.44.dev20260713+nightly
codegen_flags: <defaults>
</compile_context>

<pallas_src>
import jax
import jax.numpy as jnp
from jax.experimental import pallas as pl
from jax.experimental.pallas import tpu as pltpu
from jax.experimental.pallas import tpu_sc as plsc

_B = 4
_T = 2048
_D = 4096
_STRIDE = 2.0
_WIDTH = 30.0
_T_SEC = _T * _STRIDE

_TS = 256
_T_TC = _T - _TS
_TT = 128
_SC_ROWS = 8


def _tc_body(x_ref, q_ref, out_ref):
    xb = x_ref[...].reshape(_B * _TT, _D).astype(jnp.bfloat16)
    qb = q_ref[...].astype(jnp.bfloat16)
    m4 = jax.lax.dot_general(qb, xb, (((1,), (1,)), ((), ())),
                             preferred_element_type=jnp.float32)
    m4r = m4.reshape(_B, _B, _TT)
    bi = jax.lax.broadcasted_iota(jnp.int32, (_B, _B, _TT), 0)
    gi = jax.lax.broadcasted_iota(jnp.int32, (_B, _B, _TT), 1)
    out_ref[...] = jnp.sum(m4r * (bi == gi).astype(jnp.float32), axis=1)


def _round_bf16(x):
    u = jax.lax.bitcast_convert_type(x, jnp.int32)
    lsb = jax.lax.shift_right_logical(u, 16) & 1
    r = (u + (32767 + lsb)) & jnp.int32(-65536)
    return jax.lax.bitcast_convert_type(r, jnp.float32)


def _sc_block_body(x_vmem, q_vmem, o_vmem):
    for r in range(_SC_ROWS):
        def step(i, accs):
            a0, a1, a2, a3 = accs
            outs = []
            for j, a in enumerate((a0, a1, a2, a3)):
                off = i * 64 + j * 16
                xc = _round_bf16(x_vmem[0, r, pl.ds(off, 16)])
                qc = q_vmem[0, pl.ds(off, 16)]
                outs.append(a + xc * qc)
            return tuple(outs)

        z = jnp.zeros((16,), jnp.float32)
        a0, a1, a2, a3 = jax.lax.fori_loop(0, _D // 64, step, (z, z, z, z))
        o_vmem[0, r, :] = (a0 + a1) + (a2 + a3)


def _sc_body(x_hbm, q_hbm, o_hbm):
    pltpu.emit_pipeline(
        _sc_block_body,
        grid=(_B, _TS // _SC_ROWS),
        in_specs=[
            pl.BlockSpec((1, _SC_ROWS, _D),
                         lambda b, t: (b, _T_TC // _SC_ROWS + t, 0)),
            pl.BlockSpec((1, _D), lambda b, t: (b, 0)),
        ],
        out_specs=[pl.BlockSpec((1, _SC_ROWS, 16), lambda b, t: (b, t, 0))],
        core_axis_name=("core", "subcore"),
        dimension_semantics=(pltpu.PARALLEL, pltpu.PARALLEL),
    )(x_hbm, q_hbm, o_hbm)


def _post_body(tc_ref, sc_ref, seg_ref, loss_ref, logits_ref, segs_ref,
               scores_ref):
    sc_logits = jnp.sum(sc_ref[...], axis=2)
    x = jnp.concatenate([tc_ref[...], sc_logits], axis=1)
    logits_ref[...] = x
    seg = jnp.round(seg_ref[...])
    tf = jax.lax.broadcasted_iota(jnp.int32, (_B, _T), 1).astype(jnp.float32)
    gt = ((tf >= seg[:, 0:1]) & (tf < seg[:, 1:2])).astype(jnp.float32)

    p = jax.nn.sigmoid(x)
    ce = jnp.maximum(x, 0.0) - x * gt + jnp.log1p(jnp.exp(-jnp.abs(x)))
    p_t = p * gt + (1.0 - p) * (1.0 - gt)
    foc = ce * (1.0 - p_t) ** 2
    a_t = 0.25 * gt + 0.75 * (1.0 - gt)
    loss_ref[...] = jnp.mean(a_t * foc).reshape(1, 1)

    ti = jax.lax.broadcasted_iota(jnp.int32, (_B, _T), 1)
    radius = int(_WIDTH / _STRIDE)
    scores = x
    ms, cs = [], []
    for _ in range(5):
        m = jnp.max(scores, axis=1, keepdims=True)
        i = jnp.min(jnp.where(scores == m, ti, _T), axis=1, keepdims=True)
        ms.append(m)
        cs.append(i.astype(jnp.float32) * _STRIDE)
        scores = jnp.where(jnp.abs(ti - i) < radius, -jnp.inf, scores)
    c = jnp.concatenate(cs, axis=1)
    scores_ref[...] = jnp.concatenate(ms, axis=1)
    lo = jnp.clip(c - _WIDTH / 2.0, 0.0, _T_SEC)
    hi = jnp.clip(c + _WIDTH / 2.0, 0.0, _T_SEC)
    segs_ref[...] = jnp.stack([lo, hi], axis=-1)


def kernel(z_ctx, m_ctx, z_q, gt_segment):
    del m_ctx

    q_rounded = _round_bf16(z_q)
    sc_kern = pl.kernel(
        _sc_body,
        out_type=jax.ShapeDtypeStruct((_B, _TS, 16), jnp.float32),
        mesh=plsc.VectorSubcoreMesh(core_axis_name="core",
                                    subcore_axis_name="subcore"),
        compiler_params=pltpu.CompilerParams(skip_device_barrier=True,
                                             has_side_effects=False),
    )
    logits_sc = sc_kern(z_ctx, q_rounded)

    logits_tc = pl.pallas_call(
        _tc_body,
        grid=(_T_TC // _TT,),
        in_specs=[
            pl.BlockSpec((_B, _TT, _D), lambda t: (0, t, 0)),
            pl.BlockSpec((_B, _D), lambda t: (0, 0)),
        ],
        out_specs=pl.BlockSpec((_B, _TT), lambda t: (0, t)),
        out_shape=jax.ShapeDtypeStruct((_B, _T_TC), jnp.float32),
        compiler_params=pltpu.CompilerParams(has_side_effects=False),
    )(z_ctx, z_q)

    loss, logits, segments, scores = pl.pallas_call(
        _post_body,
        out_shape=(
            jax.ShapeDtypeStruct((1, 1), jnp.float32),
            jax.ShapeDtypeStruct((_B, _T), jnp.float32),
            jax.ShapeDtypeStruct((_B, 5, 2), jnp.float32),
            jax.ShapeDtypeStruct((_B, 5), jnp.float32),
        ),
    )(logits_tc, logits_sc, gt_segment)

    return (loss[0, 0], logits, segments, scores)

# --- scband reference (transcript-rebuilt; emitter-appended) ---
"""Pipeline reference for scband-similarity-head-18519898980669 (READ-ONLY COPY).

The authoritative reference and input builder live on the scoring server;
editing this copy changes nothing except your own understanding.
"""

import jax, jax.numpy as jnp
import numpy as np

B = 4
T = 2048
D = 4096
STRIDE = 2.0
WIDTH = 30.0
T_SEC = T * STRIDE


def sigmoid_focal_loss(inputs, targets, alpha=0.25, gamma=2.0):
    p = jax.nn.sigmoid(inputs)
    # numerically stable BCE-with-logits
    ce = jnp.maximum(inputs, 0.0) - inputs * targets + jnp.log1p(jnp.exp(-jnp.abs(inputs)))
    p_t = p * targets + (1.0 - p) * (1.0 - targets)
    loss = ce * jnp.power(1.0 - p_t, gamma)
    alpha_t = alpha * targets + (1.0 - alpha) * (1.0 - targets)
    return jnp.mean(alpha_t * loss)


def nms_1d_centers(grid_secs, logit, width_sec, k=5):
    # greedy 1-D NMS: iteratively pick the highest-scoring center and
    # suppress all candidates within width_sec of it
    scores = logit
    idxs = []
    for _ in range(k):
        i = jnp.argmax(scores)
        idxs.append(i)
        scores = jnp.where(jnp.abs(grid_secs - grid_secs[i]) < width_sec, -jnp.inf, scores)
    return jnp.stack(idxs)


def setup_inputs(seed: int = 0) -> dict:
    key = jax.random.key(seed)
    k1, k2, k3 = jax.random.split(key, 3)
    z_ctx = jax.random.normal(k1, (B, T, D), dtype=jnp.float32)
    z_q = jax.random.normal(k2, (B, D), dtype=jnp.float32)
    m_ctx = jnp.ones((B, T), dtype=jnp.float32)
    gt_segment = jnp.sort(jax.random.randint(k3, (B, 2), 0, T), axis=1).astype(jnp.float32)
    return {"z_ctx": z_ctx, "m_ctx": m_ctx, "z_q": z_q, "gt_segment": gt_segment}


def reference(z_ctx, m_ctx, z_q, gt_segment):
    # logits[b, t] = <z_ctx[b, t], z_q[b]>
    logits = jnp.einsum('btd,bd->bt', z_ctx, z_q)

    # build ground-truth mask from rounded segment boundaries
    ar = jnp.arange(T, dtype=jnp.float32)[None, :]
    seg = jnp.round(gt_segment)
    gt_mask = ((ar >= seg[:, 0:1]) & (ar < seg[:, 1:2])).astype(jnp.float32)
    loss = sigmoid_focal_loss(logits, gt_mask)

    # deterministic NMS predictions (the torch code pads with random idxs;
    # here NMS always yields 5 picks so no random fallback is needed)
    grid_secs = STRIDE * jnp.arange(T, dtype=jnp.float32)
    logits_f = jax.lax.stop_gradient(logits).astype(jnp.float32)
    idxs = jax.vmap(lambda l: nms_1d_centers(grid_secs, l, WIDTH))(logits_f)
    centers = grid_secs[idxs]
    scores = jnp.take_along_axis(logits_f, idxs, axis=1)
    segments = jnp.stack([centers - WIDTH / 2.0, centers + WIDTH / 2.0], axis=-1)
    segments = jnp.clip(segments, 0.0, T_SEC)
    return (loss, logits, segments, scores)

if __name__ == "__main__":
    import jax
    _d = setup_inputs()
    print(jax.jit(kernel)(*tuple(_d.values())))

</pallas_src>

<mosaic_0001>
#map = affine_map<(d0, d1) -> (0, 0, 0)>
#map1 = affine_map<(d0, d1) -> (0, 0)>
module attributes {stable_mosaic.version = 14 : i64} {
  func.func @_sc_body(%arg0: i32, %arg1: i32, %arg2: memref<4x2048x4096xf32, #tpu.memory_space<hbm>>, %arg3: memref<4x4096xf32, #tpu.memory_space<hbm>>, %arg4: memref<4x256x16xf32, #tpu.memory_space<hbm>>) attributes {dimension_semantics = [#tpu.dimension_semantics<core_parallel>, #tpu.dimension_semantics<subcore_parallel>], iteration_bounds = array<i64: 2, 16>, scalar_prefetch = 0 : i64, scratch_operands = 0 : i64, tpu.core_type = #tpu.core_type<sc_vector_subcore>, window_params = [{transform_indices = #map}, {transform_indices = #map1}, {transform_indices = #map}]} {
    %mul3A = arith.constant 1 : i32
    %mul3A_0 = arith.muli %arg1, %mul3A : i32
    %add3A = arith.constant 0 : i32
    %add3A_1 = arith.addi %add3A, %mul3A_0 : i32
    %mul3A_2 = arith.constant 16 : i32
    %mul3A_3 = arith.muli %arg0, %mul3A_2 : i32
    %add3A_4 = arith.addi %add3A_1, %mul3A_3 : i32
    %mul3A_5 = arith.constant 1 : i32
    %mul3A_6 = arith.muli %add3A_4, %mul3A_5 : i32
    "tpu.region"() ({
      %run_scoped3A = memref.alloca() : memref<2x1x8x4096xf32, #tpu.memory_space<vmem>>
      %run_scoped3A_7 = tpu.sem_alloc : memref<2x!tpu.dma_semaphore, #tpu.memory_space<semaphore_mem>>
      %run_scoped3A_8 = memref.alloca() : memref<2x1x4096xf32, #tpu.memory_space<vmem>>
      %run_scoped3A_9 = tpu.sem_alloc : memref<2x!tpu.dma_semaphore, #tpu.memory_space<semaphore_mem>>
      %run_scoped3A_10 = memref.alloca() : memref<2x1x8x16xf32, #tpu.memory_space<vmem>>
      %run_scoped3A_11 = tpu.sem_alloc : memref<2x!tpu.dma_semaphore, #tpu.memory_space<semaphore_mem>>
      %add3A_12 = arith.constant 0 : i32
      %add3A_13 = arith.addi %add3A_12, %mul3A_6 : i32
      %select_n3A = arith.constant true
      %select_n3A_14 = arith.constant 0 : i32
      %select_n3A_15 = arith.constant -1 : i32
      %select_n3A_16 = arith.select %select_n3A, %select_n3A_15, %select_n3A_14 : i32
      %eq3A = arith.constant -1 : i32
      %eq3A_17 = arith.cmpi eq, %select_n3A_16, %eq3A : i32
      %select_n3A_18 = arith.constant 0 : i32
      %select_n3A_19 = arith.select %eq3A_17, %select_n3A_18, %select_n3A_16 : i32
      %select_n3A_20 = arith.constant 0 : i32
      %select_n3A_21 = arith.constant -1 : i32
      %select_n3A_22 = arith.select %eq3A_17, %select_n3A_21, %select_n3A_20 : i32
      %eq3A_23 = arith.constant -1 : i32
      %eq3A_24 = arith.cmpi eq, %select_n3A_22, %eq3A_23 : i32
      %select_n3A_25 = arith.constant 3 : i32
      %select_n3A_26 = arith.select %eq3A_24, %select_n3A_25, %select_n3A_22 : i32
      %add3A_27 = arith.constant 0 : i32
      %add3A_28 = arith.addi %select_n3A_26, %add3A_27 : i32
      %add3A_29 = arith.constant 0 : i32
      %add3A_30 = arith.addi %add3A_29, %mul3A_6 : i32
      %select_n3A_31 = arith.constant true
      %select_n3A_32 = arith.constant 0 : i32
      %select_n3A_33 = arith.constant 1 : i32
      %select_n3A_34 = arith.select %select_n3A_31, %select_n3A_33, %select_n3A_32 : i32
      %eq3A_35 = arith.constant 1 : i32
      %eq3A_36 = arith.cmpi eq, %select_n3A_34, %eq3A_35 : i32
      %select_n3A_37 = arith.constant 0 : i32
      %select_n3A_38 = arith.select %eq3A_36, %select_n3A_37, %select_n3A_34 : i32
      %select_n3A_39 = arith.constant 0 : i32
      %select_n3A_40 = arith.constant 1 : i32
      %select_n3A_41 = arith.select %eq3A_36, %select_n3A_40, %select_n3A_39 : i32
      %eq3A_42 = arith.constant 4 : i32
      %eq3A_43 = arith.cmpi eq, %select_n3A_41, %eq3A_42 : i32
      %select_n3A_44 = arith.constant 0 : i32
      %select_n3A_45 = arith.select %eq3A_43, %select_n3A_44, %select_n3A_41 : i32
      %add3A_46 = arith.constant 0 : i32
      %add3A_47 = arith.addi %select_n3A_45, %add3A_46 : i32
      %add3A_48 = arith.constant 0 : i32
      %add3A_49 = arith.addi %add3A_48, %mul3A_6 : i32
      %select_n3A_50 = arith.constant true
      %select_n3A_51 = arith.constant 0 : i32
      %select_n3A_52 = arith.constant 1 : i32
      %select_n3A_53 = arith.select %select_n3A_50, %select_n3A_52, %select_n3A_51 : i32
      %eq3A_54 = arith.constant 1 : i32
      %eq3A_55 = arith.cmpi eq, %select_n3A_53, %eq3A_54 : i32
      %select_n3A_56 = arith.constant 0 : i32
      %select_n3A_57 = arith.select %eq3A_55, %select_n3A_56, %select_n3A_53 : i32
      %add3A_58 = arith.constant 1 : i32
      %add3A_59 = arith.addi %select_n3A_45, %add3A_58 : i32
      %select_n3A_60 = arith.select %eq3A_55, %add3A_59, %select_n3A_45 : i32
      %eq3A_61 = arith.constant 4 : i32
      %eq3A_62 = arith.cmpi eq, %select_n3A_60, %eq3A_61 : i32
      %select_n3A_63 = arith.constant 0 : i32
      %select_n3A_64 = arith.select %eq3A_62, %select_n3A_63, %select_n3A_60 : i32
      %add3A_65 = arith.constant 0 : i32
      %add3A_66 = arith.addi %select_n3A_64, %add3A_65 : i32
      %add3A_67 = arith.constant 0 : i32
      %add3A_68 = arith.addi %add3A_67, %mul3A_6 : i32
      "tpu.trace_start"() <{level = 10 : i32, message = "ep_initialize_0"}> : () -> ()
      %rem3A = arith.constant 0 : i32
      %rem3A_69 = arith.constant 2 : i32
      %rem3A_70 = arith.remui %rem3A, %rem3A_69 : i32
      %add3A_71 = arith.constant 224 : i32
      %add3A_72 = arith.addi %add3A_71, %add3A_13 : i32
      %mul3A_73 = arith.constant 8 : i32
      %mul3A_74 = arith.muli %mul3A_73, %add3A_72 : i32
      %dma_start3A = arith.constant 0 : i32
      %dma_start3A_75 = arith.constant 0 : i32
      %dma_start3A_76 = arith.constant 0 : i32
      %dma_start3A_77 = tpu.memref_slice %run_scoped3A[%rem3A_70, %dma_start3A, %dma_start3A_75, %dma_start3A_76] : memref<2x1x8x4096xf32, #tpu.memory_space<vmem>> -> memref<1x1x8x4096xf32, #tpu.memory_space<vmem>>
      %dma_start3A_78 = tpu.memref_squeeze %dma_start3A_77 : memref<1x1x8x4096xf32, #tpu.memory_space<vmem>> -> memref<1x8x4096xf32, #tpu.memory_space<vmem>>
      %dma_start3A_79 = arith.constant 0 : i32
      %dma_start3A_80 = arith.constant 0 : i32
      %dma_start3A_81 = tpu.memref_slice %arg2[%dma_start3A_79, %mul3A_74, %dma_start3A_80] : memref<4x2048x4096xf32, #tpu.memory_space<hbm>> -> memref<1x8x4096xf32, #tpu.memory_space<hbm>>
      %dma_start3A_82 = tpu.memref_slice %run_scoped3A_7[%rem3A_70] : memref<2x!tpu.dma_semaphore, #tpu.memory_space<semaphore_mem>> -> memref<1x!tpu.dma_semaphore, #tpu.memory_space<semaphore_mem>>
      %dma_start3A_83 = tpu.memref_squeeze %dma_start3A_82 : memref<1x!tpu.dma_semaphore, #tpu.memory_space<semaphore_mem>> -> memref<!tpu.dma_semaphore, #tpu.memory_space<semaphore_mem>>
      %dma_start3A_84 = arith.constant 0 : i32
      %dma_start3A_85 = arith.constant 0 : i32
      %dma_start3A_86 = arith.constant 0 : i32
      %dma_start3A_87 = tpu.memref_slice %run_scoped3A[%rem3A_70, %dma_start3A_84, %dma_start3A_85, %dma_start3A_86] : memref<2x1x8x4096xf32, #tpu.memory_space<vmem>> -> memref<1x1x8x4096xf32, #tpu.memory_space<vmem>>
      %dma_start3A_88 = tpu.memref_squeeze %dma_start3A_87 : memref<1x1x8x4096xf32, #tpu.memory_space<vmem>> -> memref<1x8x4096xf32, #tpu.memory_space<vmem>>
      %dma_start3A_89 = arith.constant 0 : i32
      %dma_start3A_90 = arith.constant 0 : i32
      %dma_start3A_91 = tpu.memref_slice %arg2[%dma_start3A_89, %mul3A_74, %dma_start3A_90] : memref<4x2048x4096xf32, #tpu.memory_space<hbm>> -> memref<1x8x4096xf32, #tpu.memory_space<hbm>>
      tpu.enqueue_dma source(%dma_start3A_91 : memref<1x8x4096xf32, #tpu.memory_space<hbm>>) target(%dma_start3A_88 : memref<1x8x4096xf32, #tpu.memory_space<vmem>>) target_semaphore(%dma_start3A_83 : memref<!tpu.dma_semaphore, #tpu.memory_space<semaphore_mem>>)
      %add3A_92 = arith.constant 0 : i32
      %add3A_93 = arith.constant 1 : i32
      %add3A_94 = arith.addi %add3A_92, %add3A_93 : i32
      %select_n3A_95 = arith.constant true
      %select_n3A_96 = arith.constant 0 : i32
      %select_n3A_97 = arith.select %select_n3A_95, %add3A_94, %select_n3A_96 : i32
      %rem3A_98 = arith.constant 0 : i32
      %rem3A_99 = arith.constant 2 : i32
      %rem3A_100 = arith.remui %rem3A_98, %rem3A_99 : i32
      %dma_start3A_101 = arith.constant 0 : i32
      %dma_start3A_102 = arith.constant 0 : i32
      %dma_start3A_103 = tpu.memref_slice %run_scoped3A_8[%rem3A_100, %dma_start3A_101, %dma_start3A_102] : memref<2x1x4096xf32, #tpu.memory_space<vmem>> -> memref<1x1x4096xf32, #tpu.memory_space<vmem>>
      %dma_start3A_104 = tpu.memref_squeeze %dma_start3A_103 : memref<1x1x4096xf32, #tpu.memory_space<vmem>> -> memref<1x4096xf32, #tpu.memory_space<vmem>>
      %dma_start3A_105 = arith.constant 0 : i32
      %dma_start3A_106 = arith.constant 0 : i32
      %dma_start3A_107 = tpu.memref_slice %arg3[%dma_start3A_105, %dma_start3A_106] : memref<4x4096xf32, #tpu.memory_space<hbm>> -> memref<1x4096xf32, #tpu.memory_space<hbm>>
      %dma_start3A_108 = tpu.memref_slice %run_scoped3A_9[%rem3A_100] : memref<2x!tpu.dma_semaphore, #tpu.memory_space<semaphore_mem>> -> memref<1x!tpu.dma_semaphore, #tpu.memory_space<semaphore_mem>>
      %dma_start3A_109 = tpu.memref_squeeze %dma_start3A_108 : memref<1x!tpu.dma_semaphore, #tpu.memory_space<semaphore_mem>> -> memref<!tpu.dma_semaphore, #tpu.memory_space<semaphore_mem>>
      %dma_start3A_110 = arith.constant 0 : i32
      %dma_start3A_111 = arith.constant 0 : i32
      %dma_start3A_112 = tpu.memref_slice %run_scoped3A_8[%rem3A_100, %dma_start3A_110, %dma_start3A_111] : memref<2x1x4096xf32, #tpu.memory_space<vmem>> -> memref<1x1x4096xf32, #tpu.memory_space<vmem>>
      %dma_start3A_113 = tpu.memref_squeeze %dma_start3A_112 : memref<1x1x4096xf32, #tpu.memory_space<vmem>> -> memref<1x4096xf32, #tpu.memory_space<vmem>>
      %dma_start3A_114 = arith.constant 0 : i32
      %dma_start3A_115 = arith.constant 0 : i32
      %dma_start3A_116 = tpu.memref_slice %arg3[%dma_start3A_114, %dma_start3A_115] : memref<4x4096xf32, #tpu.memory_space<hbm>> -> memref<1x4096xf32, #tpu.memory_space<hbm>>
      tpu.enqueue_dma source(%dma_start3A_116 : memref<1x4096xf32, #tpu.memory_space<hbm>>) target(%dma_start3A_113 : memref<1x4096xf32, #tpu.memory_space<vmem>>) target_semaphore(%dma_start3A_109 : memref<!tpu.dma_semaphore, #tpu.memory_space<semaphore_mem>>)
      %add3A_117 = arith.constant 0 : i32
      %add3A_118 = arith.constant 1 : i32
      %add3A_119 = arith.addi %add3A_117, %add3A_118 : i32
      %select_n3A_120 = arith.constant true
      %select_n3A_121 = arith.constant 0 : i32
      %select_n3A_122 = arith.select %select_n3A_120, %add3A_119, %select_n3A_121 : i32
      "tpu.trace_stop"() : () -> ()
      %scan3A = arith.constant 0 : i32
      %scan3A_123 = arith.constant 0 : i32
      %scan3A_124 = arith.constant 0 : i32
      %scan3A_125 = arith.constant 0 : i32
      %scan3A_126 = arith.constant 0 : i32
      %scan3A_127 = arith.constant 0 : i32
      %scan3A_128 = arith.constant 0 : i32
      %scan3A_129 = arith.constant 4 : i32
      %scan3A_130 = arith.addi %scan3A_128, %scan3A_129 : i32
      %scan3A_131 = arith.constant 1 : i32
      %scan3A_132:8 = scf.for %scan3A_230 = %scan3A_128 to %scan3A_130 step %scan3A_131 iter_args(%scan3A_231 = %select_n3A_97, %scan3A_232 = %scan3A, %scan3A_233 = %select_n3A_122, %scan3A_234 = %scan3A_123, %scan3A_235 = %scan3A_124, %scan3A_236 = %scan3A_125, %scan3A_237 = %scan3A_126, %scan3A_238 = %scan3A_127) -> (i32, i32, i32, i32, i32, i32, i32, i32)  : i32 {
        %eq3A_239 = arith.constant 0 : i32
        %eq3A_240 = arith.cmpi eq, %scan3A_230, %eq3A_239 : i32
        %eq3A_241 = arith.constant 3 : i32
        %eq3A_242 = arith.cmpi eq, %scan3A_230, %eq3A_241 : i32
        %add3A_243 = arith.constant 0 : i32
        %add3A_244 = arith.addi %scan3A_237, %add3A_243 : i32
        %add3A_245 = arith.constant 0 : i32
        %add3A_246 = arith.addi %add3A_245, %mul3A_6 : i32
        %select_n3A_247 = arith.constant true
        %select_n3A_248 = arith.constant 0 : i32
        %select_n3A_249 = arith.constant -1 : i32
        %select_n3A_250 = arith.select %select_n3A_247, %select_n3A_249, %select_n3A_248 : i32
        %eq3A_251 = arith.constant -1 : i32
        %eq3A_252 = arith.cmpi eq, %select_n3A_250, %eq3A_251 : i32
        %select_n3A_253 = arith.constant 0 : i32
        %select_n3A_254 = arith.select %eq3A_252, %select_n3A_253, %select_n3A_250 : i32
        %sub3A_255 = arith.constant 1 : i32
        %sub3A_256 = arith.subi %scan3A_237, %sub3A_255 : i32
        %select_n3A_257 = arith.select %eq3A_252, %sub3A_256, %scan3A_237 : i32
        %eq3A_258 = arith.constant -1 : i32
        %eq3A_259 = arith.cmpi eq, %select_n3A_257, %eq3A_258 : i32
        %select_n3A_260 = arith.constant 3 : i32
        %select_n3A_261 = arith.select %eq3A_259, %select_n3A_260, %select_n3A_257 : i32
        %add3A_262 = arith.constant 0 : i32
        %add3A_263 = arith.addi %select_n3A_261, %add3A_262 : i32
        %add3A_264 = arith.constant 0 : i32
        %add3A_265 = arith.addi %add3A_264, %mul3A_6 : i32
        %select_n3A_266 = arith.constant true
        %select_n3A_267 = arith.constant 0 : i32
        %select_n3A_268 = arith.constant 1 : i32
        %select_n3A_269 = arith.select %select_n3A_266, %select_n3A_268, %select_n3A_267 : i32
        %eq3A_270 = arith.constant 1 : i32
        %eq3A_271 = arith.cmpi eq, %select_n3A_269, %eq3A_270 : i32
        %select_n3A_272 = arith.constant 0 : i32
        %select_n3A_273 = arith.select %eq3A_271, %select_n3A_272, %select_n3A_269 : i32
        %add3A_274 = arith.constant 1 : i32
        %add3A_275 = arith.addi %scan3A_237, %add3A_274 : i32
        %select_n3A_276 = arith.select %eq3A_271, %add3A_275, %scan3A_237 : i32
        %eq3A_277 = arith.constant 4 : i32
        %eq3A_278 = arith.cmpi eq, %select_n3A_276, %eq3A_277 : i32
        %select_n3A_279 = arith.constant 0 : i32
        %select_n3A_280 = arith.select %eq3A_278, %select_n3A_279, %select_n3A_276 : i32
        %add3A_281 = arith.constant 0 : i32
        %add3A_282 = arith.addi %select_n3A_280, %add3A_281 : i32
        %add3A_283 = arith.constant 0 : i32
        %add3A_284 = arith.addi %add3A_283, %mul3A_6 : i32
        %select_n3A_285 = arith.constant true
        %select_n3A_286 = arith.constant 0 : i32
        %select_n3A_287 = arith.constant 1 : i32
        %select_n3A_288 = arith.select %select_n3A_285, %select_n3A_287, %select_n3A_286 : i32
        %eq3A_289 = arith.constant 1 : i32
        %eq3A_290 = arith.cmpi eq, %select_n3A_288, %eq3A_289 : i32
        %select_n3A_291 = arith.constant 0 : i32
        %select_n3A_292 = arith.select %eq3A_290, %select_n3A_291, %select_n3A_288 : i32
        %add3A_293 = arith.constant 1 : i32
        %add3A_294 = arith.addi %select_n3A_280, %add3A_293 : i32
        %select_n3A_295 = arith.select %eq3A_290, %add3A_294, %select_n3A_280 : i32
        %eq3A_296 = arith.constant 4 : i32
        %eq3A_297 = arith.cmpi eq, %select_n3A_295, %eq3A_296 : i32
        %select_n3A_298 = arith.constant 0 : i32
        %select_n3A_299 = arith.select %eq3A_297, %select_n3A_298, %select_n3A_295 : i32
        %add3A_300 = arith.constant 0 : i32
        %add3A_301 = arith.addi %select_n3A_299, %add3A_300 : i32
        %add3A_302 = arith.constant 0 : i32
        %add3A_303 = arith.addi %add3A_302, %mul3A_6 : i32
        %add3A_304 = arith.constant 224 : i32
        %add3A_305 = arith.addi %add3A_304, %add3A_246 : i32
        %add3A_306 = arith.constant 224 : i32
        %add3A_307 = arith.addi %add3A_306, %add3A_284 : i32
        %ne3A = arith.cmpi ne, %add3A_244, %add3A_282 : i32
        %ne3A_308 = arith.cmpi ne, %add3A_305, %add3A_307 : i32
        %or3A = arith.constant false
        %or3A_309 = arith.ori %or3A, %ne3A : i1
        %or3A_310 = arith.ori %or3A_309, %ne3A_308 : i1
        %or3A_311 = arith.constant false
        %or3A_312 = arith.ori %or3A_310, %or3A_311 : i1
        %ge3A = arith.constant 3 : i32
        %ge3A_313 = arith.cmpi sge, %scan3A_230, %ge3A : i32
        %not3A = arith.constant true
        %not3A_314 = arith.xori %ge3A_313, %not3A : i1
        %and3A = arith.andi %or3A_312, %not3A_314 : i1
        %convert_element_type3A = arith.extui %and3A : i1 to i32
        %cond3A = arith.constant 0 : i32
        %cond3A_315 = arith.cmpi ne, %convert_element_type3A, %cond3A : i32
        scf.if %cond3A_315 {
          "tpu.trace_start"() <{level = 10 : i32, message = "ep_copy_in"}> : () -> ()
          %rem3A_716 = arith.constant 2 : i32
          %rem3A_717 = arith.remui %scan3A_231, %rem3A_716 : i32
          %add3A_718 = arith.constant 224 : i32
          %add3A_719 = arith.addi %add3A_718, %add3A_284 : i32
          %mul3A_720 = arith.constant 1 : i32
          %mul3A_721 = arith.muli %mul3A_720, %add3A_282 : i32
          %mul3A_722 = arith.constant 8 : i32
          %mul3A_723 = arith.muli %mul3A_722, %add3A_719 : i32
          %dma_start3A_724 = arith.constant 0 : i32
          %dma_start3A_725 = arith.constant 0 : i32
          %dma_start3A_726 = arith.constant 0 : i32
          %dma_start3A_727 = tpu.memref_slice %run_scoped3A[%rem3A_717, %dma_start3A_724, %dma_start3A_725, %dma_start3A_726] : memref<2x1x8x4096xf32, #tpu.memory_space<vmem>> -> memref<1x1x8x4096xf32, #tpu.memory_space<vmem>>
          %dma_start3A_728 = tpu.memref_squeeze %dma_start3A_727 : memref<1x1x8x4096xf32, #tpu.memory_space<vmem>> -> memref<1x8x4096xf32, #tpu.memory_space<vmem>>
          %dma_start3A_729 = arith.constant 0 : i32
          %dma_start3A_730 = tpu.memref_slice %arg2[%mul3A_721, %mul3A_723, %dma_start3A_729] : memref<4x2048x4096xf32, #tpu.memory_space<hbm>> -> memref<1x8x4096xf32, #tpu.memory_space<hbm>>
          %dma_start3A_731 = tpu.memref_slice %run_scoped3A_7[%rem3A_717] : memref<2x!tpu.dma_semaphore, #tpu.memory_space<semaphore_mem>> -> memref<1x!tpu.dma_semaphore, #tpu.memory_space<semaphore_mem>>
          %dma_start3A_732 = tpu.memref_squeeze %dma_start3A_731 : memref<1x!tpu.dma_semaphore, #tpu.memory_space<semaphore_mem>> -> memref<!tpu.dma_semaphore, #tpu.memory_space<semaphore_mem>>
          %dma_start3A_733 = arith.constant 0 : i32
          %dma_start3A_734 = arith.constant 0 : i32
          %dma_start3A_735 = arith.constant 0 : i32
          %dma_start3A_736 = tpu.memref_slice %run_scoped3A[%rem3A_717, %dma_start3A_733, %dma_start3A_734, %dma_start3A_735] : memref<2x1x8x4096xf32, #tpu.memory_space<vmem>> -> memref<1x1x8x4096xf32, #tpu.memory_space<vmem>>
          %dma_start3A_737 = tpu.memref_squeeze %dma_start3A_736 : memref<1x1x8x4096xf32, #tpu.memory_space<vmem>> -> memref<1x8x4096xf32, #tpu.memory_space<vmem>>
          %dma_start3A_738 = arith.constant 0 : i32
          %dma_start3A_739 = tpu.memref_slice %arg2[%mul3A_721, %mul3A_723, %dma_start3A_738] : memref<4x2048x4096xf32, #tpu.memory_space<hbm>> -> memref<1x8x4096xf32, #tpu.memory_space<hbm>>
          tpu.enqueue_dma source(%dma_start3A_739 : memref<1x8x4096xf32, #tpu.memory_space<hbm>>) target(%dma_start3A_737 : memref<1x8x4096xf32, #tpu.memory_space<vmem>>) target_semaphore(%dma_start3A_732 : memref<!tpu.dma_semaphore, #tpu.memory_space<semaphore_mem>>)
          "tpu.trace_stop"() : () -> ()
        } else {
        }
        %and3A_316 = arith.constant true
        %and3A_317 = arith.andi %and3A, %and3A_316 : i1
        %add3A_318 = arith.constant 1 : i32
        %add3A_319 = arith.addi %scan3A_231, %add3A_318 : i32
        %select_n3A_320 = arith.select %and3A_317, %add3A_319, %scan3A_231 : i32
        %ne3A_321 = arith.cmpi ne, %add3A_244, %add3A_282 : i32
        %or3A_322 = arith.constant false
        %or3A_323 = arith.ori %or3A_322, %ne3A_321 : i1
        %or3A_324 = arith.constant false
        %or3A_325 = arith.ori %or3A_323, %or3A_324 : i1
        %ge3A_326 = arith.constant 3 : i32
        %ge3A_327 = arith.cmpi sge, %scan3A_230, %ge3A_326 : i32
        %not3A_328 = arith.constant true
        %not3A_329 = arith.xori %ge3A_327, %not3A_328 : i1
        %and3A_330 = arith.andi %or3A_325, %not3A_329 : i1
        %convert_element_type3A_331 = arith.extui %and3A_330 : i1 to i32
        %cond3A_332 = arith.constant 0 : i32
        %cond3A_333 = arith.cmpi ne, %convert_element_type3A_331, %cond3A_332 : i32
        scf.if %cond3A_333 {
          "tpu.trace_start"() <{level = 10 : i32, message = "ep_copy_in"}> : () -> ()
          %rem3A_716 = arith.constant 2 : i32
          %rem3A_717 = arith.remui %scan3A_233, %rem3A_716 : i32
          %mul3A_718 = arith.constant 1 : i32
          %mul3A_719 = arith.muli %mul3A_718, %add3A_282 : i32
          %dma_start3A_720 = arith.constant 0 : i32
          %dma_start3A_721 = arith.constant 0 : i32
          %dma_start3A_722 = tpu.memref_slice %run_scoped3A_8[%rem3A_717, %dma_start3A_720, %dma_start3A_721] : memref<2x1x4096xf32, #tpu.memory_space<vmem>> -> memref<1x1x4096xf32, #tpu.memory_space<vmem>>
          %dma_start3A_723 = tpu.memref_squeeze %dma_start3A_722 : memref<1x1x4096xf32, #tpu.memory_space<vmem>> -> memref<1x4096xf32, #tpu.memory_space<vmem>>
          %dma_start3A_724 = arith.constant 0 : i32
          %dma_start3A_725 = tpu.memref_slice %arg3[%mul3A_719, %dma_start3A_724] : memref<4x4096xf32, #tpu.memory_space<hbm>> -> memref<1x4096xf32, #tpu.memory_space<hbm>>
          %dma_start3A_726 = tpu.memref_slice %run_scoped3A_9[%rem3A_717] : memref<2x!tpu.dma_semaphore, #tpu.memory_space<semaphore_mem>> -> memref<1x!tpu.dma_semaphore, #tpu.memory_space<semaphore_mem>>
          %dma_start3A_727 = tpu.memref_squeeze %dma_start3A_726 : memref<1x!tpu.dma_semaphore, #tpu.memory_space<semaphore_mem>> -> memref<!tpu.dma_semaphore, #tpu.memory_space<semaphore_mem>>
          %dma_start3A_728 = arith.constant 0 : i32
          %dma_start3A_729 = arith.constant 0 : i32
          %dma_start3A_730 = tpu.memref_slice %run_scoped3A_8[%rem3A_717, %dma_start3A_728, %dma_start3A_729] : memref<2x1x4096xf32, #tpu.memory_space<vmem>> -> memref<1x1x4096xf32, #tpu.memory_space<vmem>>
          %dma_start3A_731 = tpu.memref_squeeze %dma_start3A_730 : memref<1x1x4096xf32, #tpu.memory_space<vmem>> -> memref<1x4096xf32, #tpu.memory_space<vmem>>
          %dma_start3A_732 = arith.constant 0 : i32
          %dma_start3A_733 = tpu.memref_slice %arg3[%mul3A_719, %dma_start3A_732] : memref<4x4096xf32, #tpu.memory_space<hbm>> -> memref<1x4096xf32, #tpu.memory_space<hbm>>
          tpu.enqueue_dma source(%dma_start3A_733 : memref<1x4096xf32, #tpu.memory_space<hbm>>) target(%dma_start3A_731 : memref<1x4096xf32, #tpu.memory_space<vmem>>) target_semaphore(%dma_start3A_727 : memref<!tpu.dma_semaphore, #tpu.memory_space<semaphore_mem>>)
          "tpu.trace_stop"() : () -> ()
        } else {
        }
        %and3A_334 = arith.constant true
        %and3A_335 = arith.andi %and3A_330, %and3A_334 : i1
        %add3A_336 = arith.constant 1 : i32
        %add3A_337 = arith.addi %scan3A_233, %add3A_336 : i32
        %select_n3A_338 = arith.select %and3A_335, %add3A_337, %scan3A_233 : i32
        %ne3A_339 = arith.cmpi ne, %add3A_244, %add3A_282 : i32
        %ne3A_340 = arith.cmpi ne, %add3A_246, %add3A_284 : i32
        %or3A_341 = arith.constant false
        %or3A_342 = arith.ori %or3A_341, %ne3A_339 : i1
        %or3A_343 = arith.ori %or3A_342, %ne3A_340 : i1
        %or3A_344 = arith.constant false
        %or3A_345 = arith.ori %or3A_343, %or3A_344 : i1
        %ge3A_346 = arith.constant 3 : i32
        %ge3A_347 = arith.cmpi sge, %scan3A_230, %ge3A_346 : i32
        %not3A_348 = arith.constant true
        %not3A_349 = arith.xori %ge3A_347, %not3A_348 : i1
        %and3A_350 = arith.andi %or3A_345, %not3A_349 : i1
        %add3A_351 = arith.constant 224 : i32
        %add3A_352 = arith.addi %add3A_351, %add3A_246 : i32
        %add3A_353 = arith.constant 224 : i32
        %add3A_354 = arith.addi %add3A_353, %add3A_265 : i32
        %ne3A_355 = arith.cmpi ne, %add3A_244, %add3A_263 : i32
        %ne3A_356 = arith.cmpi ne, %add3A_352, %add3A_354 : i32
        %or3A_357 = arith.constant false
        %or3A_358 = arith.ori %or3A_357, %ne3A_355 : i1
        %or3A_359 = arith.ori %or3A_358, %ne3A_356 : i1
        %or3A_360 = arith.constant false
        %or3A_361 = arith.ori %or3A_359, %or3A_360 : i1
        %or3A_362 = arith.ori %or3A_361, %eq3A_240 : i1
        %convert_element_type3A_363 = arith.extui %or3A_362 : i1 to i32
        %cond3A_364 = arith.constant 0 : i32
        %cond3A_365 = arith.cmpi ne, %convert_element_type3A_363, %cond3A_364 : i32
        scf.if %cond3A_365 {
          "tpu.trace_start"() <{level = 10 : i32, message = "ep_wait_in"}> : () -> ()
          %add3A_716 = arith.constant 224 : i32
          %add3A_717 = arith.addi %add3A_716, %add3A_246 : i32
          %mul3A_718 = arith.constant 1 : i32
          %mul3A_719 = arith.muli %mul3A_718, %add3A_244 : i32
          %mul3A_720 = arith.constant 8 : i32
          %mul3A_721 = arith.muli %mul3A_720, %add3A_717 : i32
          %rem3A_722 = arith.constant 2 : i32
          %rem3A_723 = arith.remui %scan3A_232, %rem3A_722 : i32
          %dma_wait3A_724 = arith.constant 0 : i32
          %dma_wait3A_725 = arith.constant 0 : i32
          %dma_wait3A_726 = arith.constant 0 : i32
          %dma_wait3A_727 = tpu.memref_slice %run_scoped3A[%rem3A_723, %dma_wait3A_724, %dma_wait3A_725, %dma_wait3A_726] : memref<2x1x8x4096xf32, #tpu.memory_space<vmem>> -> memref<1x1x8x4096xf32, #tpu.memory_space<vmem>>
          %dma_wait3A_728 = tpu.memref_squeeze %dma_wait3A_727 : memref<1x1x8x4096xf32, #tpu.memory_space<vmem>> -> memref<1x8x4096xf32, #tpu.memory_space<vmem>>
          %dma_wait3A_729 = arith.constant 0 : i32
          %dma_wait3A_730 = tpu.memref_slice %arg2[%mul3A_719, %mul3A_721, %dma_wait3A_729] : memref<4x2048x4096xf32, #tpu.memory_space<hbm>> -> memref<1x8x4096xf32, #tpu.memory_space<hbm>>
          %dma_wait3A_731 = tpu.memref_slice %run_scoped3A_7[%rem3A_723] : memref<2x!tpu.dma_semaphore, #tpu.memory_space<semaphore_mem>> -> memref<1x!tpu.dma_semaphore, #tpu.memory_space<semaphore_mem>>
          %dma_wait3A_732 = tpu.memref_squeeze %dma_wait3A_731 : memref<1x!tpu.dma_semaphore, #tpu.memory_space<semaphore_mem>> -> memref<!tpu.dma_semaphore, #tpu.memory_space<semaphore_mem>>
          %dma_wait3A_733 = arith.constant 0 : i32
          %dma_wait3A_734 = arith.constant 0 : i32
          %dma_wait3A_735 = arith.constant 0 : i32
          %dma_wait3A_736 = tpu.memref_slice %run_scoped3A[%rem3A_723, %dma_wait3A_733, %dma_wait3A_734, %dma_wait3A_735] : memref<2x1x8x4096xf32, #tpu.memory_space<vmem>> -> memref<1x1x8x4096xf32, #tpu.memory_space<vmem>>
          %dma_wait3A_737 = tpu.memref_squeeze %dma_wait3A_736 : memref<1x1x8x4096xf32, #tpu.memory_space<vmem>> -> memref<1x8x4096xf32, #tpu.memory_space<vmem>>
          %dma_wait3A_738 = arith.constant 0 : i32
          %dma_wait3A_739 = tpu.memref_slice %arg2[%mul3A_719, %mul3A_721, %dma_wait3A_738] : memref<4x2048x4096xf32, #tpu.memory_space<hbm>> -> memref<1x8x4096xf32, #tpu.memory_space<hbm>>
          tpu.wait_dma2 semaphore(%dma_wait3A_732 : memref<!tpu.dma_semaphore, #tpu.memory_space<semaphore_mem>>) src(%dma_wait3A_739 : memref<1x8x4096xf32, #tpu.memory_space<hbm>>) dst(%dma_wait3A_737 : memref<1x8x4096xf32, #tpu.memory_space<vmem>>)
          "tpu.trace_stop"() : () -> ()
        } else {
        }
        %ne3A_366 = arith.cmpi ne, %add3A_244, %add3A_263 : i32
        %or3A_367 = arith.constant false
        %or3A_368 = arith.ori %or3A_367, %ne3A_366 : i1
        %or3A_369 = arith.constant false
        %or3A_370 = arith.ori %or3A_368, %or3A_369 : i1
        %or3A_371 = arith.ori %or3A_370, %eq3A_240 : i1
        %convert_element_type3A_372 = arith.extui %or3A_371 : i1 to i32
        %cond3A_373 = arith.constant 0 : i32
        %cond3A_374 = arith.cmpi ne, %convert_element_type3A_372, %cond3A_373 : i32
        scf.if %cond3A_374 {
          "tpu.trace_start"() <{level = 10 : i32, message = "ep_wait_in"}> : () -> ()
          %mul3A_716 = arith.constant 1 : i32
          %mul3A_717 = arith.muli %mul3A_716, %add3A_244 : i32
          %rem3A_718 = arith.constant 2 : i32
          %rem3A_719 = arith.remui %scan3A_234, %rem3A_718 : i32
          %dma_wait3A_720 = arith.constant 0 : i32
          %dma_wait3A_721 = arith.constant 0 : i32
          %dma_wait3A_722 = tpu.memref_slice %run_scoped3A_8[%rem3A_719, %dma_wait3A_720, %dma_wait3A_721] : memref<2x1x4096xf32, #tpu.memory_space<vmem>> -> memref<1x1x4096xf32, #tpu.memory_space<vmem>>
          %dma_wait3A_723 = tpu.memref_squeeze %dma_wait3A_722 : memref<1x1x4096xf32, #tpu.memory_space<vmem>> -> memref<1x4096xf32, #tpu.memory_space<vmem>>
          %dma_wait3A_724 = arith.constant 0 : i32
          %dma_wait3A_725 = tpu.memref_slice %arg3[%mul3A_717, %dma_wait3A_724] : memref<4x4096xf32, #tpu.memory_space<hbm>> -> memref<1x4096xf32, #tpu.memory_space<hbm>>
          %dma_wait3A_726 = tpu.memref_slice %run_scoped3A_9[%rem3A_719] : memref<2x!tpu.dma_semaphore, #tpu.memory_space<semaphore_mem>> -> memref<1x!tpu.dma_semaphore, #tpu.memory_space<semaphore_mem>>
          %dma_wait3A_727 = tpu.memref_squeeze %dma_wait3A_726 : memref<1x!tpu.dma_semaphore, #tpu.memory_space<semaphore_mem>> -> memref<!tpu.dma_semaphore, #tpu.memory_space<semaphore_mem>>
          %dma_wait3A_728 = arith.constant 0 : i32
          %dma_wait3A_729 = arith.constant 0 : i32
          %dma_wait3A_730 = tpu.memref_slice %run_scoped3A_8[%rem3A_719, %dma_wait3A_728, %dma_wait3A_729] : memref<2x1x4096xf32, #tpu.memory_space<vmem>> -> memref<1x1x4096xf32, #tpu.memory_space<vmem>>
          %dma_wait3A_731 = tpu.memref_squeeze %dma_wait3A_730 : memref<1x1x4096xf32, #tpu.memory_space<vmem>> -> memref<1x4096xf32, #tpu.memory_space<vmem>>
          %dma_wait3A_732 = arith.constant 0 : i32
          %dma_wait3A_733 = tpu.memref_slice %arg3[%mul3A_717, %dma_wait3A_732] : memref<4x4096xf32, #tpu.memory_space<hbm>> -> memref<1x4096xf32, #tpu.memory_space<hbm>>
          tpu.wait_dma2 semaphore(%dma_wait3A_727 : memref<!tpu.dma_semaphore, #tpu.memory_space<semaphore_mem>>) src(%dma_wait3A_733 : memref<1x4096xf32, #tpu.memory_space<hbm>>) dst(%dma_wait3A_731 : memref<1x4096xf32, #tpu.memory_space<vmem>>)
          "tpu.trace_stop"() : () -> ()
        } else {
        }
        %ne3A_375 = arith.cmpi ne, %add3A_244, %add3A_263 : i32
        %ne3A_376 = arith.cmpi ne, %add3A_246, %add3A_265 : i32
        %or3A_377 = arith.constant false
        %or3A_378 = arith.ori %or3A_377, %ne3A_375 : i1
        %or3A_379 = arith.ori %or3A_378, %ne3A_376 : i1
        %or3A_380 = arith.constant false
        %or3A_381 = arith.ori %or3A_379, %or3A_380 : i1
        %or3A_382 = arith.ori %or3A_381, %eq3A_240 : i1
        %convert_element_type3A_383 = arith.extui %or3A_382 : i1 to i32
        %cond3A_384 = arith.constant 0 : i32
        %cond3A_385 = arith.cmpi ne, %convert_element_type3A_383, %cond3A_384 : i32
        scf.if %cond3A_385 {
        } else {
        }
        %rem3A_386 = arith.constant 2 : i32
        %rem3A_387 = arith.remui %scan3A_232, %rem3A_386 : i32
        %rem3A_388 = arith.constant 2 : i32
        %rem3A_389 = arith.remui %scan3A_234, %rem3A_388 : i32
        %rem3A_390 = arith.constant 2 : i32
        %rem3A_391 = arith.remui %scan3A_235, %rem3A_390 : i32
        %broadcast_in_dim3A = arith.constant 0.000000e+00 : f32
        "tpu.trace_start"() <{level = 10 : i32, message = "ep_run_kernel"}> : () -> ()
        %broadcast_in_dim3A_392 = vector.broadcast %broadcast_in_dim3A : f32 to vector<16xf32>
        %scan3A_393 = arith.constant 0 : i32
        %scan3A_394 = arith.constant 64 : i32
        %scan3A_395 = arith.addi %scan3A_393, %scan3A_394 : i32
        %scan3A_396 = arith.constant 1 : i32
        %scan3A_397:4 = scf.for %scan3A_716 = %scan3A_393 to %scan3A_395 step %scan3A_396 iter_args(%scan3A_717 = %broadcast_in_dim3A_392, %scan3A_718 = %broadcast_in_dim3A_392, %scan3A_719 = %broadcast_in_dim3A_392, %scan3A_720 = %broadcast_in_dim3A_392) -> (vector<16xf32>, vector<16xf32>, vector<16xf32>, vector<16xf32>)  : i32 {
          %mul3A_721 = arith.constant 64 : i32
          %mul3A_722 = arith.muli %scan3A_716, %mul3A_721 : i32
          %add3A_723 = arith.constant 0 : i32
          %add3A_724 = arith.addi %mul3A_722, %add3A_723 : i32
          %get3A = arith.constant 0 : i32
          %get3A_725 = arith.constant 0 : i32
          %get3A_726 = arith.constant 0 : i32
          %get3A_727 = arith.constant 0 : i32
          %get3A_728 = arith.constant 0 : i32
          %get3A_729 = tpu.memref_slice %run_scoped3A[%rem3A_387, %get3A_726, %get3A_727, %get3A_728] : memref<2x1x8x4096xf32, #tpu.memory_space<vmem>> -> memref<1x1x8x4096xf32, #tpu.memory_space<vmem>>
          %get3A_730 = tpu.memref_squeeze %get3A_729 : memref<1x1x8x4096xf32, #tpu.memory_space<vmem>> -> memref<1x8x4096xf32, #tpu.memory_space<vmem>>
          %get3A_731 = arith.index_cast %get3A : i32 to index
          %get3A_732 = arith.index_cast %get3A_725 : i32 to index
          %get3A_733 = arith.index_cast %add3A_724 : i32 to index
          %get3A_734 = tpu.vector_load %get3A_730[%get3A_731, %get3A_732, %get3A_733] {strides = array<i32>} : memref<1x8x4096xf32, #tpu.memory_space<vmem>>, vector<1x1x16xf32>,
          %get3A_735 = vector.shape_cast %get3A_734 : vector<1x1x16xf32> to vector<16xf32>
          %bitcast_convert_type3A = tpu.bitcast %get3A_735 : vector<16xf32> -> vector<16xi32>
          %shift_right_logical3A = arith.constant 16 : i32
          %shift_right_logical3A_736 = vector.broadcast %shift_right_logical3A : i32 to vector<16xi32>
          %shift_right_logical3A_737 = arith.shrui %bitcast_convert_type3A, %shift_right_logical3A_736 : vector<16xi32>
          %and3A_738 = arith.constant 1 : i32
          %and3A_739 = vector.broadcast %and3A_738 : i32 to vector<16xi32>
          %and3A_740 = arith.andi %shift_right_logical3A_737, %and3A_739 : vector<16xi32>
          %add3A_741 = arith.constant 32767 : i32
          %add3A_742 = vector.broadcast %add3A_741 : i32 to vector<16xi32>
          %add3A_743 = arith.addi %add3A_742, %and3A_740 : vector<16xi32>
          %add3A_744 = arith.addi %bitcast_convert_type3A, %add3A_743 : vector<16xi32>
          %and3A_745 = arith.constant -65536 : i32
          %and3A_746 = vector.broadcast %and3A_745 : i32 to vector<16xi32>
          %and3A_747 = arith.andi %add3A_744, %and3A_746 : vector<16xi32>
          %bitcast_convert_type3A_748 = tpu.bitcast %and3A_747 : vector<16xi32> -> vector<16xf32>
          %get3A_749 = arith.constant 0 : i32
          %get3A_750 = arith.constant 0 : i32
          %get3A_751 = arith.constant 0 : i32
          %get3A_752 = tpu.memref_slice %run_scoped3A_8[%rem3A_389, %get3A_750, %get3A_751] : memref<2x1x4096xf32, #tpu.memory_space<vmem>> -> memref<1x1x4096xf32, #tpu.memory_space<vmem>>
          %get3A_753 = tpu.memref_squeeze %get3A_752 : memref<1x1x4096xf32, #tpu.memory_space<vmem>> -> memref<1x4096xf32, #tpu.memory_space<vmem>>
          %get3A_754 = arith.index_cast %get3A_749 : i32 to index
          %get3A_755 = arith.index_cast %add3A_724 : i32 to index
          %get3A_756 = tpu.vector_load %get3A_753[%get3A_754, %get3A_755] {strides = array<i32>} : memref<1x4096xf32, #tpu.memory_space<vmem>>, vector<1x16xf32>,
          %get3A_757 = vector.shape_cast %get3A_756 : vector<1x16xf32> to vector<16xf32>
          %mul3A_758 = arith.mulf %bitcast_convert_type3A_748, %get3A_757 : vector<16xf32>
          %add3A_759 = arith.addf %scan3A_717, %mul3A_758 : vector<16xf32>
          %mul3A_760 = arith.constant 64 : i32
          %mul3A_761 = arith.muli %scan3A_716, %mul3A_760 : i32
          %add3A_762 = arith.constant 16 : i32
          %add3A_763 = arith.addi %mul3A_761, %add3A_762 : i32
          %get3A_764 = arith.constant 0 : i32
          %get3A_765 = arith.constant 0 : i32
          %get3A_766 = arith.constant 0 : i32
          %get3A_767 = arith.constant 0 : i32
          %get3A_768 = arith.constant 0 : i32
          %get3A_769 = tpu.memref_slice %run_scoped3A[%rem3A_387, %get3A_766, %get3A_767, %get3A_768] : memref<2x1x8x4096xf32, #tpu.memory_space<vmem>> -> memref<1x1x8x4096xf32, #tpu.memory_space<vmem>>
          %get3A_770 = tpu.memref_squeeze %get3A_769 : memref<1x1x8x4096xf32, #tpu.memory_space<vmem>> -> memref<1x8x4096xf32, #tpu.memory_space<vmem>>
          %get3A_771 = arith.index_cast %get3A_764 : i32 to index
          %get3A_772 = arith.index_cast %get3A_765 : i32 to index
          %get3A_773 = arith.index_cast %add3A_763 : i32 to index
          %get3A_774 = tpu.vector_load %get3A_770[%get3A_771, %get3A_772, %get3A_773] {strides = array<i32>} : memref<1x8x4096xf32, #tpu.memory_space<vmem>>, vector<1x1x16xf32>,
          %get3A_775 = vector.shape_cast %get3A_774 : vector<1x1x16xf32> to vector<16xf32>
          %bitcast_convert_type3A_776 = tpu.bitcast %get3A_775 : vector<16xf32> -> vector<16xi32>
          %shift_right_logical3A_777 = arith.constant 16 : i32
          %shift_right_logical3A_778 = vector.broadcast %shift_right_logical3A_777 : i32 to vector<16xi32>
          %shift_right_logical3A_779 = arith.shrui %bitcast_convert_type3A_776, %shift_right_logical3A_778 : vector<16xi32>
          %and3A_780 = arith.constant 1 : i32
          %and3A_781 = vector.broadcast %and3A_780 : i32 to vector<16xi32>
          %and3A_782 = arith.andi %shift_right_logical3A_779, %and3A_781 : vector<16xi32>
          %add3A_783 = arith.constant 32767 : i32
          %add3A_784 = vector.broadcast %add3A_783 : i32 to vector<16xi32>
          %add3A_785 = arith.addi %add3A_784, %and3A_782 : vector<16xi32>
          %add3A_786 = arith.addi %bitcast_convert_type3A_776, %add3A_785 : vector<16xi32>
          %and3A_787 = arith.constant -65536 : i32
          %and3A_788 = vector.broadcast %and3A_787 : i32 to vector<16xi32>
          %and3A_789 = arith.andi %add3A_786, %and3A_788 : vector<16xi32>
          %bitcast_convert_type3A_790 = tpu.bitcast %and3A_789 : vector<16xi32> -> vector<16xf32>
          %get3A_791 = arith.constant 0 : i32
          %get3A_792 = arith.constant 0 : i32
          %get3A_793 = arith.constant 0 : i32
          %get3A_794 = tpu.memref_slice %run_scoped3A_8[%rem3A_389, %get3A_792, %get3A_793] : memref<2x1x4096xf32, #tpu.memory_space<vmem>> -> memref<1x1x4096xf32, #tpu.memory_space<vmem>>
          %get3A_795 = tpu.memref_squeeze %get3A_794 : memref<1x1x4096xf32, #tpu.memory_space<vmem>> -> memref<1x4096xf32, #tpu.memory_space<vmem>>
          %get3A_796 = arith.index_cast %get3A_791 : i32 to index
          %get3A_797 = arith.index_cast %add3A_763 : i32 to index
          %get3A_798 = tpu.vector_load %get3A_795[%get3A_796, %get3A_797] {strides = array<i32>} : memref<1x4096xf32, #tpu.memory_space<vmem>>, vector<1x16xf32>,
          %get3A_799 = vector.shape_cast %get3A_798 : vector<1x16xf32> to vector<16xf32>
          %mul3A_800 = arith.mulf %bitcast_convert_type3A_790, %get3A_799 : vector<16xf32>
          %add3A_801 = arith.addf %scan3A_718, %mul3A_800 : vector<16xf32>
          %mul3A_802 = arith.constant 64 : i32
          %mul3A_803 = arith.muli %scan3A_716, %mul3A_802 : i32
          %add3A_804 = arith.constant 32 : i32
          %add3A_805 = arith.addi %mul3A_803, %add3A_804 : i32
          %get3A_806 = arith.constant 0 : i32
          %get3A_807 = arith.constant 0 : i32
          %get3A_808 = arith.constant 0 : i32
          %get3A_809 = arith.constant 0 : i32
          %get3A_810 = arith.constant 0 : i32
          %get3A_811 = tpu.memref_slice %run_scoped3A[%rem3A_387, %get3A_808, %get3A_809, %get3A_810] : memref<2x1x8x4096xf32, #tpu.memory_space<vmem>> -> memref<1x1x8x4096xf32, #tpu.memory_space<vmem>>
          %get3A_812 = tpu.memref_squeeze %get3A_811 : memref<1x1x8x4096xf32, #tpu.memory_space<vmem>> -> memref<1x8x4096xf32, #tpu.memory_space<vmem>>
          %get3A_813 = arith.index_cast %get3A_806 : i32 to index
          %get3A_814 = arith.index_cast %get3A_807 : i32 to index
          %get3A_815 = arith.index_cast %add3A_805 : i32 to index
          %get3A_816 = tpu.vector_load %get3A_812[%get3A_813, %get3A_814, %get3A_815] {strides = array<i32>} : memref<1x8x4096xf32, #tpu.memory_space<vmem>>, vector<1x1x16xf32>,
          %get3A_817 = vector.shape_cast %get3A_816 : vector<1x1x16xf32> to vector<16xf32>
          %bitcast_convert_type3A_818 = tpu.bitcast %get3A_817 : vector<16xf32> -> vector<16xi32>
          %shift_right_logical3A_819 = arith.constant 16 : i32
          %shift_right_logical3A_820 = vector.broadcast %shift_right_logical3A_819 : i32 to vector<16xi32>
          %shift_right_logical3A_821 = arith.shrui %bitcast_convert_type3A_818, %shift_right_logical3A_820 : vector<16xi32>
          %and3A_822 = arith.constant 1 : i32
          %and3A_823 = vector.broadcast %and3A_822 : i32 to vector<16xi32>
          %and3A_824 = arith.andi %shift_right_logical3A_821, %and3A_823 : vector<16xi32>
          %add3A_825 = arith.constant 32767 : i32
          %add3A_826 = vector.broadcast %add3A_825 : i32 to vector<16xi32>
          %add3A_827 = arith.addi %add3A_826, %and3A_824 : vector<16xi32>
          %add3A_828 = arith.addi %bitcast_convert_type3A_818, %add3A_827 : vector<16xi32>
          %and3A_829 = arith.constant -65536 : i32
          %and3A_830 = vector.broadcast %and3A_829 : i32 to vector<16xi32>
          %and3A_831 = arith.andi %add3A_828, %and3A_830 : vector<16xi32>
          %bitcast_convert_type3A_832 = tpu.bitcast %and3A_831 : vector<16xi32> -> vector<16xf32>
          %get3A_833 = arith.constant 0 : i32
          %get3A_834 = arith.constant 0 : i32
          %get3A_835 = arith.constant 0 : i32
          %get3A_836 = tpu.memref_slice %run_scoped3A_8[%rem3A_389, %get3A_834, %get3A_835] : memref<2x1x4096xf32, #tpu.memory_space<vmem>> -> memref<1x1x4096xf32, #tpu.memory_space<vmem>>
          %get3A_837 = tpu.memref_squeeze %get3A_836 : memref<1x1x4096xf32, #tpu.memory_space<vmem>> -> memref<1x4096xf32, #tpu.memory_space<vmem>>
          %get3A_838 = arith.index_cast %get3A_833 : i32 to index
          %get3A_839 = arith.index_cast %add3A_805 : i32 to index
          %get3A_840 = tpu.vector_load %get3A_837[%get3A_838, %get3A_839] {strides = array<i32>} : memref<1x4096xf32, #tpu.memory_space<vmem>>, vector<1x16xf32>,
          %get3A_841 = vector.shape_cast %get3A_840 : vector<1x16xf32> to vector<16xf32>
          %mul3A_842 = arith.mulf %bitcast_convert_type3A_832, %get3A_841 : vector<16xf32>
          %add3A_843 = arith.addf %scan3A_719, %mul3A_842 : vector<16xf32>
          %mul3A_844 = arith.constant 64 : i32
          %mul3A_845 = arith.muli %scan3A_716, %mul3A_844 : i32
          %add3A_846 = arith.constant 48 : i32
          %add3A_847 = arith.addi %mul3A_845, %add3A_846 : i32
          %get3A_848 = arith.constant 0 : i32
          %get3A_849 = arith.constant 0 : i32
          %get3A_850 = arith.constant 0 : i32
          %get3A_851 = arith.constant 0 : i32
          %get3A_852 = arith.constant 0 : i32
          %get3A_853 = tpu.memref_slice %run_scoped3A[%rem3A_387, %get3A_850, %get3A_851, %get3A_852] : memref<2x1x8x4096xf32, #tpu.memory_space<vmem>> -> memref<1x1x8x4096xf32, #tpu.memory_space<vmem>>
          %get3A_854 = tpu.memref_squeeze %get3A_853 : memref<1x1x8x4096xf32, #tpu.memory_space<vmem>> -> memref<1x8x4096xf32, #tpu.memory_space<vmem>>
          %get3A_855 = arith.index_cast %get3A_848 : i32 to index
          %get3A_856 = arith.index_cast %get3A_849 : i32 to index
          %get3A_857 = arith.index_cast %add3A_847 : i32 to index
          %get3A_858 = tpu.vector_load %get3A_854[%get3A_855, %get3A_856, %get3A_857] {strides = array<i32>} : memref<1x8x4096xf32, #tpu.memory_space<vmem>>, vector<1x1x16xf32>,
          %get3A_859 = vector.shape_cast %get3A_858 : vector<1x1x16xf32> to vector<16xf32>
          %bitcast_convert_type3A_860 = tpu.bitcast %get3A_859 : vector<16xf32> -> vector<16xi32>
          %shift_right_logical3A_861 = arith.constant 16 : i32
          %shift_right_logical3A_862 = vector.broadcast %shift_right_logical3A_861 : i32 to vector<16xi32>
          %shift_right_logical3A_863 = arith.shrui %bitcast_convert_type3A_860, %shift_right_logical3A_862 : vector<16xi32>
          %and3A_864 = arith.constant 1 : i32
          %and3A_865 = vector.broadcast %and3A_864 : i32 to vector<16xi32>
          %and3A_866 = arith.andi %shift_right_logical3A_863, %and3A_865 : vector<16xi32>
          %add3A_867 = arith.constant 32767 : i32
          %add3A_868 = vector.broadcast %add3A_867 : i32 to vector<16xi32>
          %add3A_869 = arith.addi %add3A_868, %and3A_866 : vector<16xi32>
          %add3A_870 = arith.addi %bitcast_convert_type3A_860, %add3A_869 : vector<16xi32>
          %and3A_871 = arith.constant -65536 : i32
          %and3A_872 = vector.broadcast %and3A_871 : i32 to vector<16xi32>
          %and3A_873 = arith.andi %add3A_870, %and3A_872 : vector<16xi32>
          %bitcast_convert_type3A_874 = tpu.bitcast %and3A_873 : vector<16xi32> -> vector<16xf32>
          %get3A_875 = arith.constant 0 : i32
          %get3A_876 = arith.constant 0 : i32
          %get3A_877 = arith.constant 0 : i32
          %get3A_878 = tpu.memref_slice %run_scoped3A_8[%rem3A_389, %get3A_876, %get3A_877] : memref<2x1x4096xf32, #tpu.memory_space<vmem>> -> memref<1x1x4096xf32, #tpu.memory_space<vmem>>
          %get3A_879 = tpu.memref_squeeze %get3A_878 : memref<1x1x4096xf32, #tpu.memory_space<vmem>> -> memref<1x4096xf32, #tpu.memory_space<vmem>>
          %get3A_880 = arith.index_cast %get3A_875 : i32 to index
          %get3A_881 = arith.index_cast %add3A_847 : i32 to index
          %get3A_882 = tpu.vector_load %get3A_879[%get3A_880, %get3A_881] {strides = array<i32>} : memref<1x4096xf32, #tpu.memory_space<vmem>>, vector<1x16xf32>,
          %get3A_883 = vector.shape_cast %get3A_882 : vector<1x16xf32> to vector<16xf32>
          %mul3A_884 = arith.mulf %bitcast_convert_type3A_874, %get3A_883 : vector<16xf32>
          %add3A_885 = arith.addf %scan3A_720, %mul3A_884 : vector<16xf32>
          scf.yield %add3A_759, %add3A_801, %add3A_843, %add3A_885 : vector<16xf32>, vector<16xf32>, vector<16xf32>, vector<16xf32>
        }
        %scan3A_398 = arith.constant 64 : i32
        %add3A_399 = arith.addf %scan3A_397#0, %scan3A_397#1 : vector<16xf32>
        %add3A_400 = arith.addf %scan3A_397#2, %scan3A_397#3 : vector<16xf32>
        %add3A_401 = arith.addf %add3A_399, %add3A_400 : vector<16xf32>
        %swap3A = arith.constant 0 : i32
        %swap3A_402 = arith.constant 0 : i32
        %swap3A_403 = arith.constant 0 : i32
        %swap3A_404 = arith.constant 0 : i32
        %swap3A_405 = arith.constant 0 : i32
        %swap3A_406 = tpu.memref_slice %run_scoped3A_10[%rem3A_391, %swap3A_403, %swap3A_404, %swap3A_405] : memref<2x1x8x16xf32, #tpu.memory_space<vmem>> -> memref<1x1x8x16xf32, #tpu.memory_space<vmem>>
        %swap3A_407 = tpu.memref_squeeze %swap3A_406 : memref<1x1x8x16xf32, #tpu.memory_space<vmem>> -> memref<1x8x16xf32, #tpu.memory_space<vmem>>
        %swap3A_408 = arith.index_cast %swap3A : i32 to index
        %swap3A_409 = arith.index_cast %swap3A_402 : i32 to index
        %swap3A_410 = arith.constant 0 : index
        %swap3A_411 = tpu.vector_load %swap3A_407[%swap3A_408, %swap3A_409, %swap3A_410] {strides = array<i32>} : memref<1x8x16xf32, #tpu.memory_space<vmem>>, vector<1x1x16xf32>,
        %swap3A_412 = vector.shape_cast %swap3A_411 : vector<1x1x16xf32> to vector<16xf32>
        %swap3A_413 = vector.shape_cast %add3A_401 : vector<16xf32> to vector<1x1x16xf32>
        tpu.vector_store %swap3A_407[%swap3A_408, %swap3A_409, %swap3A_410], %swap3A_413 {strides = array<i32>} : memref<1x8x16xf32, #tpu.memory_space<vmem>>, vector<1x1x16xf32>,
        %broadcast_in_dim3A_414 = arith.constant 0.000000e+00 : f32
        %broadcast_in_dim3A_415 = vector.broadcast %broadcast_in_dim3A_414 : f32 to vector<16xf32>
        %scan3A_416 = arith.constant 0 : i32
        %scan3A_417 = arith.constant 64 : i32
        %scan3A_418 = arith.addi %scan3A_416, %scan3A_417 : i32
        %scan3A_419 = arith.constant 1 : i32
        %scan3A_420:4 = scf.for %scan3A_716 = %scan3A_416 to %scan3A_418 step %scan3A_419 iter_args(%scan3A_717 = %broadcast_in_dim3A_415, %scan3A_718 = %broadcast_in_dim3A_415, %scan3A_719 = %broadcast_in_dim3A_415, %scan3A_720 = %broadcast_in_dim3A_415) -> (vector<16xf32>, vector<16xf32>, vector<16xf32>, vector<16xf32>)  : i32 {
          %mul3A_721 = arith.constant 64 : i32
          %mul3A_722 = arith.muli %scan3A_716, %mul3A_721 : i32
          %add3A_723 = arith.constant 0 : i32
          %add3A_724 = arith.addi %mul3A_722, %add3A_723 : i32
          %get3A = arith.constant 0 : i32
          %get3A_725 = arith.constant 1 : i32
          %get3A_726 = arith.constant 0 : i32
          %get3A_727 = arith.constant 0 : i32
          %get3A_728 = arith.constant 0 : i32
          %get3A_729 = tpu.memref_slice %run_scoped3A[%rem3A_387, %get3A_726, %get3A_727, %get3A_728] : memref<2x1x8x4096xf32, #tpu.memory_space<vmem>> -> memref<1x1x8x4096xf32, #tpu.memory_space<vmem>>
          %get3A_730 = tpu.memref_squeeze %get3A_729 : memref<1x1x8x4096xf32, #tpu.memory_space<vmem>> -> memref<1x8x4096xf32, #tpu.memory_space<vmem>>
          %get3A_731 = arith.index_cast %get3A : i32 to index
          %get3A_732 = arith.index_cast %get3A_725 : i32 to index
          %get3A_733 = arith.index_cast %add3A_724 : i32 to index
          %get3A_734 = tpu.vector_load %get3A_730[%get3A_731, %get3A_732, %get3A_733] {strides = array<i32>} : memref<1x8x4096xf32, #tpu.memory_space<vmem>>, vector<1x1x16xf32>,
          %get3A_735 = vector.shape_cast %get3A_734 : vector<1x1x16xf32> to vector<16xf32>
          %bitcast_convert_type3A = tpu.bitcast %get3A_735 : vector<16xf32> -> vector<16xi32>
          %shift_right_logical3A = arith.constant 16 : i32
          %shift_right_logical3A_736 = vector.broadcast %shift_right_logical3A : i32 to vector<16xi32>
          %shift_right_logical3A_737 = arith.shrui %bitcast_convert_type3A, %shift_right_logical3A_736 : vector<16xi32>
          %and3A_738 = arith.constant 1 : i32
          %and3A_739 = vector.broadcast %and3A_738 : i32 to vector<16xi32>
          %and3A_740 = arith.andi %shift_right_logical3A_737, %and3A_739 : vector<16xi32>
          %add3A_741 = arith.constant 32767 : i32
          %add3A_742 = vector.broadcast %add3A_741 : i32 to vector<16xi32>
          %add3A_743 = arith.addi %add3A_742, %and3A_740 : vector<16xi32>
          %add3A_744 = arith.addi %bitcast_convert_type3A, %add3A_743 : vector<16xi32>
          %and3A_745 = arith.constant -65536 : i32
          %and3A_746 = vector.broadcast %and3A_745 : i32 to vector<16xi32>
          %and3A_747 = arith.andi %add3A_744, %and3A_746 : vector<16xi32>
          %bitcast_convert_type3A_748 = tpu.bitcast %and3A_747 : vector<16xi32> -> vector<16xf32>
          %get3A_749 = arith.constant 0 : i32
          %get3A_750 = arith.constant 0 : i32
          %get3A_751 = arith.constant 0 : i32
          %get3A_752 = tpu.memref_slice %run_scoped3A_8[%rem3A_389, %get3A_750, %get3A_751] : memref<2x1x4096xf32, #tpu.memory_space<vmem>> -> memref<1x1x4096xf32, #tpu.memory_space<vmem>>
          %get3A_753 = tpu.memref_squeeze %get3A_752 : memref<1x1x4096xf32, #tpu.memory_space<vmem>> -> memref<1x4096xf32, #tpu.memory_space<vmem>>
          %get3A_754 = arith.index_cast %get3A_749 : i32 to index
          %get3A_755 = arith.index_cast %add3A_724 : i32 to index
          %get3A_756 = tpu.vector_load %get3A_753[%get3A_754, %get3A_755] {strides = array<i32>} : memref<1x4096xf32, #tpu.memory_space<vmem>>, vector<1x16xf32>,
          %get3A_757 = vector.shape_cast %get3A_756 : vector<1x16xf32> to vector<16xf32>
          %mul3A_758 = arith.mulf %bitcast_convert_type3A_748, %get3A_757 : vector<16xf32>
          %add3A_759 = arith.addf %scan3A_717, %mul3A_758 : vector<16xf32>
          %mul3A_760 = arith.constant 64 : i32
          %mul3A_761 = arith.muli %scan3A_716, %mul3A_760 : i32
          %add3A_762 = arith.constant 16 : i32
          %add3A_763 = arith.addi %mul3A_761, %add3A_762 : i32
          %get3A_764 = arith.constant 0 : i32
          %get3A_765 = arith.constant 1 : i32
          %get3A_766 = arith.constant 0 : i32
          %get3A_767 = arith.constant 0 : i32
          %get3A_768 = arith.constant 0 : i32
          %get3A_769 = tpu.memref_slice %run_scoped3A[%rem3A_387, %get3A_766, %get3A_767, %get3A_768] : memref<2x1x8x4096xf32, #tpu.memory_space<vmem>> -> memref<1x1x8x4096xf32, #tpu.memory_space<vmem>>
          %get3A_770 = tpu.memref_squeeze %get3A_769 : memref<1x1x8x4096xf32, #tpu.memory_space<vmem>> -> memref<1x8x4096xf32, #tpu.memory_space<vmem>>
          %get3A_771 = arith.index_cast %get3A_764 : i32 to index
          %get3A_772 = arith.index_cast %get3A_765 : i32 to index
          %get3A_773 = arith.index_cast %add3A_763 : i32 to index
          %get3A_774 = tpu.vector_load %get3A_770[%get3A_771, %get3A_772, %get3A_773] {strides = array<i32>} : memref<1x8x4096xf32, #tpu.memory_space<vmem>>, vector<1x1x16xf32>,
          %get3A_775 = vector.shape_cast %get3A_774 : vector<1x1x16xf32> to vector<16xf32>
          %bitcast_convert_type3A_776 = tpu.bitcast %get3A_775 : vector<16xf32> -> vector<16xi32>
          %shift_right_logical3A_777 = arith.constant 16 : i32
          %shift_right_logical3A_778 = vector.broadcast %shift_right_logical3A_777 : i32 to vector<16xi32>
          %shift_right_logical3A_779 = arith.shrui %bitcast_convert_type3A_776, %shift_right_logical3A_778 : vector<16xi32>
          %and3A_780 = arith.constant 1 : i32
          %and3A_781 = vector.broadcast %and3A_780 : i32 to vector<16xi32>
          %and3A_782 = arith.andi %shift_right_logical3A_779, %and3A_781 : vector<16xi32>
          %add3A_783 = arith.constant 32767 : i32
          %add3A_784 = vector.broadcast %add3A_783 : i32 to vector<16xi32>
          %add3A_785 = arith.addi %add3A_784, %and3A_782 : vector<16xi32>
          %add3A_786 = arith.addi %bitcast_convert_type3A_776, %add3A_785 : vector<16xi32>
          %and3A_787 = arith.constant -65536 : i32
          %and3A_788 = vector.broadcast %and3A_787 : i32 to vector<16xi32>
          %and3A_789 = arith.andi %add3A_786, %and3A_788 : vector<16xi32>
          %bitcast_convert_type3A_790 = tpu.bitcast %and3A_789 : vector<16xi32> -> vector<16xf32>
          %get3A_791 = arith.constant 0 : i32
          %get3A_792 = arith.constant 0 : i32
          %get3A_793 = arith.constant 0 : i32
          %get3A_794 = tpu.memref_slice %run_scoped3A_8[%rem3A_389, %get3A_792, %get3A_793] : memref<2x1x4096xf32, #tpu.memory_space<vmem>> -> memref<1x1x4096xf32, #tpu.memory_space<vmem>>
          %get3A_795 = tpu.memref_squeeze %get3A_794 : memref<1x1x4096xf32, #tpu.memory_space<vmem>> -> memref<1x4096xf32, #tpu.memory_space<vmem>>
          %get3A_796 = arith.index_cast %get3A_791 : i32 to index
          %get3A_797 = arith.index_cast %add3A_763 : i32 to index
          %get3A_798 = tpu.vector_load %get3A_795[%get3A_796, %get3A_797] {strides = array<i32>} : memref<1x4096xf32, #tpu.memory_space<vmem>>, vector<1x16xf32>,
          %get3A_799 = vector.shape_cast %get3A_798 : vector<1x16xf32> to vector<16xf32>
          %mul3A_800 = arith.mulf %bitcast_convert_type3A_790, %get3A_799 : vector<16xf32>
          %add3A_801 = arith.addf %scan3A_718, %mul3A_800 : vector<16xf32>
          %mul3A_802 = arith.constant 64 : i32
          %mul3A_803 = arith.muli %scan3A_716, %mul3A_802 : i32
          %add3A_804 = arith.constant 32 : i32
          %add3A_805 = arith.addi %mul3A_803, %add3A_804 : i32
          %get3A_806 = arith.constant 0 : i32
          %get3A_807 = arith.constant 1 : i32
          %get3A_808 = arith.constant 0 : i32
          %get3A_809 = arith.constant 0 : i32
          %get3A_810 = arith.constant 0 : i32
          %get3A_811 = tpu.memref_slice %run_scoped3A[%rem3A_387, %get3A_808, %get3A_809, %get3A_810] : memref<2x1x8x4096xf32, #tpu.memory_space<vmem>> -> memref<1x1x8x4096xf32, #tpu.memory_space<vmem>>
          %get3A_812 = tpu.memref_squeeze %get3A_811 : memref<1x1x8x4096xf32, #tpu.memory_space<vmem>> -> memref<1x8x4096xf32, #tpu.memory_space<vmem>>
          %get3A_813 = arith.index_cast %get3A_806 : i32 to index
          %get3A_814 = arith.index_cast %get3A_807 : i32 to index
          %get3A_815 = arith.index_cast %add3A_805 : i32 to index
          %get3A_816 = tpu.vector_load %get3A_812[%get3A_813, %get3A_814, %get3A_815] {strides = array<i32>} : memref<1x8x4096xf32, #tpu.memory_space<vmem>>, vector<1x1x16xf32>,
          %get3A_817 = vector.shape_cast %get3A_816 : vector<1x1x16xf32> to vector<16xf32>
          %bitcast_convert_type3A_818 = tpu.bitcast %get3A_817 : vector<16xf32> -> vector<16xi32>
          %shift_right_logical3A_819 = arith.constant 16 : i32
          %shift_right_logical3A_820 = vector.broadcast %shift_right_logical3A_819 : i32 to vector<16xi32>
          %shift_right_logical3A_821 = arith.shrui %bitcast_convert_type3A_818, %shift_right_logical3A_820 : vector<16xi32>
          %and3A_822 = arith.constant 1 : i32
          %and3A_823 = vector.broadcast %and3A_822 : i32 to vector<16xi32>
          %and3A_824 = arith.andi %shift_right_logical3A_821, %and3A_823 : vector<16xi32>
          %add3A_825 = arith.constant 32767 : i32
          %add3A_826 = vector.broadcast %add3A_825 : i32 to vector<16xi32>
          %add3A_827 = arith.addi %add3A_826, %and3A_824 : vector<16xi32>
          %add3A_828 = arith.addi %bitcast_convert_type3A_818, %add3A_827 : vector<16xi32>
          %and3A_829 = arith.constant -65536 : i32
          %and3A_830 = vector.broadcast %and3A_829 : i32 to vector<16xi32>
          %and3A_831 = arith.andi %add3A_828, %and3A_830 : vector<16xi32>
          %bitcast_convert_type3A_832 = tpu.bitcast %and3A_831 : vector<16xi32> -> vector<16xf32>
          %get3A_833 = arith.constant 0 : i32
          %get3A_834 = arith.constant 0 : i32
          %get3A_835 = arith.constant 0 : i32
          %get3A_836 = tpu.memref_slice %run_scoped3A_8[%rem3A_389, %get3A_834, %get3A_835] : memref<2x1x4096xf32, #tpu.memory_space<vmem>> -> memref<1x1x4096xf32, #tpu.memory_space<vmem>>
          %get3A_837 = tpu.memref_squeeze %get3A_836 : memref<1x1x4096xf32, #tpu.memory_space<vmem>> -> memref<1x4096xf32, #tpu.memory_space<vmem>>
          %get3A_838 = arith.index_cast %get3A_833 : i32 to index
          %get3A_839 = arith.index_cast %add3A_805 : i32 to index
          %get3A_840 = tpu.vector_load %get3A_837[%get3A_838, %get3A_839] {strides = array<i32>} : memref<1x4096xf32, #tpu.memory_space<vmem>>, vector<1x16xf32>,
          %get3A_841 = vector.shape_cast %get3A_840 : vector<1x16xf32> to vector<16xf32>
          %mul3A_842 = arith.mulf %bitcast_convert_type3A_832, %get3A_841 : vector<16xf32>
          %add3A_843 = arith.addf %scan3A_719, %mul3A_842 : vector<16xf32>
          %mul3A_844 = arith.constant 64 : i32
          %mul3A_845 = arith.muli %scan3A_716, %mul3A_844 : i32
          %add3A_846 = arith.constant 48 : i32
          %add3A_847 = arith.addi %mul3A_845, %add3A_846 : i32
          %get3A_848 = arith.constant 0 : i32
          %get3A_849 = arith.constant 1 : i32
          %get3A_850 = arith.constant 0 : i32
          %get3A_851 = arith.constant 0 : i32
          %get3A_852 = arith.constant 0 : i32
          %get3A_853 = tpu.memref_slice %run_scoped3A[%rem3A_387, %get3A_850, %get3A_851, %get3A_852] : memref<2x1x8x4096xf32, #tpu.memory_space<vmem>> -> memref<1x1x8x4096xf32, #tpu.memory_space<vmem>>
          %get3A_854 = tpu.memref_squeeze %get3A_853 : memref<1x1x8x4096xf32, #tpu.memory_space<vmem>> -> memref<1x8x4096xf32, #tpu.memory_space<vmem>>
          %get3A_855 = arith.index_cast %get3A_848 : i32 to index
          %get3A_856 = arith.index_cast %get3A_849 : i32 to index
          %get3A_857 = arith.index_cast %add3A_847 : i32 to index
          %get3A_858 = tpu.vector_load %get3A_854[%get3A_855, %get3A_856, %get3A_857] {strides = array<i32>} : memref<1x8x4096xf32, #tpu.memory_space<vmem>>, vector<1x1x16xf32>,
          %get3A_859 = vector.shape_cast %get3A_858 : vector<1x1x16xf32> to vector<16xf32>
          %bitcast_convert_type3A_860 = tpu.bitcast %get3A_859 : vector<16xf32> -> vector<16xi32>
          %shift_right_logical3A_861 = arith.constant 16 : i32
          %shift_right_logical3A_862 = vector.broadcast %shift_right_logical3A_861 : i32 to vector<16xi32>
          %shift_right_logical3A_863 = arith.shrui %bitcast_convert_type3A_860, %shift_right_logical3A_862 : vector<16xi32>
          %and3A_864 = arith.constant 1 : i32
          %and3A_865 = vector.broadcast %and3A_864 : i32 to vector<16xi32>
          %and3A_866 = arith.andi %shift_right_logical3A_863, %and3A_865 : vector<16xi32>
          %add3A_867 = arith.constant 32767 : i32
          %add3A_868 = vector.broadcast %add3A_867 : i32 to vector<16xi32>
          %add3A_869 = arith.addi %add3A_868, %and3A_866 : vector<16xi32>
          %add3A_870 = arith.addi %bitcast_convert_type3A_860, %add3A_869 : vector<16xi32>
          %and3A_871 = arith.constant -65536 : i32
          %and3A_872 = vector.broadcast %and3A_871 : i32 to vector<16xi32>
          %and3A_873 = arith.andi %add3A_870, %and3A_872 : vector<16xi32>
          %bitcast_convert_type3A_874 = tpu.bitcast %and3A_873 : vector<16xi32> -> vector<16xf32>
          %get3A_875 = arith.constant 0 : i32
          %get3A_876 = arith.constant 0 : i32
          %get3A_877 = arith.constant 0 : i32
          %get3A_878 = tpu.memref_slice %run_scoped3A_8[%rem3A_389, %get3A_876, %get3A_877] : memref<2x1x4096xf32, #tpu.memory_space<vmem>> -> memref<1x1x4096xf32, #tpu.memory_space<vmem>>
          %get3A_879 = tpu.memref_squeeze %get3A_878 : memref<1x1x4096xf32, #tpu.memory_space<vmem>> -> memref<1x4096xf32, #tpu.memory_space<vmem>>
          %get3A_880 = arith.index_cast %get3A_875 : i32 to index
          %get3A_881 = arith.index_cast %add3A_847 : i32 to index
          %get3A_882 = tpu.vector_load %get3A_879[%get3A_880, %get3A_881] {strides = array<i32>} : memref<1x4096xf32, #tpu.memory_space<vmem>>, vector<1x16xf32>,
          %get3A_883 = vector.shape_cast %get3A_882 : vector<1x16xf32> to vector<16xf32>
          %mul3A_884 = arith.mulf %bitcast_convert_type3A_874, %get3A_883 : vector<16xf32>
          %add3A_885 = arith.addf %scan3A_720, %mul3A_884 : vector<16xf32>
          scf.yield %add3A_759, %add3A_801, %add3A_843, %add3A_885 : vector<16xf32>, vector<16xf32>, vector<16xf32>, vector<16xf32>
        }
        %scan3A_421 = arith.constant 64 : i32
        %add3A_422 = arith.addf %scan3A_420#0, %scan3A_420#1 : vector<16xf32>
        %add3A_423 = arith.addf %scan3A_420#2, %scan3A_420#3 : vector<16xf32>
        %add3A_424 = arith.addf %add3A_422, %add3A_423 : vector<16xf32>
        %swap3A_425 = arith.constant 0 : i32
        %swap3A_426 = arith.constant 1 : i32
        %swap3A_427 = arith.constant 0 : i32
        %swap3A_428 = arith.constant 0 : i32
        %swap3A_429 = arith.constant 0 : i32
        %swap3A_430 = tpu.memref_slice %run_scoped3A_10[%rem3A_391, %swap3A_427, %swap3A_428, %swap3A_429] : memref<2x1x8x16xf32, #tpu.memory_space<vmem>> -> memref<1x1x8x16xf32, #tpu.memory_space<vmem>>
        %swap3A_431 = tpu.memref_squeeze %swap3A_430 : memref<1x1x8x16xf32, #tpu.memory_space<vmem>> -> memref<1x8x16xf32, #tpu.memory_space<vmem>>
        %swap3A_432 = arith.index_cast %swap3A_425 : i32 to index
        %swap3A_433 = arith.index_cast %swap3A_426 : i32 to index
        %swap3A_434 = arith.constant 0 : index
        %swap3A_435 = tpu.vector_load %swap3A_431[%swap3A_432, %swap3A_433, %swap3A_434] {strides = array<i32>} : memref<1x8x16xf32, #tpu.memory_space<vmem>>, vector<1x1x16xf32>,
        %swap3A_436 = vector.shape_cast %swap3A_435 : vector<1x1x16xf32> to vector<16xf32>
        %swap3A_437 = vector.shape_cast %add3A_424 : vector<16xf32> to vector<1x1x16xf32>
        tpu.vector_store %swap3A_431[%swap3A_432, %swap3A_433, %swap3A_434], %swap3A_437 {strides = array<i32>} : memref<1x8x16xf32, #tpu.memory_space<vmem>>, vector<1x1x16xf32>,
        %broadcast_in_dim3A_438 = arith.constant 0.000000e+00 : f32
        %broadcast_in_dim3A_439 = vector.broadcast %broadcast_in_dim3A_438 : f32 to vector<16xf32>
        %scan3A_440 = arith.constant 0 : i32
        %scan3A_441 = arith.constant 64 : i32
        %scan3A_442 = arith.addi %scan3A_440, %scan3A_441 : i32
        %scan3A_443 = arith.constant 1 : i32
        %scan3A_444:4 = scf.for %scan3A_716 = %scan3A_440 to %scan3A_442 step %scan3A_443 iter_args(%scan3A_717 = %broadcast_in_dim3A_439, %scan3A_718 = %broadcast_in_dim3A_439, %scan3A_719 = %broadcast_in_dim3A_439, %scan3A_720 = %broadcast_in_dim3A_439) -> (vector<16xf32>, vector<16xf32>, vector<16xf32>, vector<16xf32>)  : i32 {
          %mul3A_721 = arith.constant 64 : i32
          %mul3A_722 = arith.muli %scan3A_716, %mul3A_721 : i32
          %add3A_723 = arith.constant 0 : i32
          %add3A_724 = arith.addi %mul3A_722, %add3A_723 : i32
          %get3A = arith.constant 0 : i32
          %get3A_725 = arith.constant 2 : i32
          %get3A_726 = arith.constant 0 : i32
          %get3A_727 = arith.constant 0 : i32
          %get3A_728 = arith.constant 0 : i32
          %get3A_729 = tpu.memref_slice %run_scoped3A[%rem3A_387, %get3A_726, %get3A_727, %get3A_728] : memref<2x1x8x4096xf32, #tpu.memory_space<vmem>> -> memref<1x1x8x4096xf32, #tpu.memory_space<vmem>>
          %get3A_730 = tpu.memref_squeeze %get3A_729 : memref<1x1x8x4096xf32, #tpu.memory_space<vmem>> -> memref<1x8x4096xf32, #tpu.memory_space<vmem>>
          %get3A_731 = arith.index_cast %get3A : i32 to index
          %get3A_732 = arith.index_cast %get3A_725 : i32 to index
          %get3A_733 = arith.index_cast %add3A_724 : i32 to index
          %get3A_734 = tpu.vector_load %get3A_730[%get3A_731, %get3A_732, %get3A_733] {strides = array<i32>} : memref<1x8x4096xf32, #tpu.memory_space<vmem>>, vector<1x1x16xf32>,
          %get3A_735 = vector.shape_cast %get3A_734 : vector<1x1x16xf32> to vector<16xf32>
          %bitcast_convert_type3A = tpu.bitcast %get3A_735 : vector<16xf32> -> vector<16xi32>
          %shift_right_logical3A = arith.constant 16 : i32
          %shift_right_logical3A_736 = vector.broadcast %shift_right_logical3A : i32 to vector<16xi32>
          %shift_right_logical3A_737 = arith.shrui %bitcast_convert_type3A, %shift_right_logical3A_736 : vector<16xi32>
          %and3A_738 = arith.constant 1 : i32
          %and3A_739 = vector.broadcast %and3A_738 : i32 to vector<16xi32>
          %and3A_740 = arith.andi %shift_right_logical3A_737, %and3A_739 : vector<16xi32>
          %add3A_741 = arith.constant 32767 : i32
          %add3A_742 = vector.broadcast %add3A_741 : i32 to vector<16xi32>
          %add3A_743 = arith.addi %add3A_742, %and3A_740 : vector<16xi32>
          %add3A_744 = arith.addi %bitcast_convert_type3A, %add3A_743 : vector<16xi32>
          %and3A_745 = arith.constant -65536 : i32
          %and3A_746 = vector.broadcast %and3A_745 : i32 to vector<16xi32>
          %and3A_747 = arith.andi %add3A_744, %and3A_746 : vector<16xi32>
          %bitcast_convert_type3A_748 = tpu.bitcast %and3A_747 : vector<16xi32> -> vector<16xf32>
          %get3A_749 = arith.constant 0 : i32
          %get3A_750 = arith.constant 0 : i32
          %get3A_751 = arith.constant 0 : i32
          %get3A_752 = tpu.memref_slice %run_scoped3A_8[%rem3A_389, %get3A_750, %get3A_751] : memref<2x1x4096xf32, #tpu.memory_space<vmem>> -> memref<1x1x4096xf32, #tpu.memory_space<vmem>>
          %get3A_753 = tpu.memref_squeeze %get3A_752 : memref<1x1x4096xf32, #tpu.memory_space<vmem>> -> memref<1x4096xf32, #tpu.memory_space<vmem>>
          %get3A_754 = arith.index_cast %get3A_749 : i32 to index
          %get3A_755 = arith.index_cast %add3A_724 : i32 to index
          %get3A_756 = tpu.vector_load %get3A_753[%get3A_754, %get3A_755] {strides = array<i32>} : memref<1x4096xf32, #tpu.memory_space<vmem>>, vector<1x16xf32>,
          %get3A_757 = vector.shape_cast %get3A_756 : vector<1x16xf32> to vector<16xf32>
          %mul3A_758 = arith.mulf %bitcast_convert_type3A_748, %get3A_757 : vector<16xf32>
          %add3A_759 = arith.addf %scan3A_717, %mul3A_758 : vector<16xf32>
          %mul3A_760 = arith.constant 64 : i32
          %mul3A_761 = arith.muli %scan3A_716, %mul3A_760 : i32
          %add3A_762 = arith.constant 16 : i32
          %add3A_763 = arith.addi %mul3A_761, %add3A_762 : i32
          %get3A_764 = arith.constant 0 : i32
          %get3A_765 = arith.constant 2 : i32
          %get3A_766 = arith.constant 0 : i32
          %get3A_767 = arith.constant 0 : i32
          %get3A_768 = arith.constant 0 : i32
          %get3A_769 = tpu.memref_slice %run_scoped3A[%rem3A_387, %get3A_766, %get3A_767, %get3A_768] : memref<2x1x8x4096xf32, #tpu.memory_space<vmem>> -> memref<1x1x8x4096xf32, #tpu.memory_space<vmem>>
          %get3A_770 = tpu.memref_squeeze %get3A_769 : memref<1x1x8x4096xf32, #tpu.memory_space<vmem>> -> memref<1x8x4096xf32, #tpu.memory_space<vmem>>
          %get3A_771 = arith.index_cast %get3A_764 : i32 to index
          %get3A_772 = arith.index_cast %get3A_765 : i32 to index
          %get3A_773 = arith.index_cast %add3A_763 : i32 to index
          %get3A_774 = tpu.vector_load %get3A_770[%get3A_771, %get3A_772, %get3A_773] {strides = array<i32>} : memref<1x8x4096xf32, #tpu.memory_space<vmem>>, vector<1x1x16xf32>,
          %get3A_775 = vector.shape_cast %get3A_774 : vector<1x1x16xf32> to vector<16xf32>
          %bitcast_convert_type3A_776 = tpu.bitcast %get3A_775 : vector<16xf32> -> vector<16xi32>
          %shift_right_logical3A_777 = arith.constant 16 : i32
          %shift_right_logical3A_778 = vector.broadcast %shift_right_logical3A_777 : i32 to vector<16xi32>
          %shift_right_logical3A_779 = arith.shrui %bitcast_convert_type3A_776, %shift_right_logical3A_778 : vector<16xi32>
          %and3A_780 = arith.constant 1 : i32
          %and3A_781 = vector.broadcast %and3A_780 : i32 to vector<16xi32>
          %and3A_782 = arith.andi %shift_right_logical3A_779, %and3A_781 : vector<16xi32>
          %add3A_783 = arith.constant 32767 : i32
          %add3A_784 = vector.broadcast %add3A_783 : i32 to vector<16xi32>
          %add3A_785 = arith.addi %add3A_784, %and3A_782 : vector<16xi32>
          %add3A_786 = arith.addi %bitcast_convert_type3A_776, %add3A_785 : vector<16xi32>
          %and3A_787 = arith.constant -65536 : i32
          %and3A_788 = vector.broadcast %and3A_787 : i32 to vector<16xi32>
          %and3A_789 = arith.andi %add3A_786, %and3A_788 : vector<16xi32>
          %bitcast_convert_type3A_790 = tpu.bitcast %and3A_789 : vector<16xi32> -> vector<16xf32>
          %get3A_791 = arith.constant 0 : i32
          %get3A_792 = arith.constant 0 : i32
          %get3A_793 = arith.constant 0 : i32
          %get3A_794 = tpu.memref_slice %run_scoped3A_8[%rem3A_389, %get3A_792, %get3A_793] : memref<2x1x4096xf32, #tpu.memory_space<vmem>> -> memref<1x1x4096xf32, #tpu.memory_space<vmem>>
          %get3A_795 = tpu.memref_squeeze %get3A_794 : memref<1x1x4096xf32, #tpu.memory_space<vmem>> -> memref<1x4096xf32, #tpu.memory_space<vmem>>
          %get3A_796 = arith.index_cast %get3A_791 : i32 to index
          %get3A_797 = arith.index_cast %add3A_763 : i32 to index
          %get3A_798 = tpu.vector_load %get3A_795[%get3A_796, %get3A_797] {strides = array<i32>} : memref<1x4096xf32, #tpu.memory_space<vmem>>, vector<1x16xf32>,
          %get3A_799 = vector.shape_cast %get3A_798 : vector<1x16xf32> to vector<16xf32>
          %mul3A_800 = arith.mulf %bitcast_convert_type3A_790, %get3A_799 : vector<16xf32>
          %add3A_801 = arith.addf %scan3A_718, %mul3A_800 : vector<16xf32>
          %mul3A_802 = arith.constant 64 : i32
          %mul3A_803 = arith.muli %scan3A_716, %mul3A_802 : i32
          %add3A_804 = arith.constant 32 : i32
          %add3A_805 = arith.addi %mul3A_803, %add3A_804 : i32
          %get3A_806 = arith.constant 0 : i32
          %get3A_807 = arith.constant 2 : i32
          %get3A_808 = arith.constant 0 : i32
          %get3A_809 = arith.constant 0 : i32
          %get3A_810 = arith.constant 0 : i32
          %get3A_811 = tpu.memref_slice %run_scoped3A[%rem3A_387, %get3A_808, %get3A_809, %get3A_810] : memref<2x1x8x4096xf32, #tpu.memory_space<vmem>> -> memref<1x1x8x4096xf32, #tpu.memory_space<vmem>>
          %get3A_812 = tpu.memref_squeeze %get3A_811 : memref<1x1x8x4096xf32, #tpu.memory_space<vmem>> -> memref<1x8x4096xf32, #tpu.memory_space<vmem>>
          %get3A_813 = arith.index_cast %get3A_806 : i32 to index
          %get3A_814 = arith.index_cast %get3A_807 : i32 to index
          %get3A_815 = arith.index_cast %add3A_805 : i32 to index
          %get3A_816 = tpu.vector_load %get3A_812[%get3A_813, %get3A_814, %get3A_815] {strides = array<i32>} : memref<1x8x4096xf32, #tpu.memory_space<vmem>>, vector<1x1x16xf32>,
          %get3A_817 = vector.shape_cast %get3A_816 : vector<1x1x16xf32> to vector<16xf32>
          %bitcast_convert_type3A_818 = tpu.bitcast %get3A_817 : vector<16xf32> -> vector<16xi32>
          %shift_right_logical3A_819 = arith.constant 16 : i32
          %shift_right_logical3A_820 = vector.broadcast %shift_right_logical3A_819 : i32 to vector<16xi32>
          %shift_right_logical3A_821 = arith.shrui %bitcast_convert_type3A_818, %shift_right_logical3A_820 : vector<16xi32>
          %and3A_822 = arith.constant 1 : i32
          %and3A_823 = vector.broadcast %and3A_822 : i32 to vector<16xi32>
          %and3A_824 = arith.andi %shift_right_logical3A_821, %and3A_823 : vector<16xi32>
          %add3A_825 = arith.constant 32767 : i32
          %add3A_826 = vector.broadcast %add3A_825 : i32 to vector<16xi32>
          %add3A_827 = arith.addi %add3A_826, %and3A_824 : vector<16xi32>
          %add3A_828 = arith.addi %bitcast_convert_type3A_818, %add3A_827 : vector<16xi32>
          %and3A_829 = arith.constant -65536 : i32
          %and3A_830 = vector.broadcast %and3A_829 : i32 to vector<16xi32>
          %and3A_831 = arith.andi %add3A_828, %and3A_830 : vector<16xi32>
          %bitcast_convert_type3A_832 = tpu.bitcast %and3A_831 : vector<16xi32> -> vector<16xf32>
          %get3A_833 = arith.constant 0 : i32
          %get3A_834 = arith.constant 0 : i32
          %get3A_835 = arith.constant 0 : i32
          %get3A_836 = tpu.memref_slice %run_scoped3A_8[%rem3A_389, %get3A_834, %get3A_835] : memref<2x1x4096xf32, #tpu.memory_space<vmem>> -> memref<1x1x4096xf32, #tpu.memory_space<vmem>>
          %get3A_837 = tpu.memref_squeeze %get3A_836 : memref<1x1x4096xf32, #tpu.memory_space<vmem>> -> memref<1x4096xf32, #tpu.memory_space<vmem>>
          %get3A_838 = arith.index_cast %get3A_833 : i32 to index
          %get3A_839 = arith.index_cast %add3A_805 : i32 to index
          %get3A_840 = tpu.vector_load %get3A_837[%get3A_838, %get3A_839] {strides = array<i32>} : memref<1x4096xf32, #tpu.memory_space<vmem>>, vector<1x16xf32>,
          %get3A_841 = vector.shape_cast %get3A_840 : vector<1x16xf32> to vector<16xf32>
          %mul3A_842 = arith.mulf %bitcast_convert_type3A_832, %get3A_841 : vector<16xf32>
          %add3A_843 = arith.addf %scan3A_719, %mul3A_842 : vector<16xf32>
          %mul3A_844 = arith.constant 64 : i32
          %mul3A_845 = arith.muli %scan3A_716, %mul3A_844 : i32
          %add3A_846 = arith.constant 48 : i32
          %add3A_847 = arith.addi %mul3A_845, %add3A_846 : i32
          %get3A_848 = arith.constant 0 : i32
          %get3A_849 = arith.constant 2 : i32
          %get3A_850 = arith.constant 0 : i32
          %get3A_851 = arith.constant 0 : i32
          %get3A_852 = arith.constant 0 : i32
          %get3A_853 = tpu.memref_slice %run_scoped3A[%rem3A_387, %get3A_850, %get3A_851, %get3A_852] : memref<2x1x8x4096xf32, #tpu.memory_space<vmem>> -> memref<1x1x8x4096xf32, #tpu.memory_space<vmem>>
          %get3A_854 = tpu.memref_squeeze %get3A_853 : memref<1x1x8x4096xf32, #tpu.memory_space<vmem>> -> memref<1x8x4096xf32, #tpu.memory_space<vmem>>
          %get3A_855 = arith.index_cast %get3A_848 : i32 to index
          %get3A_856 = arith.index_cast %get3A_849 : i32 to index
          %get3A_857 = arith.index_cast %add3A_847 : i32 to index
          %get3A_858 = tpu.vector_load %get3A_854[%get3A_855, %get3A_856, %get3A_857] {strides = array<i32>} : memref<1x8x4096xf32, #tpu.memory_space<vmem>>, vector<1x1x16xf32>,
          %get3A_859 = vector.shape_cast %get3A_858 : vector<1x1x16xf32> to vector<16xf32>
          %bitcast_convert_type3A_860 = tpu.bitcast %get3A_859 : vector<16xf32> -> vector<16xi32>
          %shift_right_logical3A_861 = arith.constant 16 : i32
          %shift_right_logical3A_862 = vector.broadcast %shift_right_logical3A_861 : i32 to vector<16xi32>
          %shift_right_logical3A_863 = arith.shrui %bitcast_convert_type3A_860, %shift_right_logical3A_862 : vector<16xi32>
          %and3A_864 = arith.constant 1 : i32
          %and3A_865 = vector.broadcast %and3A_864 : i32 to vector<16xi32>
          %and3A_866 = arith.andi %shift_right_logical3A_863, %and3A_865 : vector<16xi32>
          %add3A_867 = arith.constant 32767 : i32
          %add3A_868 = vector.broadcast %add3A_867 : i32 to vector<16xi32>
          %add3A_869 = arith.addi %add3A_868, %and3A_866 : vector<16xi32>
          %add3A_870 = arith.addi %bitcast_convert_type3A_860, %add3A_869 : vector<16xi32>
          %and3A_871 = arith.constant -65536 : i32
          %and3A_872 = vector.broadcast %and3A_871 : i32 to vector<16xi32>
          %and3A_873 = arith.andi %add3A_870, %and3A_872 : vector<16xi32>
          %bitcast_convert_type3A_874 = tpu.bitcast %and3A_873 : vector<16xi32> -> vector<16xf32>
          %get3A_875 = arith.constant 0 : i32
          %get3A_876 = arith.constant 0 : i32
          %get3A_877 = arith.constant 0 : i32
          %get3A_878 = tpu.memref_slice %run_scoped3A_8[%rem3A_389, %get3A_876, %get3A_877] : memref<2x1x4096xf32, #tpu.memory_space<vmem>> -> memref<1x1x4096xf32, #tpu.memory_space<vmem>>
          %get3A_879 = tpu.memref_squeeze %get3A_878 : memref<1x1x4096xf32, #tpu.memory_space<vmem>> -> memref<1x4096xf32, #tpu.memory_space<vmem>>
          %get3A_880 = arith.index_cast %get3A_875 : i32 to index
          %get3A_881 = arith.index_cast %add3A_847 : i32 to index
          %get3A_882 = tpu.vector_load %get3A_879[%get3A_880, %get3A_881] {strides = array<i32>} : memref<1x4096xf32, #tpu.memory_space<vmem>>, vector<1x16xf32>,
          %get3A_883 = vector.shape_cast %get3A_882 : vector<1x16xf32> to vector<16xf32>
          %mul3A_884 = arith.mulf %bitcast_convert_type3A_874, %get3A_883 : vector<16xf32>
          %add3A_885 = arith.addf %scan3A_720, %mul3A_884 : vector<16xf32>
          scf.yield %add3A_759, %add3A_801, %add3A_843, %add3A_885 : vector<16xf32>, vector<16xf32>, vector<16xf32>, vector<16xf32>
        }
        %scan3A_445 = arith.constant 64 : i32
        %add3A_446 = arith.addf %scan3A_444#0, %scan3A_444#1 : vector<16xf32>
        %add3A_447 = arith.addf %scan3A_444#2, %scan3A_444#3 : vector<16xf32>
        %add3A_448 = arith.addf %add3A_446, %add3A_447 : vector<16xf32>
        %swap3A_449 = arith.constant 0 : i32
        %swap3A_450 = arith.constant 2 : i32
        %swap3A_451 = arith.constant 0 : i32
        %swap3A_452 = arith.constant 0 : i32
        %swap3A_453 = arith.constant 0 : i32
        %swap3A_454 = tpu.memref_slice %run_scoped3A_10[%rem3A_391, %swap3A_451, %swap3A_452, %swap3A_453] : memref<2x1x8x16xf32, #tpu.memory_space<vmem>> -> memref<1x1x8x16xf32, #tpu.memory_space<vmem>>
        %swap3A_455 = tpu.memref_squeeze %swap3A_454 : memref<1x1x8x16xf32, #tpu.memory_space<vmem>> -> memref<1x8x16xf32, #tpu.memory_space<vmem>>
        %swap3A_456 = arith.index_cast %swap3A_449 : i32 to index
        %swap3A_457 = arith.index_cast %swap3A_450 : i32 to index
        %swap3A_458 = arith.constant 0 : index
        %swap3A_459 = tpu.vector_load %swap3A_455[%swap3A_456, %swap3A_457, %swap3A_458] {strides = array<i32>} : memref<1x8x16xf32, #tpu.memory_space<vmem>>, vector<1x1x16xf32>,
        %swap3A_460 = vector.shape_cast %swap3A_459 : vector<1x1x16xf32> to vector<16xf32>
        %swap3A_461 = vector.shape_cast %add3A_448 : vector<16xf32> to vector<1x1x16xf32>
        tpu.vector_store %swap3A_455[%swap3A_456, %swap3A_457, %swap3A_458], %swap3A_461 {strides = array<i32>} : memref<1x8x16xf32, #tpu.memory_space<vmem>>, vector<1x1x16xf32>,
        %broadcast_in_dim3A_462 = arith.constant 0.000000e+00 : f32
        %broadcast_in_dim3A_463 = vector.broadcast %broadcast_in_dim3A_462 : f32 to vector<16xf32>
        %scan3A_464 = arith.constant 0 : i32
        %scan3A_465 = arith.constant 64 : i32
        %scan3A_466 = arith.addi %scan3A_464, %scan3A_465 : i32
        %scan3A_467 = arith.constant 1 : i32
        %scan3A_468:4 = scf.for %scan3A_716 = %scan3A_464 to %scan3A_466 step %scan3A_467 iter_args(%scan3A_717 = %broadcast_in_dim3A_463, %scan3A_718 = %broadcast_in_dim3A_463, %scan3A_719 = %broadcast_in_dim3A_463, %scan3A_720 = %broadcast_in_dim3A_463) -> (vector<16xf32>, vector<16xf32>, vector<16xf32>, vector<16xf32>)  : i32 {
          %mul3A_721 = arith.constant 64 : i32
          %mul3A_722 = arith.muli %scan3A_716, %mul3A_721 : i32
          %add3A_723 = arith.constant 0 : i32
          %add3A_724 = arith.addi %mul3A_722, %add3A_723 : i32
          %get3A = arith.constant 0 : i32
          %get3A_725 = arith.constant 3 : i32
          %get3A_726 = arith.constant 0 : i32
          %get3A_727 = arith.constant 0 : i32
          %get3A_728 = arith.constant 0 : i32
          %get3A_729 = tpu.memref_slice %run_scoped3A[%rem3A_387, %get3A_726, %get3A_727, %get3A_728] : memref<2x1x8x4096xf32, #tpu.memory_space<vmem>> -> memref<1x1x8x4096xf32, #tpu.memory_space<vmem>>
          %get3A_730 = tpu.memref_squeeze %get3A_729 : memref<1x1x8x4096xf32, #tpu.memory_space<vmem>> -> memref<1x8x4096xf32, #tpu.memory_space<vmem>>
          %get3A_731 = arith.index_cast %get3A : i32 to index
          %get3A_732 = arith.index_cast %get3A_725 : i32 to index
          %get3A_733 = arith.index_cast %add3A_724 : i32 to index
          %get3A_734 = tpu.vector_load %get3A_730[%get3A_731, %get3A_732, %get3A_733] {strides = array<i32>} : memref<1x8x4096xf32, #tpu.memory_space<vmem>>, vector<1x1x16xf32>,
          %get3A_735 = vector.shape_cast %get3A_734 : vector<1x1x16xf32> to vector<16xf32>
          %bitcast_convert_type3A = tpu.bitcast %get3A_735 : vector<16xf32> -> vector<16xi32>
          %shift_right_logical3A = arith.constant 16 : i32
          %shift_right_logical3A_736 = vector.broadcast %shift_right_logical3A : i32 to vector<16xi32>
          %shift_right_logical3A_737 = arith.shrui %bitcast_convert_type3A, %shift_right_logical3A_736 : vector<16xi32>
          %and3A_738 = arith.constant 1 : i32
          %and3A_739 = vector.broadcast %and3A_738 : i32 to vector<16xi32>
          %and3A_740 = arith.andi %shift_right_logical3A_737, %and3A_739 : vector<16xi32>
          %add3A_741 = arith.constant 32767 : i32
          %add3A_742 = vector.broadcast %add3A_741 : i32 to vector<16xi32>
          %add3A_743 = arith.addi %add3A_742, %and3A_740 : vector<16xi32>
          %add3A_744 = arith.addi %bitcast_convert_type3A, %add3A_743 : vector<16xi32>
          %and3A_745 = arith.constant -65536 : i32
          %and3A_746 = vector.broadcast %and3A_745 : i32 to vector<16xi32>
          %and3A_747 = arith.andi %add3A_744, %and3A_746 : vector<16xi32>
          %bitcast_convert_type3A_748 = tpu.bitcast %and3A_747 : vector<16xi32> -> vector<16xf32>
          %get3A_749 = arith.constant 0 : i32
          %get3A_750 = arith.constant 0 : i32
          %get3A_751 = arith.constant 0 : i32
          %get3A_752 = tpu.memref_slice %run_scoped3A_8[%rem3A_389, %get3A_750, %get3A_751] : memref<2x1x4096xf32, #tpu.memory_space<vmem>> -> memref<1x1x4096xf32, #tpu.memory_space<vmem>>
          %get3A_753 = tpu.memref_squeeze %get3A_752 : memref<1x1x4096xf32, #tpu.memory_space<vmem>> -> memref<1x4096xf32, #tpu.memory_space<vmem>>
          %get3A_754 = arith.index_cast %get3A_749 : i32 to index
          %get3A_755 = arith.index_cast %add3A_724 : i32 to index
          %get3A_756 = tpu.vector_load %get3A_753[%get3A_754, %get3A_755] {strides = array<i32>} : memref<1x4096xf32, #tpu.memory_space<vmem>>, vector<1x16xf32>,
          %get3A_757 = vector.shape_cast %get3A_756 : vector<1x16xf32> to vector<16xf32>
          %mul3A_758 = arith.mulf %bitcast_convert_type3A_748, %get3A_757 : vector<16xf32>
          %add3A_759 = arith.addf %scan3A_717, %mul3A_758 : vector<16xf32>
          %mul3A_760 = arith.constant 64 : i32
          %mul3A_761 = arith.muli %scan3A_716, %mul3A_760 : i32
          %add3A_762 = arith.constant 16 : i32
          %add3A_763 = arith.addi %mul3A_761, %add3A_762 : i32
          %get3A_764 = arith.constant 0 : i32
          %get3A_765 = arith.constant 3 : i32
          %get3A_766 = arith.constant 0 : i32
          %get3A_767 = arith.constant 0 : i32
          %get3A_768 = arith.constant 0 : i32
          %get3A_769 = tpu.memref_slice %run_scoped3A[%rem3A_387, %get3A_766, %get3A_767, %get3A_768] : memref<2x1x8x4096xf32, #tpu.memory_space<vmem>> -> memref<1x1x8x4096xf32, #tpu.memory_space<vmem>>
          %get3A_770 = tpu.memref_squeeze %get3A_769 : memref<1x1x8x4096xf32, #tpu.memory_space<vmem>> -> memref<1x8x4096xf32, #tpu.memory_space<vmem>>
          %get3A_771 = arith.index_cast %get3A_764 : i32 to index
          %get3A_772 = arith.index_cast %get3A_765 : i32 to index
          %get3A_773 = arith.index_cast %add3A_763 : i32 to index
          %get3A_774 = tpu.vector_load %get3A_770[%get3A_771, %get3A_772, %get3A_773] {strides = array<i32>} : memref<1x8x4096xf32, #tpu.memory_space<vmem>>, vector<1x1x16xf32>,
          %get3A_775 = vector.shape_cast %get3A_774 : vector<1x1x16xf32> to vector<16xf32>
          %bitcast_convert_type3A_776 = tpu.bitcast %get3A_775 : vector<16xf32> -> vector<16xi32>
          %shift_right_logical3A_777 = arith.constant 16 : i32
          %shift_right_logical3A_778 = vector.broadcast %shift_right_logical3A_777 : i32 to vector<16xi32>
          %shift_right_logical3A_779 = arith.shrui %bitcast_convert_type3A_776, %shift_right_logical3A_778 : vector<16xi32>
          %and3A_780 = arith.constant 1 : i32
          %and3A_781 = vector.broadcast %and3A_780 : i32 to vector<16xi32>
          %and3A_782 = arith.andi %shift_right_logical3A_779, %and3A_781 : vector<16xi32>
          %add3A_783 = arith.constant 32767 : i32
          %add3A_784 = vector.broadcast %add3A_783 : i32 to vector<16xi32>
          %add3A_785 = arith.addi %add3A_784, %and3A_782 : vector<16xi32>
          %add3A_786 = arith.addi %bitcast_convert_type3A_776, %add3A_785 : vector<16xi32>
          %and3A_787 = arith.constant -65536 : i32
          %and3A_788 = vector.broadcast %and3A_787 : i32 to vector<16xi32>
          %and3A_789 = arith.andi %add3A_786, %and3A_788 : vector<16xi32>
          %bitcast_convert_type3A_790 = tpu.bitcast %and3A_789 : vector<16xi32> -> vector<16xf32>
          %get3A_791 = arith.constant 0 : i32
          %get3A_792 = arith.constant 0 : i32
          %get3A_793 = arith.constant 0 : i32
          %get3A_794 = tpu.memref_slice %run_scoped3A_8[%rem3A_389, %get3A_792, %get3A_793] : memref<2x1x4096xf32, #tpu.memory_space<vmem>> -> memref<1x1x4096xf32, #tpu.memory_space<vmem>>
          %get3A_795 = tpu.memref_squeeze %get3A_794 : memref<1x1x4096xf32, #tpu.memory_space<vmem>> -> memref<1x4096xf32, #tpu.memory_space<vmem>>
          %get3A_796 = arith.index_cast %get3A_791 : i32 to index
          %get3A_797 = arith.index_cast %add3A_763 : i32 to index
          %get3A_798 = tpu.vector_load %get3A_795[%get3A_796, %get3A_797] {strides = array<i32>} : memref<1x4096xf32, #tpu.memory_space<vmem>>, vector<1x16xf32>,
          %get3A_799 = vector.shape_cast %get3A_798 : vector<1x16xf32> to vector<16xf32>
          %mul3A_800 = arith.mulf %bitcast_convert_type3A_790, %get3A_799 : vector<16xf32>
          %add3A_801 = arith.addf %scan3A_718, %mul3A_800 : vector<16xf32>
          %mul3A_802 = arith.constant 64 : i32
          %mul3A_803 = arith.muli %scan3A_716, %mul3A_802 : i32
          %add3A_804 = arith.constant 32 : i32
          %add3A_805 = arith.addi %mul3A_803, %add3A_804 : i32
          %get3A_806 = arith.constant 0 : i32
          %get3A_807 = arith.constant 3 : i32
          %get3A_808 = arith.constant 0 : i32
          %get3A_809 = arith.constant 0 : i32
          %get3A_810 = arith.constant 0 : i32
          %get3A_811 = tpu.memref_slice %run_scoped3A[%rem3A_387, %get3A_808, %get3A_809, %get3A_810] : memref<2x1x8x4096xf32, #tpu.memory_space<vmem>> -> memref<1x1x8x4096xf32, #tpu.memory_space<vmem>>
          %get3A_812 = tpu.memref_squeeze %get3A_811 : memref<1x1x8x4096xf32, #tpu.memory_space<vmem>> -> memref<1x8x4096xf32, #tpu.memory_space<vmem>>
          %get3A_813 = arith.index_cast %get3A_806 : i32 to index
          %get3A_814 = arith.index_cast %get3A_807 : i32 to index
          %get3A_815 = arith.index_cast %add3A_805 : i32 to index
          %get3A_816 = tpu.vector_load %get3A_812[%get3A_813, %get3A_814, %get3A_815] {strides = array<i32>} : memref<1x8x4096xf32, #tpu.memory_space<vmem>>, vector<1x1x16xf32>,
          %get3A_817 = vector.shape_cast %get3A_816 : vector<1x1x16xf32> to vector<16xf32>
          %bitcast_convert_type3A_818 = tpu.bitcast %get3A_817 : vector<16xf32> -> vector<16xi32>
          %shift_right_logical3A_819 = arith.constant 16 : i32
          %shift_right_logical3A_820 = vector.broadcast %shift_right_logical3A_819 : i32 to vector<16xi32>
          %shift_right_logical3A_821 = arith.shrui %bitcast_convert_type3A_818, %shift_right_logical3A_820 : vector<16xi32>
          %and3A_822 = arith.constant 1 : i32
          %and3A_823 = vector.broadcast %and3A_822 : i32 to vector<16xi32>
          %and3A_824 = arith.andi %shift_right_logical3A_821, %and3A_823 : vector<16xi32>
          %add3A_825 = arith.constant 32767 : i32
          %add3A_826 = vector.broadcast %add3A_825 : i32 to vector<16xi32>
          %add3A_827 = arith.addi %add3A_826, %and3A_824 : vector<16xi32>
          %add3A_828 = arith.addi %bitcast_convert_type3A_818, %add3A_827 : vector<16xi32>
          %and3A_829 = arith.constant -65536 : i32
          %and3A_830 = vector.broadcast %and3A_829 : i32 to vector<16xi32>
          %and3A_831 = arith.andi %add3A_828, %and3A_830 : vector<16xi32>
          %bitcast_convert_type3A_832 = tpu.bitcast %and3A_831 : vector<16xi32> -> vector<16xf32>
          %get3A_833 = arith.constant 0 : i32
          %get3A_834 = arith.constant 0 : i32
          %get3A_835 = arith.constant 0 : i32
          %get3A_836 = tpu.memref_slice %run_scoped3A_8[%rem3A_389, %get3A_834, %get3A_835] : memref<2x1x4096xf32, #tpu.memory_space<vmem>> -> memref<1x1x4096xf32, #tpu.memory_space<vmem>>
          %get3A_837 = tpu.memref_squeeze %get3A_836 : memref<1x1x4096xf32, #tpu.memory_space<vmem>> -> memref<1x4096xf32, #tpu.memory_space<vmem>>
          %get3A_838 = arith.index_cast %get3A_833 : i32 to index
          %get3A_839 = arith.index_cast %add3A_805 : i32 to index
          %get3A_840 = tpu.vector_load %get3A_837[%get3A_838, %get3A_839] {strides = array<i32>} : memref<1x4096xf32, #tpu.memory_space<vmem>>, vector<1x16xf32>,
          %get3A_841 = vector.shape_cast %get3A_840 : vector<1x16xf32> to vector<16xf32>
          %mul3A_842 = arith.mulf %bitcast_convert_type3A_832, %get3A_841 : vector<16xf32>
          %add3A_843 = arith.addf %scan3A_719, %mul3A_842 : vector<16xf32>
          %mul3A_844 = arith.constant 64 : i32
          %mul3A_845 = arith.muli %scan3A_716, %mul3A_844 : i32
          %add3A_846 = arith.constant 48 : i32
          %add3A_847 = arith.addi %mul3A_845, %add3A_846 : i32
          %get3A_848 = arith.constant 0 : i32
          %get3A_849 = arith.constant 3 : i32
          %get3A_850 = arith.constant 0 : i32
          %get3A_851 = arith.constant 0 : i32
          %get3A_852 = arith.constant 0 : i32
          %get3A_853 = tpu.memref_slice %run_scoped3A[%rem3A_387, %get3A_850, %get3A_851, %get3A_852] : memref<2x1x8x4096xf32, #tpu.memory_space<vmem>> -> memref<1x1x8x4096xf32, #tpu.memory_space<vmem>>
          %get3A_854 = tpu.memref_squeeze %get3A_853 : memref<1x1x8x4096xf32, #tpu.memory_space<vmem>> -> memref<1x8x4096xf32, #tpu.memory_space<vmem>>
          %get3A_855 = arith.index_cast %get3A_848 : i32 to index
          %get3A_856 = arith.index_cast %get3A_849 : i32 to index
          %get3A_857 = arith.index_cast %add3A_847 : i32 to index
          %get3A_858 = tpu.vector_load %get3A_854[%get3A_855, %get3A_856, %get3A_857] {strides = array<i32>} : memref<1x8x4096xf32, #tpu.memory_space<vmem>>, vector<1x1x16xf32>,
          %get3A_859 = vector.shape_cast %get3A_858 : vector<1x1x16xf32> to vector<16xf32>
          %bitcast_convert_type3A_860 = tpu.bitcast %get3A_859 : vector<16xf32> -> vector<16xi32>
          %shift_right_logical3A_861 = arith.constant 16 : i32
          %shift_right_logical3A_862 = vector.broadcast %shift_right_logical3A_861 : i32 to vector<16xi32>
          %shift_right_logical3A_863 = arith.shrui %bitcast_convert_type3A_860, %shift_right_logical3A_862 : vector<16xi32>
          %and3A_864 = arith.constant 1 : i32
          %and3A_865 = vector.broadcast %and3A_864 : i32 to vector<16xi32>
          %and3A_866 = arith.andi %shift_right_logical3A_863, %and3A_865 : vector<16xi32>
          %add3A_867 = arith.constant 32767 : i32
          %add3A_868 = vector.broadcast %add3A_867 : i32 to vector<16xi32>
          %add3A_869 = arith.addi %add3A_868, %and3A_866 : vector<16xi32>
          %add3A_870 = arith.addi %bitcast_convert_type3A_860, %add3A_869 : vector<16xi32>
          %and3A_871 = arith.constant -65536 : i32
          %and3A_872 = vector.broadcast %and3A_871 : i32 to vector<16xi32>
          %and3A_873 = arith.andi %add3A_870, %and3A_872 : vector<16xi32>
          %bitcast_convert_type3A_874 = tpu.bitcast %and3A_873 : vector<16xi32> -> vector<16xf32>
          %get3A_875 = arith.constant 0 : i32
          %get3A_876 = arith.constant 0 : i32
          %get3A_877 = arith.constant 0 : i32
          %get3A_878 = tpu.memref_slice %run_scoped3A_8[%rem3A_389, %get3A_876, %get3A_877] : memref<2x1x4096xf32, #tpu.memory_space<vmem>> -> memref<1x1x4096xf32, #tpu.memory_space<vmem>>
          %get3A_879 = tpu.memref_squeeze %get3A_878 : memref<1x1x4096xf32, #tpu.memory_space<vmem>> -> memref<1x4096xf32, #tpu.memory_space<vmem>>
          %get3A_880 = arith.index_cast %get3A_875 : i32 to index
          %get3A_881 = arith.index_cast %add3A_847 : i32 to index
          %get3A_882 = tpu.vector_load %get3A_879[%get3A_880, %get3A_881] {strides = array<i32>} : memref<1x4096xf32, #tpu.memory_space<vmem>>, vector<1x16xf32>,
          %get3A_883 = vector.shape_cast %get3A_882 : vector<1x16xf32> to vector<16xf32>
          %mul3A_884 = arith.mulf %bitcast_convert_type3A_874, %get3A_883 : vector<16xf32>
          %add3A_885 = arith.addf %scan3A_720, %mul3A_884 : vector<16xf32>
          scf.yield %add3A_759, %add3A_801, %add3A_843, %add3A_885 : vector<16xf32>, vector<16xf32>, vector<16xf32>, vector<16xf32>
        }
        %scan3A_469 = arith.constant 64 : i32
        %add3A_470 = arith.addf %scan3A_468#0, %scan3A_468#1 : vector<16xf32>
        %add3A_471 = arith.addf %scan3A_468#2, %scan3A_468#3 : vector<16xf32>
        %add3A_472 = arith.addf %add3A_470, %add3A_471 : vector<16xf32>
        %swap3A_473 = arith.constant 0 : i32
        %swap3A_474 = arith.constant 3 : i32
        %swap3A_475 = arith.constant 0 : i32
        %swap3A_476 = arith.constant 0 : i32
        %swap3A_477 = arith.constant 0 : i32
        %swap3A_478 = tpu.memref_slice %run_scoped3A_10[%rem3A_391, %swap3A_475, %swap3A_476, %swap3A_477] : memref<2x1x8x16xf32, #tpu.memory_space<vmem>> -> memref<1x1x8x16xf32, #tpu.memory_space<vmem>>
        %swap3A_479 = tpu.memref_squeeze %swap3A_478 : memref<1x1x8x16xf32, #tpu.memory_space<vmem>> -> memref<1x8x16xf32, #tpu.memory_space<vmem>>
        %swap3A_480 = arith.index_cast %swap3A_473 : i32 to index
        %swap3A_481 = arith.index_cast %swap3A_474 : i32 to index
        %swap3A_482 = arith.constant 0 : index
        %swap3A_483 = tpu.vector_load %swap3A_479[%swap3A_480, %swap3A_481, %swap3A_482] {strides = array<i32>} : memref<1x8x16xf32, #tpu.memory_space<vmem>>, vector<1x1x16xf32>,
        %swap3A_484 = vector.shape_cast %swap3A_483 : vector<1x1x16xf32> to vector<16xf32>
        %swap3A_485 = vector.shape_cast %add3A_472 : vector<16xf32> to vector<1x1x16xf32>
        tpu.vector_store %swap3A_479[%swap3A_480, %swap3A_481, %swap3A_482], %swap3A_485 {strides = array<i32>} : memref<1x8x16xf32, #tpu.memory_space<vmem>>, vector<1x1x16xf32>,
        %broadcast_in_dim3A_486 = arith.constant 0.000000e+00 : f32
        %broadcast_in_dim3A_487 = vector.broadcast %broadcast_in_dim3A_486 : f32 to vector<16xf32>
        %scan3A_488 = arith.constant 0 : i32
        %scan3A_489 = arith.constant 64 : i32
        %scan3A_490 = arith.addi %scan3A_488, %scan3A_489 : i32
        %scan3A_491 = arith.constant 1 : i32
        %scan3A_492:4 = scf.for %scan3A_716 = %scan3A_488 to %scan3A_490 step %scan3A_491 iter_args(%scan3A_717 = %broadcast_in_dim3A_487, %scan3A_718 = %broadcast_in_dim3A_487, %scan3A_719 = %broadcast_in_dim3A_487, %scan3A_720 = %broadcast_in_dim3A_487) -> (vector<16xf32>, vector<16xf32>, vector<16xf32>, vector<16xf32>)  : i32 {
          %mul3A_721 = arith.constant 64 : i32
          %mul3A_722 = arith.muli %scan3A_716, %mul3A_721 : i32
          %add3A_723 = arith.constant 0 : i32
          %add3A_724 = arith.addi %mul3A_722, %add3A_723 : i32
          %get3A = arith.constant 0 : i32
          %get3A_725 = arith.constant 4 : i32
          %get3A_726 = arith.constant 0 : i32
          %get3A_727 = arith.constant 0 : i32
          %get3A_728 = arith.constant 0 : i32
          %get3A_729 = tpu.memref_slice %run_scoped3A[%rem3A_387, %get3A_726, %get3A_727, %get3A_728] : memref<2x1x8x4096xf32, #tpu.memory_space<vmem>> -> memref<1x1x8x4096xf32, #tpu.memory_space<vmem>>
          %get3A_730 = tpu.memref_squeeze %get3A_729 : memref<1x1x8x4096xf32, #tpu.memory_space<vmem>> -> memref<1x8x4096xf32, #tpu.memory_space<vmem>>
          %get3A_731 = arith.index_cast %get3A : i32 to index
          %get3A_732 = arith.index_cast %get3A_725 : i32 to index
          %get3A_733 = arith.index_cast %add3A_724 : i32 to index
          %get3A_734 = tpu.vector_load %get3A_730[%get3A_731, %get3A_732, %get3A_733] {strides = array<i32>} : memref<1x8x4096xf32, #tpu.memory_space<vmem>>, vector<1x1x16xf32>,
          %get3A_735 = vector.shape_cast %get3A_734 : vector<1x1x16xf32> to vector<16xf32>
          %bitcast_convert_type3A = tpu.bitcast %get3A_735 : vector<16xf32> -> vector<16xi32>
          %shift_right_logical3A = arith.constant 16 : i32
          %shift_right_logical3A_736 = vector.broadcast %shift_right_logical3A : i32 to vector<16xi32>
          %shift_right_logical3A_737 = arith.shrui %bitcast_convert_type3A, %shift_right_logical3A_736 : vector<16xi32>
          %and3A_738 = arith.constant 1 : i32
          %and3A_739 = vector.broadcast %and3A_738 : i32 to vector<16xi32>
          %and3A_740 = arith.andi %shift_right_logical3A_737, %and3A_739 : vector<16xi32>
          %add3A_741 = arith.constant 32767 : i32
          %add3A_742 = vector.broadcast %add3A_741 : i32 to vector<16xi32>
          %add3A_743 = arith.addi %add3A_742, %and3A_740 : vector<16xi32>
          %add3A_744 = arith.addi %bitcast_convert_type3A, %add3A_743 : vector<16xi32>
          %and3A_745 = arith.constant -65536 : i32
          %and3A_746 = vector.broadcast %and3A_745 : i32 to vector<16xi32>
          %and3A_747 = arith.andi %add3A_744, %and3A_746 : vector<16xi32>
          %bitcast_convert_type3A_748 = tpu.bitcast %and3A_747 : vector<16xi32> -> vector<16xf32>
          %get3A_749 = arith.constant 0 : i32
          %get3A_750 = arith.constant 0 : i32
          %get3A_751 = arith.constant 0 : i32
          %get3A_752 = tpu.memref_slice %run_scoped3A_8[%rem3A_389, %get3A_750, %get3A_751] : memref<2x1x4096xf32, #tpu.memory_space<vmem>> -> memref<1x1x4096xf32, #tpu.memory_space<vmem>>
          %get3A_753 = tpu.memref_squeeze %get3A_752 : memref<1x1x4096xf32, #tpu.memory_space<vmem>> -> memref<1x4096xf32, #tpu.memory_space<vmem>>
          %get3A_754 = arith.index_cast %get3A_749 : i32 to index
          %get3A_755 = arith.index_cast %add3A_724 : i32 to index
          %get3A_756 = tpu.vector_load %get3A_753[%get3A_754, %get3A_755] {strides = array<i32>} : memref<1x4096xf32, #tpu.memory_space<vmem>>, vector<1x16xf32>,
          %get3A_757 = vector.shape_cast %get3A_756 : vector<1x16xf32> to vector<16xf32>
          %mul3A_758 = arith.mulf %bitcast_convert_type3A_748, %get3A_757 : vector<16xf32>
          %add3A_759 = arith.addf %scan3A_717, %mul3A_758 : vector<16xf32>
          %mul3A_760 = arith.constant 64 : i32
          %mul3A_761 = arith.muli %scan3A_716, %mul3A_760 : i32
          %add3A_762 = arith.constant 16 : i32
          %add3A_763 = arith.addi %mul3A_761, %add3A_762 : i32
          %get3A_764 = arith.constant 0 : i32
          %get3A_765 = arith.constant 4 : i32
          %get3A_766 = arith.constant 0 : i32
          %get3A_767 = arith.constant 0 : i32
          %get3A_768 = arith.constant 0 : i32
          %get3A_769 = tpu.memref_slice %run_scoped3A[%rem3A_387, %get3A_766, %get3A_767, %get3A_768] : memref<2x1x8x4096xf32, #tpu.memory_space<vmem>> -> memref<1x1x8x4096xf32, #tpu.memory_space<vmem>>
          %get3A_770 = tpu.memref_squeeze %get3A_769 : memref<1x1x8x4096xf32, #tpu.memory_space<vmem>> -> memref<1x8x4096xf32, #tpu.memory_space<vmem>>
          %get3A_771 = arith.index_cast %get3A_764 : i32 to index
          %get3A_772 = arith.index_cast %get3A_765 : i32 to index
          %get3A_773 = arith.index_cast %add3A_763 : i32 to index
          %get3A_774 = tpu.vector_load %get3A_770[%get3A_771, %get3A_772, %get3A_773] {strides = array<i32>} : memref<1x8x4096xf32, #tpu.memory_space<vmem>>, vector<1x1x16xf32>,
          %get3A_775 = vector.shape_cast %get3A_774 : vector<1x1x16xf32> to vector<16xf32>
          %bitcast_convert_type3A_776 = tpu.bitcast %get3A_775 : vector<16xf32> -> vector<16xi32>
          %shift_right_logical3A_777 = arith.constant 16 : i32
          %shift_right_logical3A_778 = vector.broadcast %shift_right_logical3A_777 : i32 to vector<16xi32>
          %shift_right_logical3A_779 = arith.shrui %bitcast_convert_type3A_776, %shift_right_logical3A_778 : vector<16xi32>
          %and3A_780 = arith.constant 1 : i32
          %and3A_781 = vector.broadcast %and3A_780 : i32 to vector<16xi32>
          %and3A_782 = arith.andi %shift_right_logical3A_779, %and3A_781 : vector<16xi32>
          %add3A_783 = arith.constant 32767 : i32
          %add3A_784 = vector.broadcast %add3A_783 : i32 to vector<16xi32>
          %add3A_785 = arith.addi %add3A_784, %and3A_782 : vector<16xi32>
          %add3A_786 = arith.addi %bitcast_convert_type3A_776, %add3A_785 : vector<16xi32>
          %and3A_787 = arith.constant -65536 : i32
          %and3A_788 = vector.broadcast %and3A_787 : i32 to vector<16xi32>
          %and3A_789 = arith.andi %add3A_786, %and3A_788 : vector<16xi32>
          %bitcast_convert_type3A_790 = tpu.bitcast %and3A_789 : vector<16xi32> -> vector<16xf32>
          %get3A_791 = arith.constant 0 : i32
          %get3A_792 = arith.constant 0 : i32
          %get3A_793 = arith.constant 0 : i32
          %get3A_794 = tpu.memref_slice %run_scoped3A_8[%rem3A_389, %get3A_792, %get3A_793] : memref<2x1x4096xf32, #tpu.memory_space<vmem>> -> memref<1x1x4096xf32, #tpu.memory_space<vmem>>
          %get3A_795 = tpu.memref_squeeze %get3A_794 : memref<1x1x4096xf32, #tpu.memory_space<vmem>> -> memref<1x4096xf32, #tpu.memory_space<vmem>>
          %get3A_796 = arith.index_cast %get3A_791 : i32 to index
          %get3A_797 = arith.index_cast %add3A_763 : i32 to index
          %get3A_798 = tpu.vector_load %get3A_795[%get3A_796, %get3A_797] {strides = array<i32>} : memref<1x4096xf32, #tpu.memory_space<vmem>>, vector<1x16xf32>,
          %get3A_799 = vector.shape_cast %get3A_798 : vector<1x16xf32> to vector<16xf32>
          %mul3A_800 = arith.mulf %bitcast_convert_type3A_790, %get3A_799 : vector<16xf32>
          %add3A_801 = arith.addf %scan3A_718, %mul3A_800 : vector<16xf32>
          %mul3A_802 = arith.constant 64 : i32
          %mul3A_803 = arith.muli %scan3A_716, %mul3A_802 : i32
          %add3A_804 = arith.constant 32 : i32
          %add3A_805 = arith.addi %mul3A_803, %add3A_804 : i32
          %get3A_806 = arith.constant 0 : i32
          %get3A_807 = arith.constant 4 : i32
          %get3A_808 = arith.constant 0 : i32
          %get3A_809 = arith.constant 0 : i32
          %get3A_810 = arith.constant 0 : i32
          %get3A_811 = tpu.memref_slice %run_scoped3A[%rem3A_387, %get3A_808, %get3A_809, %get3A_810] : memref<2x1x8x4096xf32, #tpu.memory_space<vmem>> -> memref<1x1x8x4096xf32, #tpu.memory_space<vmem>>
          %get3A_812 = tpu.memref_squeeze %get3A_811 : memref<1x1x8x4096xf32, #tpu.memory_space<vmem>> -> memref<1x8x4096xf32, #tpu.memory_space<vmem>>
          %get3A_813 = arith.index_cast %get3A_806 : i32 to index
          %get3A_814 = arith.index_cast %get3A_807 : i32 to index
          %get3A_815 = arith.index_cast %add3A_805 : i32 to index
          %get3A_816 = tpu.vector_load %get3A_812[%get3A_813, %get3A_814, %get3A_815] {strides = array<i32>} : memref<1x8x4096xf32, #tpu.memory_space<vmem>>, vector<1x1x16xf32>,
          %get3A_817 = vector.shape_cast %get3A_816 : vector<1x1x16xf32> to vector<16xf32>
          %bitcast_convert_type3A_818 = tpu.bitcast %get3A_817 : vector<16xf32> -> vector<16xi32>
          %shift_right_logical3A_819 = arith.constant 16 : i32
          %shift_right_logical3A_820 = vector.broadcast %shift_right_logical3A_819 : i32 to vector<16xi32>
          %shift_right_logical3A_821 = arith.shrui %bitcast_convert_type3A_818, %shift_right_logical3A_820 : vector<16xi32>
          %and3A_822 = arith.constant 1 : i32
          %and3A_823 = vector.broadcast %and3A_822 : i32 to vector<16xi32>
          %and3A_824 = arith.andi %shift_right_logical3A_821, %and3A_823 : vector<16xi32>
          %add3A_825 = arith.constant 32767 : i32
          %add3A_826 = vector.broadcast %add3A_825 : i32 to vector<16xi32>
          %add3A_827 = arith.addi %add3A_826, %and3A_824 : vector<16xi32>
          %add3A_828 = arith.addi %bitcast_convert_type3A_818, %add3A_827 : vector<16xi32>
          %and3A_829 = arith.constant -65536 : i32
          %and3A_830 = vector.broadcast %and3A_829 : i32 to vector<16xi32>
          %and3A_831 = arith.andi %add3A_828, %and3A_830 : vector<16xi32>
          %bitcast_convert_type3A_832 = tpu.bitcast %and3A_831 : vector<16xi32> -> vector<16xf32>
          %get3A_833 = arith.constant 0 : i32
          %get3A_834 = arith.constant 0 : i32
          %get3A_835 = arith.constant 0 : i32
          %get3A_836 = tpu.memref_slice %run_scoped3A_8[%rem3A_389, %get3A_834, %get3A_835] : memref<2x1x4096xf32, #tpu.memory_space<vmem>> -> memref<1x1x4096xf32, #tpu.memory_space<vmem>>
          %get3A_837 = tpu.memref_squeeze %get3A_836 : memref<1x1x4096xf32, #tpu.memory_space<vmem>> -> memref<1x4096xf32, #tpu.memory_space<vmem>>
          %get3A_838 = arith.index_cast %get3A_833 : i32 to index
          %get3A_839 = arith.index_cast %add3A_805 : i32 to index
          %get3A_840 = tpu.vector_load %get3A_837[%get3A_838, %get3A_839] {strides = array<i32>} : memref<1x4096xf32, #tpu.memory_space<vmem>>, vector<1x16xf32>,
          %get3A_841 = vector.shape_cast %get3A_840 : vector<1x16xf32> to vector<16xf32>
          %mul3A_842 = arith.mulf %bitcast_convert_type3A_832, %get3A_841 : vector<16xf32>
          %add3A_843 = arith.addf %scan3A_719, %mul3A_842 : vector<16xf32>
          %mul3A_844 = arith.constant 64 : i32
          %mul3A_845 = arith.muli %scan3A_716, %mul3A_844 : i32
          %add3A_846 = arith.constant 48 : i32
          %add3A_847 = arith.addi %mul3A_845, %add3A_846 : i32
          %get3A_848 = arith.constant 0 : i32
          %get3A_849 = arith.constant 4 : i32
          %get3A_850 = arith.constant 0 : i32
          %get3A_851 = arith.constant 0 : i32
          %get3A_852 = arith.constant 0 : i32
          %get3A_853 = tpu.memref_slice %run_scoped3A[%rem3A_387, %get3A_850, %get3A_851, %get3A_852] : memref<2x1x8x4096xf32, #tpu.memory_space<vmem>> -> memref<1x1x8x4096xf32, #tpu.memory_space<vmem>>
          %get3A_854 = tpu.memref_squeeze %get3A_853 : memref<1x1x8x4096xf32, #tpu.memory_space<vmem>> -> memref<1x8x4096xf32, #tpu.memory_space<vmem>>
          %get3A_855 = arith.index_cast %get3A_848 : i32 to index
          %get3A_856 = arith.index_cast %get3A_849 : i32 to index
          %get3A_857 = arith.index_cast %add3A_847 : i32 to index
          %get3A_858 = tpu.vector_load %get3A_854[%get3A_855, %get3A_856, %get3A_857] {strides = array<i32>} : memref<1x8x4096xf32, #tpu.memory_space<vmem>>, vector<1x1x16xf32>,
          %get3A_859 = vector.shape_cast %get3A_858 : vector<1x1x16xf32> to vector<16xf32>
          %bitcast_convert_type3A_860 = tpu.bitcast %get3A_859 : vector<16xf32> -> vector<16xi32>
          %shift_right_logical3A_861 = arith.constant 16 : i32
          %shift_right_logical3A_862 = vector.broadcast %shift_right_logical3A_861 : i32 to vector<16xi32>
          %shift_right_logical3A_863 = arith.shrui %bitcast_convert_type3A_860, %shift_right_logical3A_862 : vector<16xi32>
          %and3A_864 = arith.constant 1 : i32
          %and3A_865 = vector.broadcast %and3A_864 : i32 to vector<16xi32>
          %and3A_866 = arith.andi %shift_right_logical3A_863, %and3A_865 : vector<16xi32>
          %add3A_867 = arith.constant 32767 : i32
          %add3A_868 = vector.broadcast %add3A_867 : i32 to vector<16xi32>
          %add3A_869 = arith.addi %add3A_868, %and3A_866 : vector<16xi32>
          %add3A_870 = arith.addi %bitcast_convert_type3A_860, %add3A_869 : vector<16xi32>
          %and3A_871 = arith.constant -65536 : i32
          %and3A_872 = vector.broadcast %and3A_871 : i32 to vector<16xi32>
          %and3A_873 = arith.andi %add3A_870, %and3A_872 : vector<16xi32>
          %bitcast_convert_type3A_874 = tpu.bitcast %and3A_873 : vector<16xi32> -> vector<16xf32>
          %get3A_875 = arith.constant 0 : i32
          %get3A_876 = arith.constant 0 : i32
          %get3A_877 = arith.constant 0 : i32
          %get3A_878 = tpu.memref_slice %run_scoped3A_8[%rem3A_389, %get3A_876, %get3A_877] : memref<2x1x4096xf32, #tpu.memory_space<vmem>> -> memref<1x1x4096xf32, #tpu.memory_space<vmem>>
          %get3A_879 = tpu.memref_squeeze %get3A_878 : memref<1x1x4096xf32, #tpu.memory_space<vmem>> -> memref<1x4096xf32, #tpu.memory_space<vmem>>
          %get3A_880 = arith.index_cast %get3A_875 : i32 to index
          %get3A_881 = arith.index_cast %add3A_847 : i32 to index
          %get3A_882 = tpu.vector_load %get3A_879[%get3A_880, %get3A_881] {strides = array<i32>} : memref<1x4096xf32, #tpu.memory_space<vmem>>, vector<1x16xf32>,
          %get3A_883 = vector.shape_cast %get3A_882 : vector<1x16xf32> to vector<16xf32>
          %mul3A_884 = arith.mulf %bitcast_convert_type3A_874, %get3A_883 : vector<16xf32>
          %add3A_885 = arith.addf %scan3A_720, %mul3A_884 : vector<16xf32>
          scf.yield %add3A_759, %add3A_801, %add3A_843, %add3A_885 : vector<16xf32>, vector<16xf32>, vector<16xf32>, vector<16xf32>
        }
        %scan3A_493 = arith.constant 64 : i32
        %add3A_494 = arith.addf %scan3A_492#0, %scan3A_492#1 : vector<16xf32>
        %add3A_495 = arith.addf %scan3A_492#2, %scan3A_492#3 : vector<16xf32>
        %add3A_496 = arith.addf %add3A_494, %add3A_495 : vector<16xf32>
        %swap3A_497 = arith.constant 0 : i32
        %swap3A_498 = arith.constant 4 : i32
        %swap3A_499 = arith.constant 0 : i32
        %swap3A_500 = arith.constant 0 : i32
        %swap3A_501 = arith.constant 0 : i32
        %swap3A_502 = tpu.memref_slice %run_scoped3A_10[%rem3A_391, %swap3A_499, %swap3A_500, %swap3A_501] : memref<2x1x8x16xf32, #tpu.memory_space<vmem>> -> memref<1x1x8x16xf32, #tpu.memory_space<vmem>>
        %swap3A_503 = tpu.memref_squeeze %swap3A_502 : memref<1x1x8x16xf32, #tpu.memory_space<vmem>> -> memref<1x8x16xf32, #tpu.memory_space<vmem>>
        %swap3A_504 = arith.index_cast %swap3A_497 : i32 to index
        %swap3A_505 = arith.index_cast %swap3A_498 : i32 to index
        %swap3A_506 = arith.constant 0 : index
        %swap3A_507 = tpu.vector_load %swap3A_503[%swap3A_504, %swap3A_505, %swap3A_506] {strides = array<i32>} : memref<1x8x16xf32, #tpu.memory_space<vmem>>, vector<1x1x16xf32>,
        %swap3A_508 = vector.shape_cast %swap3A_507 : vector<1x1x16xf32> to vector<16xf32>
        %swap3A_509 = vector.shape_cast %add3A_496 : vector<16xf32> to vector<1x1x16xf32>
        tpu.vector_store %swap3A_503[%swap3A_504, %swap3A_505, %swap3A_506], %swap3A_509 {strides = array<i32>} : memref<1x8x16xf32, #tpu.memory_space<vmem>>, vector<1x1x16xf32>,
        %broadcast_in_dim3A_510 = arith.constant 0.000000e+00 : f32
        %broadcast_in_dim3A_511 = vector.broadcast %broadcast_in_dim3A_510 : f32 to vector<16xf32>
        %scan3A_512 = arith.constant 0 : i32
        %scan3A_513 = arith.constant 64 : i32
        %scan3A_514 = arith.addi %scan3A_512, %scan3A_513 : i32
        %scan3A_515 = arith.constant 1 : i32
        %scan3A_516:4 = scf.for %scan3A_716 = %scan3A_512 to %scan3A_514 step %scan3A_515 iter_args(%scan3A_717 = %broadcast_in_dim3A_511, %scan3A_718 = %broadcast_in_dim3A_511, %scan3A_719 = %broadcast_in_dim3A_511, %scan3A_720 = %broadcast_in_dim3A_511) -> (vector<16xf32>, vector<16xf32>, vector<16xf32>, vector<16xf32>)  : i32 {
          %mul3A_721 = arith.constant 64 : i32
          %mul3A_722 = arith.muli %scan3A_716, %mul3A_721 : i32
          %add3A_723 = arith.constant 0 : i32
          %add3A_724 = arith.addi %mul3A_722, %add3A_723 : i32
          %get3A = arith.constant 0 : i32
          %get3A_725 = arith.constant 5 : i32
          %get3A_726 = arith.constant 0 : i32
          %get3A_727 = arith.constant 0 : i32
          %get3A_728 = arith.constant 0 : i32
          %get3A_729 = tpu.memref_slice %run_scoped3A[%rem3A_387, %get3A_726, %get3A_727, %get3A_728] : memref<2x1x8x4096xf32, #tpu.memory_space<vmem>> -> memref<1x1x8x4096xf32, #tpu.memory_space<vmem>>
          %get3A_730 = tpu.memref_squeeze %get3A_729 : memref<1x1x8x4096xf32, #tpu.memory_space<vmem>> -> memref<1x8x4096xf32, #tpu.memory_space<vmem>>
          %get3A_731 = arith.index_cast %get3A : i32 to index
          %get3A_732 = arith.index_cast %get3A_725 : i32 to index
          %get3A_733 = arith.index_cast %add3A_724 : i32 to index
          %get3A_734 = tpu.vector_load %get3A_730[%get3A_731, %get3A_732, %get3A_733] {strides = array<i32>} : memref<1x8x4096xf32, #tpu.memory_space<vmem>>, vector<1x1x16xf32>,
          %get3A_735 = vector.shape_cast %get3A_734 : vector<1x1x16xf32> to vector<16xf32>
          %bitcast_convert_type3A = tpu.bitcast %get3A_735 : vector<16xf32> -> vector<16xi32>
          %shift_right_logical3A = arith.constant 16 : i32
          %shift_right_logical3A_736 = vector.broadcast %shift_right_logical3A : i32 to vector<16xi32>
          %shift_right_logical3A_737 = arith.shrui %bitcast_convert_type3A, %shift_right_logical3A_736 : vector<16xi32>
          %and3A_738 = arith.constant 1 : i32
          %and3A_739 = vector.broadcast %and3A_738 : i32 to vector<16xi32>
          %and3A_740 = arith.andi %shift_right_logical3A_737, %and3A_739 : vector<16xi32>
          %add3A_741 = arith.constant 32767 : i32
          %add3A_742 = vector.broadcast %add3A_741 : i32 to vector<16xi32>
          %add3A_743 = arith.addi %add3A_742, %and3A_740 : vector<16xi32>
          %add3A_744 = arith.addi %bitcast_convert_type3A, %add3A_743 : vector<16xi32>
          %and3A_745 = arith.constant -65536 : i32
          %and3A_746 = vector.broadcast %and3A_745 : i32 to vector<16xi32>
          %and3A_747 = arith.andi %add3A_744, %and3A_746 : vector<16xi32>
          %bitcast_convert_type3A_748 = tpu.bitcast %and3A_747 : vector<16xi32> -> vector<16xf32>
          %get3A_749 = arith.constant 0 : i32
          %get3A_750 = arith.constant 0 : i32
          %get3A_751 = arith.constant 0 : i32
          %get3A_752 = tpu.memref_slice %run_scoped3A_8[%rem3A_389, %get3A_750, %get3A_751] : memref<2x1x4096xf32, #tpu.memory_space<vmem>> -> memref<1x1x4096xf32, #tpu.memory_space<vmem>>
          %get3A_753 = tpu.memref_squeeze %get3A_752 : memref<1x1x4096xf32, #tpu.memory_space<vmem>> -> memref<1x4096xf32, #tpu.memory_space<vmem>>
          %get3A_754 = arith.index_cast %get3A_749 : i32 to index
          %get3A_755 = arith.index_cast %add3A_724 : i32 to index
          %get3A_756 = tpu.vector_load %get3A_753[%get3A_754, %get3A_755] {strides = array<i32>} : memref<1x4096xf32, #tpu.memory_space<vmem>>, vector<1x16xf32>,
          %get3A_757 = vector.shape_cast %get3A_756 : vector<1x16xf32> to vector<16xf32>
          %mul3A_758 = arith.mulf %bitcast_convert_type3A_748, %get3A_757 : vector<16xf32>
          %add3A_759 = arith.addf %scan3A_717, %mul3A_758 : vector<16xf32>
          %mul3A_760 = arith.constant 64 : i32
          %mul3A_761 = arith.muli %scan3A_716, %mul3A_760 : i32
          %add3A_762 = arith.constant 16 : i32
          %add3A_763 = arith.addi %mul3A_761, %add3A_762 : i32
          %get3A_764 = arith.constant 0 : i32
          %get3A_765 = arith.constant 5 : i32
          %get3A_766 = arith.constant 0 : i32
          %get3A_767 = arith.constant 0 : i32
          %get3A_768 = arith.constant 0 : i32
          %get3A_769 = tpu.memref_slice %run_scoped3A[%rem3A_387, %get3A_766, %get3A_767, %get3A_768] : memref<2x1x8x4096xf32, #tpu.memory_space<vmem>> -> memref<1x1x8x4096xf32, #tpu.memory_space<vmem>>
          %get3A_770 = tpu.memref_squeeze %get3A_769 : memref<1x1x8x4096xf32, #tpu.memory_space<vmem>> -> memref<1x8x4096xf32, #tpu.memory_space<vmem>>
          %get3A_771 = arith.index_cast %get3A_764 : i32 to index
          %get3A_772 = arith.index_cast %get3A_765 : i32 to index
          %get3A_773 = arith.index_cast %add3A_763 : i32 to index
          %get3A_774 = tpu.vector_load %get3A_770[%get3A_771, %get3A_772, %get3A_773] {strides = array<i32>} : memref<1x8x4096xf32, #tpu.memory_space<vmem>>, vector<1x1x16xf32>,
          %get3A_775 = vector.shape_cast %get3A_774 : vector<1x1x16xf32> to vector<16xf32>
          %bitcast_convert_type3A_776 = tpu.bitcast %get3A_775 : vector<16xf32> -> vector<16xi32>
          %shift_right_logical3A_777 = arith.constant 16 : i32
          %shift_right_logical3A_778 = vector.broadcast %shift_right_logical3A_777 : i32 to vector<16xi32>
          %shift_right_logical3A_779 = arith.shrui %bitcast_convert_type3A_776, %shift_right_logical3A_778 : vector<16xi32>
          %and3A_780 = arith.constant 1 : i32
          %and3A_781 = vector.broadcast %and3A_780 : i32 to vector<16xi32>
          %and3A_782 = arith.andi %shift_right_logical3A_779, %and3A_781 : vector<16xi32>
          %add3A_783 = arith.constant 32767 : i32
          %add3A_784 = vector.broadcast %add3A_783 : i32 to vector<16xi32>
          %add3A_785 = arith.addi %add3A_784, %and3A_782 : vector<16xi32>
          %add3A_786 = arith.addi %bitcast_convert_type3A_776, %add3A_785 : vector<16xi32>
          %and3A_787 = arith.constant -65536 : i32
          %and3A_788 = vector.broadcast %and3A_787 : i32 to vector<16xi32>
          %and3A_789 = arith.andi %add3A_786, %and3A_788 : vector<16xi32>
          %bitcast_convert_type3A_790 = tpu.bitcast %and3A_789 : vector<16xi32> -> vector<16xf32>
          %get3A_791 = arith.constant 0 : i32
          %get3A_792 = arith.constant 0 : i32
          %get3A_793 = arith.constant 0 : i32
          %get3A_794 = tpu.memref_slice %run_scoped3A_8[%rem3A_389, %get3A_792, %get3A_793] : memref<2x1x4096xf32, #tpu.memory_space<vmem>> -> memref<1x1x4096xf32, #tpu.memory_space<vmem>>
          %get3A_795 = tpu.memref_squeeze %get3A_794 : memref<1x1x4096xf32, #tpu.memory_space<vmem>> -> memref<1x4096xf32, #tpu.memory_space<vmem>>
          %get3A_796 = arith.index_cast %get3A_791 : i32 to index
          %get3A_797 = arith.index_cast %add3A_763 : i32 to index
          %get3A_798 = tpu.vector_load %get3A_795[%get3A_796, %get3A_797] {strides = array<i32>} : memref<1x4096xf32, #tpu.memory_space<vmem>>, vector<1x16xf32>,
          %get3A_799 = vector.shape_cast %get3A_798 : vector<1x16xf32> to vector<16xf32>
          %mul3A_800 = arith.mulf %bitcast_convert_type3A_790, %get3A_799 : vector<16xf32>
          %add3A_801 = arith.addf %scan3A_718, %mul3A_800 : vector<16xf32>
          %mul3A_802 = arith.constant 64 : i32
          %mul3A_803 = arith.muli %scan3A_716, %mul3A_802 : i32
          %add3A_804 = arith.constant 32 : i32
          %add3A_805 = arith.addi %mul3A_803, %add3A_804 : i32
          %get3A_806 = arith.constant 0 : i32
          %get3A_807 = arith.constant 5 : i32
          %get3A_808 = arith.constant 0 : i32
          %get3A_809 = arith.constant 0 : i32
          %get3A_810 = arith.constant 0 : i32
          %get3A_811 = tpu.memref_slice %run_scoped3A[%rem3A_387, %get3A_808, %get3A_809, %get3A_810] : memref<2x1x8x4096xf32, #tpu.memory_space<vmem>> -> memref<1x1x8x4096xf32, #tpu.memory_space<vmem>>
          %get3A_812 = tpu.memref_squeeze %get3A_811 : memref<1x1x8x4096xf32, #tpu.memory_space<vmem>> -> memref<1x8x4096xf32, #tpu.memory_space<vmem>>
          %get3A_813 = arith.index_cast %get3A_806 : i32 to index
          %get3A_814 = arith.index_cast %get3A_807 : i32 to index
          %get3A_815 = arith.index_cast %add3A_805 : i32 to index
          %get3A_816 = tpu.vector_load %get3A_812[%get3A_813, %get3A_814, %get3A_815] {strides = array<i32>} : memref<1x8x4096xf32, #tpu.memory_space<vmem>>, vector<1x1x16xf32>,
          %get3A_817 = vector.shape_cast %get3A_816 : vector<1x1x16xf32> to vector<16xf32>
          %bitcast_convert_type3A_818 = tpu.bitcast %get3A_817 : vector<16xf32> -> vector<16xi32>
          %shift_right_logical3A_819 = arith.constant 16 : i32
          %shift_right_logical3A_820 = vector.broadcast %shift_right_logical3A_819 : i32 to vector<16xi32>
          %shift_right_logical3A_821 = arith.shrui %bitcast_convert_type3A_818, %shift_right_logical3A_820 : vector<16xi32>
          %and3A_822 = arith.constant 1 : i32
          %and3A_823 = vector.broadcast %and3A_822 : i32 to vector<16xi32>
          %and3A_824 = arith.andi %shift_right_logical3A_821, %and3A_823 : vector<16xi32>
          %add3A_825 = arith.constant 32767 : i32
          %add3A_826 = vector.broadcast %add3A_825 : i32 to vector<16xi32>
          %add3A_827 = arith.addi %add3A_826, %and3A_824 : vector<16xi32>
          %add3A_828 = arith.addi %bitcast_convert_type3A_818, %add3A_827 : vector<16xi32>
          %and3A_829 = arith.constant -65536 : i32
          %and3A_830 = vector.broadcast %and3A_829 : i32 to vector<16xi32>
          %and3A_831 = arith.andi %add3A_828, %and3A_830 : vector<16xi32>
          %bitcast_convert_type3A_832 = tpu.bitcast %and3A_831 : vector<16xi32> -> vector<16xf32>
          %get3A_833 = arith.constant 0 : i32
          %get3A_834 = arith.constant 0 : i32
          %get3A_835 = arith.constant 0 : i32
          %get3A_836 = tpu.memref_slice %run_scoped3A_8[%rem3A_389, %get3A_834, %get3A_835] : memref<2x1x4096xf32, #tpu.memory_space<vmem>> -> memref<1x1x4096xf32, #tpu.memory_space<vmem>>
          %get3A_837 = tpu.memref_squeeze %get3A_836 : memref<1x1x4096xf32, #tpu.memory_space<vmem>> -> memref<1x4096xf32, #tpu.memory_space<vmem>>
          %get3A_838 = arith.index_cast %get3A_833 : i32 to index
          %get3A_839 = arith.index_cast %add3A_805 : i32 to index
          %get3A_840 = tpu.vector_load %get3A_837[%get3A_838, %get3A_839] {strides = array<i32>} : memref<1x4096xf32, #tpu.memory_space<vmem>>, vector<1x16xf32>,
          %get3A_841 = vector.shape_cast %get3A_840 : vector<1x16xf32> to vector<16xf32>
          %mul3A_842 = arith.mulf %bitcast_convert_type3A_832, %get3A_841 : vector<16xf32>
          %add3A_843 = arith.addf %scan3A_719, %mul3A_842 : vector<16xf32>
          %mul3A_844 = arith.constant 64 : i32
          %mul3A_845 = arith.muli %scan3A_716, %mul3A_844 : i32
          %add3A_846 = arith.constant 48 : i32
          %add3A_847 = arith.addi %mul3A_845, %add3A_846 : i32
          %get3A_848 = arith.constant 0 : i32
          %get3A_849 = arith.constant 5 : i32
          %get3A_850 = arith.constant 0 : i32
          %get3A_851 = arith.constant 0 : i32
          %get3A_852 = arith.constant 0 : i32
          %get3A_853 = tpu.memref_slice %run_scoped3A[%rem3A_387, %get3A_850, %get3A_851, %get3A_852] : memref<2x1x8x4096xf32, #tpu.memory_space<vmem>> -> memref<1x1x8x4096xf32, #tpu.memory_space<vmem>>
          %get3A_854 = tpu.memref_squeeze %get3A_853 : memref<1x1x8x4096xf32, #tpu.memory_space<vmem>> -> memref<1x8x4096xf32, #tpu.memory_space<vmem>>
          %get3A_855 = arith.index_cast %get3A_848 : i32 to index
          %get3A_856 = arith.index_cast %get3A_849 : i32 to index
          %get3A_857 = arith.index_cast %add3A_847 : i32 to index
          %get3A_858 = tpu.vector_load %get3A_854[%get3A_855, %get3A_856, %get3A_857] {strides = array<i32>} : memref<1x8x4096xf32, #tpu.memory_space<vmem>>, vector<1x1x16xf32>,
          %get3A_859 = vector.shape_cast %get3A_858 : vector<1x1x16xf32> to vector<16xf32>
          %bitcast_convert_type3A_860 = tpu.bitcast %get3A_859 : vector<16xf32> -> vector<16xi32>
          %shift_right_logical3A_861 = arith.constant 16 : i32
          %shift_right_logical3A_862 = vector.broadcast %shift_right_logical3A_861 : i32 to vector<16xi32>
          %shift_right_logical3A_863 = arith.shrui %bitcast_convert_type3A_860, %shift_right_logical3A_862 : vector<16xi32>
          %and3A_864 = arith.constant 1 : i32
          %and3A_865 = vector.broadcast %and3A_864 : i32 to vector<16xi32>
          %and3A_866 = arith.andi %shift_right_logical3A_863, %and3A_865 : vector<16xi32>
          %add3A_867 = arith.constant 32767 : i32
          %add3A_868 = vector.broadcast %add3A_867 : i32 to vector<16xi32>
          %add3A_869 = arith.addi %add3A_868, %and3A_866 : vector<16xi32>
          %add3A_870 = arith.addi %bitcast_convert_type3A_860, %add3A_869 : vector<16xi32>
          %and3A_871 = arith.constant -65536 : i32
          %and3A_872 = vector.broadcast %and3A_871 : i32 to vector<16xi32>
          %and3A_873 = arith.andi %add3A_870, %and3A_872 : vector<16xi32>
          %bitcast_convert_type3A_874 = tpu.bitcast %and3A_873 : vector<16xi32> -> vector<16xf32>
          %get3A_875 = arith.constant 0 : i32
          %get3A_876 = arith.constant 0 : i32
          %get3A_877 = arith.constant 0 : i32
          %get3A_878 = tpu.memref_slice %run_scoped3A_8[%rem3A_389, %get3A_876, %get3A_877] : memref<2x1x4096xf32, #tpu.memory_space<vmem>> -> memref<1x1x4096xf32, #tpu.memory_space<vmem>>
          %get3A_879 = tpu.memref_squeeze %get3A_878 : memref<1x1x4096xf32, #tpu.memory_space<vmem>> -> memref<1x4096xf32, #tpu.memory_space<vmem>>
          %get3A_880 = arith.index_cast %get3A_875 : i32 to index
          %get3A_881 = arith.index_cast %add3A_847 : i32 to index
          %get3A_882 = tpu.vector_load %get3A_879[%get3A_880, %get3A_881] {strides = array<i32>} : memref<1x4096xf32, #tpu.memory_space<vmem>>, vector<1x16xf32>,
          %get3A_883 = vector.shape_cast %get3A_882 : vector<1x16xf32> to vector<16xf32>
          %mul3A_884 = arith.mulf %bitcast_convert_type3A_874, %get3A_883 : vector<16xf32>
          %add3A_885 = arith.addf %scan3A_720, %mul3A_884 : vector<16xf32>
          scf.yield %add3A_759, %add3A_801, %add3A_843, %add3A_885 : vector<16xf32>, vector<16xf32>, vector<16xf32>, vector<16xf32>
        }
        %scan3A_517 = arith.constant 64 : i32
        %add3A_518 = arith.addf %scan3A_516#0, %scan3A_516#1 : vector<16xf32>
        %add3A_519 = arith.addf %scan3A_516#2, %scan3A_516#3 : vector<16xf32>
        %add3A_520 = arith.addf %add3A_518, %add3A_519 : vector<16xf32>
        %swap3A_521 = arith.constant 0 : i32
        %swap3A_522 = arith.constant 5 : i32
        %swap3A_523 = arith.constant 0 : i32
        %swap3A_524 = arith.constant 0 : i32
        %swap3A_525 = arith.constant 0 : i32
        %swap3A_526 = tpu.memref_slice %run_scoped3A_10[%rem3A_391, %swap3A_523, %swap3A_524, %swap3A_525] : memref<2x1x8x16xf32, #tpu.memory_space<vmem>> -> memref<1x1x8x16xf32, #tpu.memory_space<vmem>>
        %swap3A_527 = tpu.memref_squeeze %swap3A_526 : memref<1x1x8x16xf32, #tpu.memory_space<vmem>> -> memref<1x8x16xf32, #tpu.memory_space<vmem>>
        %swap3A_528 = arith.index_cast %swap3A_521 : i32 to index
        %swap3A_529 = arith.index_cast %swap3A_522 : i32 to index
        %swap3A_530 = arith.constant 0 : index
        %swap3A_531 = tpu.vector_load %swap3A_527[%swap3A_528, %swap3A_529, %swap3A_530] {strides = array<i32>} : memref<1x8x16xf32, #tpu.memory_space<vmem>>, vector<1x1x16xf32>,
        %swap3A_532 = vector.shape_cast %swap3A_531 : vector<1x1x16xf32> to vector<16xf32>
        %swap3A_533 = vector.shape_cast %add3A_520 : vector<16xf32> to vector<1x1x16xf32>
        tpu.vector_store %swap3A_527[%swap3A_528, %swap3A_529, %swap3A_530], %swap3A_533 {strides = array<i32>} : memref<1x8x16xf32, #tpu.memory_space<vmem>>, vector<1x1x16xf32>,
        %broadcast_in_dim3A_534 = arith.constant 0.000000e+00 : f32
        %broadcast_in_dim3A_535 = vector.broadcast %broadcast_in_dim3A_534 : f32 to vector<16xf32>
        %scan3A_536 = arith.constant 0 : i32
        %scan3A_537 = arith.constant 64 : i32
        %scan3A_538 = arith.addi %scan3A_536, %scan3A_537 : i32
        %scan3A_539 = arith.constant 1 : i32
        %scan3A_540:4 = scf.for %scan3A_716 = %scan3A_536 to %scan3A_538 step %scan3A_539 iter_args(%scan3A_717 = %broadcast_in_dim3A_535, %scan3A_718 = %broadcast_in_dim3A_535, %scan3A_719 = %broadcast_in_dim3A_535, %scan3A_720 = %broadcast_in_dim3A_535) -> (vector<16xf32>, vector<16xf32>, vector<16xf32>, vector<16xf32>)  : i32 {
          %mul3A_721 = arith.constant 64 : i32
          %mul3A_722 = arith.muli %scan3A_716, %mul3A_721 : i32
          %add3A_723 = arith.constant 0 : i32
          %add3A_724 = arith.addi %mul3A_722, %add3A_723 : i32
          %get3A = arith.constant 0 : i32
          %get3A_725 = arith.constant 6 : i32
          %get3A_726 = arith.constant 0 : i32
          %get3A_727 = arith.constant 0 : i32
          %get3A_728 = arith.constant 0 : i32
          %get3A_729 = tpu.memref_slice %run_scoped3A[%rem3A_387, %get3A_726, %get3A_727, %get3A_728] : memref<2x1x8x4096xf32, #tpu.memory_space<vmem>> -> memref<1x1x8x4096xf32, #tpu.memory_space<vmem>>
          %get3A_730 = tpu.memref_squeeze %get3A_729 : memref<1x1x8x4096xf32, #tpu.memory_space<vmem>> -> memref<1x8x4096xf32, #tpu.memory_space<vmem>>
          %get3A_731 = arith.index_cast %get3A : i32 to index
          %get3A_732 = arith.index_cast %get3A_725 : i32 to index
          %get3A_733 = arith.index_cast %add3A_724 : i32 to index
          %get3A_734 = tpu.vector_load %get3A_730[%get3A_731, %get3A_732, %get3A_733] {strides = array<i32>} : memref<1x8x4096xf32, #tpu.memory_space<vmem>>, vector<1x1x16xf32>,
          %get3A_735 = vector.shape_cast %get3A_734 : vector<1x1x16xf32> to vector<16xf32>
          %bitcast_convert_type3A = tpu.bitcast %get3A_735 : vector<16xf32> -> vector<16xi32>
          %shift_right_logical3A = arith.constant 16 : i32
          %shift_right_logical3A_736 = vector.broadcast %shift_right_logical3A : i32 to vector<16xi32>
          %shift_right_logical3A_737 = arith.shrui %bitcast_convert_type3A, %shift_right_logical3A_736 : vector<16xi32>
          %and3A_738 = arith.constant 1 : i32
          %and3A_739 = vector.broadcast %and3A_738 : i32 to vector<16xi32>
          %and3A_740 = arith.andi %shift_right_logical3A_737, %and3A_739 : vector<16xi32>
          %add3A_741 = arith.constant 32767 : i32
          %add3A_742 = vector.broadcast %add3A_741 : i32 to vector<16xi32>
          %add3A_743 = arith.addi %add3A_742, %and3A_740 : vector<16xi32>
          %add3A_744 = arith.addi %bitcast_convert_type3A, %add3A_743 : vector<16xi32>
          %and3A_745 = arith.constant -65536 : i32
          %and3A_746 = vector.broadcast %and3A_745 : i32 to vector<16xi32>
          %and3A_747 = arith.andi %add3A_744, %and3A_746 : vector<16xi32>
          %bitcast_convert_type3A_748 = tpu.bitcast %and3A_747 : vector<16xi32> -> vector<16xf32>
          %get3A_749 = arith.constant 0 : i32
          %get3A_750 = arith.constant 0 : i32
          %get3A_751 = arith.constant 0 : i32
          %get3A_752 = tpu.memref_slice %run_scoped3A_8[%rem3A_389, %get3A_750, %get3A_751] : memref<2x1x4096xf32, #tpu.memory_space<vmem>> -> memref<1x1x4096xf32, #tpu.memory_space<vmem>>
          %get3A_753 = tpu.memref_squeeze %get3A_752 : memref<1x1x4096xf32, #tpu.memory_space<vmem>> -> memref<1x4096xf32, #tpu.memory_space<vmem>>
          %get3A_754 = arith.index_cast %get3A_749 : i32 to index
          %get3A_755 = arith.index_cast %add3A_724 : i32 to index
          %get3A_756 = tpu.vector_load %get3A_753[%get3A_754, %get3A_755] {strides = array<i32>} : memref<1x4096xf32, #tpu.memory_space<vmem>>, vector<1x16xf32>,
          %get3A_757 = vector.shape_cast %get3A_756 : vector<1x16xf32> to vector<16xf32>
          %mul3A_758 = arith.mulf %bitcast_convert_type3A_748, %get3A_757 : vector<16xf32>
          %add3A_759 = arith.addf %scan3A_717, %mul3A_758 : vector<16xf32>
          %mul3A_760 = arith.constant 64 : i32
          %mul3A_761 = arith.muli %scan3A_716, %mul3A_760 : i32
          %add3A_762 = arith.constant 16 : i32
          %add3A_763 = arith.addi %mul3A_761, %add3A_762 : i32
          %get3A_764 = arith.constant 0 : i32
          %get3A_765 = arith.constant 6 : i32
          %get3A_766 = arith.constant 0 : i32
          %get3A_767 = arith.constant 0 : i32
          %get3A_768 = arith.constant 0 : i32
          %get3A_769 = tpu.memref_slice %run_scoped3A[%rem3A_387, %get3A_766, %get3A_767, %get3A_768] : memref<2x1x8x4096xf32, #tpu.memory_space<vmem>> -> memref<1x1x8x4096xf32, #tpu.memory_space<vmem>>
          %get3A_770 = tpu.memref_squeeze %get3A_769 : memref<1x1x8x4096xf32, #tpu.memory_space<vmem>> -> memref<1x8x4096xf32, #tpu.memory_space<vmem>>
          %get3A_771 = arith.index_cast %get3A_764 : i32 to index
          %get3A_772 = arith.index_cast %get3A_765 : i32 to index
          %get3A_773 = arith.index_cast %add3A_763 : i32 to index
          %get3A_774 = tpu.vector_load %get3A_770[%get3A_771, %get3A_772, %get3A_773] {strides = array<i32>} : memref<1x8x4096xf32, #tpu.memory_space<vmem>>, vector<1x1x16xf32>,
          %get3A_775 = vector.shape_cast %get3A_774 : vector<1x1x16xf32> to vector<16xf32>
          %bitcast_convert_type3A_776 = tpu.bitcast %get3A_775 : vector<16xf32> -> vector<16xi32>
          %shift_right_logical3A_777 = arith.constant 16 : i32
          %shift_right_logical3A_778 = vector.broadcast %shift_right_logical3A_777 : i32 to vector<16xi32>
          %shift_right_logical3A_779 = arith.shrui %bitcast_convert_type3A_776, %shift_right_logical3A_778 : vector<16xi32>
          %and3A_780 = arith.constant 1 : i32
          %and3A_781 = vector.broadcast %and3A_780 : i32 to vector<16xi32>
          %and3A_782 = arith.andi %shift_right_logical3A_779, %and3A_781 : vector<16xi32>
          %add3A_783 = arith.constant 32767 : i32
          %add3A_784 = vector.broadcast %add3A_783 : i32 to vector<16xi32>
          %add3A_785 = arith.addi %add3A_784, %and3A_782 : vector<16xi32>
          %add3A_786 = arith.addi %bitcast_convert_type3A_776, %add3A_785 : vector<16xi32>
          %and3A_787 = arith.constant -65536 : i32
          %and3A_788 = vector.broadcast %and3A_787 : i32 to vector<16xi32>
          %and3A_789 = arith.andi %add3A_786, %and3A_788 : vector<16xi32>
          %bitcast_convert_type3A_790 = tpu.bitcast %and3A_789 : vector<16xi32> -> vector<16xf32>
          %get3A_791 = arith.constant 0 : i32
          %get3A_792 = arith.constant 0 : i32
          %get3A_793 = arith.constant 0 : i32
          %get3A_794 = tpu.memref_slice %run_scoped3A_8[%rem3A_389, %get3A_792, %get3A_793] : memref<2x1x4096xf32, #tpu.memory_space<vmem>> -> memref<1x1x4096xf32, #tpu.memory_space<vmem>>
          %get3A_795 = tpu.memref_squeeze %get3A_794 : memref<1x1x4096xf32, #tpu.memory_space<vmem>> -> memref<1x4096xf32, #tpu.memory_space<vmem>>
          %get3A_796 = arith.index_cast %get3A_791 : i32 to index
          %get3A_797 = arith.index_cast %add3A_763 : i32 to index
          %get3A_798 = tpu.vector_load %get3A_795[%get3A_796, %get3A_797] {strides = array<i32>} : memref<1x4096xf32, #tpu.memory_space<vmem>>, vector<1x16xf32>,
          %get3A_799 = vector.shape_cast %get3A_798 : vector<1x16xf32> to vector<16xf32>
          %mul3A_800 = arith.mulf %bitcast_convert_type3A_790, %get3A_799 : vector<16xf32>
          %add3A_801 = arith.addf %scan3A_718, %mul3A_800 : vector<16xf32>
          %mul3A_802 = arith.constant 64 : i32
          %mul3A_803 = arith.muli %scan3A_716, %mul3A_802 : i32
          %add3A_804 = arith.constant 32 : i32
          %add3A_805 = arith.addi %mul3A_803, %add3A_804 : i32
          %get3A_806 = arith.constant 0 : i32
          %get3A_807 = arith.constant 6 : i32
          %get3A_808 = arith.constant 0 : i32
          %get3A_809 = arith.constant 0 : i32
          %get3A_810 = arith.constant 0 : i32
          %get3A_811 = tpu.memref_slice %run_scoped3A[%rem3A_387, %get3A_808, %get3A_809, %get3A_810] : memref<2x1x8x4096xf32, #tpu.memory_space<vmem>> -> memref<1x1x8x4096xf32, #tpu.memory_space<vmem>>
          %get3A_812 = tpu.memref_squeeze %get3A_811 : memref<1x1x8x4096xf32, #tpu.memory_space<vmem>> -> memref<1x8x4096xf32, #tpu.memory_space<vmem>>
          %get3A_813 = arith.index_cast %get3A_806 : i32 to index
          %get3A_814 = arith.index_cast %get3A_807 : i32 to index
          %get3A_815 = arith.index_cast %add3A_805 : i32 to index
          %get3A_816 = tpu.vector_load %get3A_812[%get3A_813, %get3A_814, %get3A_815] {strides = array<i32>} : memref<1x8x4096xf32, #tpu.memory_space<vmem>>, vector<1x1x16xf32>,
          %get3A_817 = vector.shape_cast %get3A_816 : vector<1x1x16xf32> to vector<16xf32>
          %bitcast_convert_type3A_818 = tpu.bitcast %get3A_817 : vector<16xf32> -> vector<16xi32>
          %shift_right_logical3A_819 = arith.constant 16 : i32
          %shift_right_logical3A_820 = vector.broadcast %shift_right_logical3A_819 : i32 to vector<16xi32>
          %shift_right_logical3A_821 = arith.shrui %bitcast_convert_type3A_818, %shift_right_logical3A_820 : vector<16xi32>
          %and3A_822 = arith.constant 1 : i32
          %and3A_823 = vector.broadcast %and3A_822 : i32 to vector<16xi32>
          %and3A_824 = arith.andi %shift_right_logical3A_821, %and3A_823 : vector<16xi32>
          %add3A_825 = arith.constant 32767 : i32
          %add3A_826 = vector.broadcast %add3A_825 : i32 to vector<16xi32>
          %add3A_827 = arith.addi %add3A_826, %and3A_824 : vector<16xi32>
          %add3A_828 = arith.addi %bitcast_convert_type3A_818, %add3A_827 : vector<16xi32>
          %and3A_829 = arith.constant -65536 : i32
          %and3A_830 = vector.broadcast %and3A_829 : i32 to vector<16xi32>
          %and3A_831 = arith.andi %add3A_828, %and3A_830 : vector<16xi32>
          %bitcast_convert_type3A_832 = tpu.bitcast %and3A_831 : vector<16xi32> -> vector<16xf32>
          %get3A_833 = arith.constant 0 : i32
          %get3A_834 = arith.constant 0 : i32
          %get3A_835 = arith.constant 0 : i32
          %get3A_836 = tpu.memref_slice %run_scoped3A_8[%rem3A_389, %get3A_834, %get3A_835] : memref<2x1x4096xf32, #tpu.memory_space<vmem>> -> memref<1x1x4096xf32, #tpu.memory_space<vmem>>
          %get3A_837 = tpu.memref_squeeze %get3A_836 : memref<1x1x4096xf32, #tpu.memory_space<vmem>> -> memref<1x4096xf32, #tpu.memory_space<vmem>>
          %get3A_838 = arith.index_cast %get3A_833 : i32 to index
          %get3A_839 = arith.index_cast %add3A_805 : i32 to index
          %get3A_840 = tpu.vector_load %get3A_837[%get3A_838, %get3A_839] {strides = array<i32>} : memref<1x4096xf32, #tpu.memory_space<vmem>>, vector<1x16xf32>,
          %get3A_841 = vector.shape_cast %get3A_840 : vector<1x16xf32> to vector<16xf32>
          %mul3A_842 = arith.mulf %bitcast_convert_type3A_832, %get3A_841 : vector<16xf32>
          %add3A_843 = arith.addf %scan3A_719, %mul3A_842 : vector<16xf32>
          %mul3A_844 = arith.constant 64 : i32
          %mul3A_845 = arith.muli %scan3A_716, %mul3A_844 : i32
          %add3A_846 = arith.constant 48 : i32
          %add3A_847 = arith.addi %mul3A_845, %add3A_846 : i32
          %get3A_848 = arith.constant 0 : i32
          %get3A_849 = arith.constant 6 : i32
          %get3A_850 = arith.constant 0 : i32
          %get3A_851 = arith.constant 0 : i32
          %get3A_852 = arith.constant 0 : i32
          %get3A_853 = tpu.memref_slice %run_scoped3A[%rem3A_387, %get3A_850, %get3A_851, %get3A_852] : memref<2x1x8x4096xf32, #tpu.memory_space<vmem>> -> memref<1x1x8x4096xf32, #tpu.memory_space<vmem>>
          %get3A_854 = tpu.memref_squeeze %get3A_853 : memref<1x1x8x4096xf32, #tpu.memory_space<vmem>> -> memref<1x8x4096xf32, #tpu.memory_space<vmem>>
          %get3A_855 = arith.index_cast %get3A_848 : i32 to index
          %get3A_856 = arith.index_cast %get3A_849 : i32 to index
          %get3A_857 = arith.index_cast %add3A_847 : i32 to index
          %get3A_858 = tpu.vector_load %get3A_854[%get3A_855, %get3A_856, %get3A_857] {strides = array<i32>} : memref<1x8x4096xf32, #tpu.memory_space<vmem>>, vector<1x1x16xf32>,
          %get3A_859 = vector.shape_cast %get3A_858 : vector<1x1x16xf32> to vector<16xf32>
          %bitcast_convert_type3A_860 = tpu.bitcast %get3A_859 : vector<16xf32> -> vector<16xi32>
          %shift_right_logical3A_861 = arith.constant 16 : i32
          %shift_right_logical3A_862 = vector.broadcast %shift_right_logical3A_861 : i32 to vector<16xi32>
          %shift_right_logical3A_863 = arith.shrui %bitcast_convert_type3A_860, %shift_right_logical3A_862 : vector<16xi32>
          %and3A_864 = arith.constant 1 : i32
          %and3A_865 = vector.broadcast %and3A_864 : i32 to vector<16xi32>
          %and3A_866 = arith.andi %shift_right_logical3A_863, %and3A_865 : vector<16xi32>
          %add3A_867 = arith.constant 32767 : i32
          %add3A_868 = vector.broadcast %add3A_867 : i32 to vector<16xi32>
          %add3A_869 = arith.addi %add3A_868, %and3A_866 : vector<16xi32>
          %add3A_870 = arith.addi %bitcast_convert_type3A_860, %add3A_869 : vector<16xi32>
          %and3A_871 = arith.constant -65536 : i32
          %and3A_872 = vector.broadcast %and3A_871 : i32 to vector<16xi32>
          %and3A_873 = arith.andi %add3A_870, %and3A_872 : vector<16xi32>
          %bitcast_convert_type3A_874 = tpu.bitcast %and3A_873 : vector<16xi32> -> vector<16xf32>
          %get3A_875 = arith.constant 0 : i32
          %get3A_876 = arith.constant 0 : i32
          %get3A_877 = arith.constant 0 : i32
          %get3A_878 = tpu.memref_slice %run_scoped3A_8[%rem3A_389, %get3A_876, %get3A_877] : memref<2x1x4096xf32, #tpu.memory_space<vmem>> -> memref<1x1x4096xf32, #tpu.memory_space<vmem>>
          %get3A_879 = tpu.memref_squeeze %get3A_878 : memref<1x1x4096xf32, #tpu.memory_space<vmem>> -> memref<1x4096xf32, #tpu.memory_space<vmem>>
          %get3A_880 = arith.index_cast %get3A_875 : i32 to index
          %get3A_881 = arith.index_cast %add3A_847 : i32 to index
          %get3A_882 = tpu.vector_load %get3A_879[%get3A_880, %get3A_881] {strides = array<i32>} : memref<1x4096xf32, #tpu.memory_space<vmem>>, vector<1x16xf32>,
          %get3A_883 = vector.shape_cast %get3A_882 : vector<1x16xf32> to vector<16xf32>
          %mul3A_884 = arith.mulf %bitcast_convert_type3A_874, %get3A_883 : vector<16xf32>
          %add3A_885 = arith.addf %scan3A_720, %mul3A_884 : vector<16xf32>
          scf.yield %add3A_759, %add3A_801, %add3A_843, %add3A_885 : vector<16xf32>, vector<16xf32>, vector<16xf32>, vector<16xf32>
        }
        %scan3A_541 = arith.constant 64 : i32
        %add3A_542 = arith.addf %scan3A_540#0, %scan3A_540#1 : vector<16xf32>
        %add3A_543 = arith.addf %scan3A_540#2, %scan3A_540#3 : vector<16xf32>
        %add3A_544 = arith.addf %add3A_542, %add3A_543 : vector<16xf32>
        %swap3A_545 = arith.constant 0 : i32
        %swap3A_546 = arith.constant 6 : i32
        %swap3A_547 = arith.constant 0 : i32
        %swap3A_548 = arith.constant 0 : i32
        %swap3A_549 = arith.constant 0 : i32
        %swap3A_550 = tpu.memref_slice %run_scoped3A_10[%rem3A_391, %swap3A_547, %swap3A_548, %swap3A_549] : memref<2x1x8x16xf32, #tpu.memory_space<vmem>> -> memref<1x1x8x16xf32, #tpu.memory_space<vmem>>
        %swap3A_551 = tpu.memref_squeeze %swap3A_550 : memref<1x1x8x16xf32, #tpu.memory_space<vmem>> -> memref<1x8x16xf32, #tpu.memory_space<vmem>>
        %swap3A_552 = arith.index_cast %swap3A_545 : i32 to index
        %swap3A_553 = arith.index_cast %swap3A_546 : i32 to index
        %swap3A_554 = arith.constant 0 : index
        %swap3A_555 = tpu.vector_load %swap3A_551[%swap3A_552, %swap3A_553, %swap3A_554] {strides = array<i32>} : memref<1x8x16xf32, #tpu.memory_space<vmem>>, vector<1x1x16xf32>,
        %swap3A_556 = vector.shape_cast %swap3A_555 : vector<1x1x16xf32> to vector<16xf32>
        %swap3A_557 = vector.shape_cast %add3A_544 : vector<16xf32> to vector<1x1x16xf32>
        tpu.vector_store %swap3A_551[%swap3A_552, %swap3A_553, %swap3A_554], %swap3A_557 {strides = array<i32>} : memref<1x8x16xf32, #tpu.memory_space<vmem>>, vector<1x1x16xf32>,
        %broadcast_in_dim3A_558 = arith.constant 0.000000e+00 : f32
        %broadcast_in_dim3A_559 = vector.broadcast %broadcast_in_dim3A_558 : f32 to vector<16xf32>
        %scan3A_560 = arith.constant 0 : i32
        %scan3A_561 = arith.constant 64 : i32
        %scan3A_562 = arith.addi %scan3A_560, %scan3A_561 : i32
        %scan3A_563 = arith.constant 1 : i32
        %scan3A_564:4 = scf.for %scan3A_716 = %scan3A_560 to %scan3A_562 step %scan3A_563 iter_args(%scan3A_717 = %broadcast_in_dim3A_559, %scan3A_718 = %broadcast_in_dim3A_559, %scan3A_719 = %broadcast_in_dim3A_559, %scan3A_720 = %broadcast_in_dim3A_559) -> (vector<16xf32>, vector<16xf32>, vector<16xf32>, vector<16xf32>)  : i32 {
          %mul3A_721 = arith.constant 64 : i32
          %mul3A_722 = arith.muli %scan3A_716, %mul3A_721 : i32
          %add3A_723 = arith.constant 0 : i32
          %add3A_724 = arith.addi %mul3A_722, %add3A_723 : i32
          %get3A = arith.constant 0 : i32
          %get3A_725 = arith.constant 7 : i32
          %get3A_726 = arith.constant 0 : i32
          %get3A_727 = arith.constant 0 : i32
          %get3A_728 = arith.constant 0 : i32
          %get3A_729 = tpu.memref_slice %run_scoped3A[%rem3A_387, %get3A_726, %get3A_727, %get3A_728] : memref<2x1x8x4096xf32, #tpu.memory_space<vmem>> -> memref<1x1x8x4096xf32, #tpu.memory_space<vmem>>
          %get3A_730 = tpu.memref_squeeze %get3A_729 : memref<1x1x8x4096xf32, #tpu.memory_space<vmem>> -> memref<1x8x4096xf32, #tpu.memory_space<vmem>>
          %get3A_731 = arith.index_cast %get3A : i32 to index
          %get3A_732 = arith.index_cast %get3A_725 : i32 to index
          %get3A_733 = arith.index_cast %add3A_724 : i32 to index
          %get3A_734 = tpu.vector_load %get3A_730[%get3A_731, %get3A_732, %get3A_733] {strides = array<i32>} : memref<1x8x4096xf32, #tpu.memory_space<vmem>>, vector<1x1x16xf32>,
          %get3A_735 = vector.shape_cast %get3A_734 : vector<1x1x16xf32> to vector<16xf32>
          %bitcast_convert_type3A = tpu.bitcast %get3A_735 : vector<16xf32> -> vector<16xi32>
          %shift_right_logical3A = arith.constant 16 : i32
          %shift_right_logical3A_736 = vector.broadcast %shift_right_logical3A : i32 to vector<16xi32>
          %shift_right_logical3A_737 = arith.shrui %bitcast_convert_type3A, %shift_right_logical3A_736 : vector<16xi32>
          %and3A_738 = arith.constant 1 : i32
          %and3A_739 = vector.broadcast %and3A_738 : i32 to vector<16xi32>
          %and3A_740 = arith.andi %shift_right_logical3A_737, %and3A_739 : vector<16xi32>
          %add3A_741 = arith.constant 32767 : i32
          %add3A_742 = vector.broadcast %add3A_741 : i32 to vector<16xi32>
          %add3A_743 = arith.addi %add3A_742, %and3A_740 : vector<16xi32>
          %add3A_744 = arith.addi %bitcast_convert_type3A, %add3A_743 : vector<16xi32>
          %and3A_745 = arith.constant -65536 : i32
          %and3A_746 = vector.broadcast %and3A_745 : i32 to vector<16xi32>
          %and3A_747 = arith.andi %add3A_744, %and3A_746 : vector<16xi32>
          %bitcast_convert_type3A_748 = tpu.bitcast %and3A_747 : vector<16xi32> -> vector<16xf32>
          %get3A_749 = arith.constant 0 : i32
          %get3A_750 = arith.constant 0 : i32
          %get3A_751 = arith.constant 0 : i32
          %get3A_752 = tpu.memref_slice %run_scoped3A_8[%rem3A_389, %get3A_750, %get3A_751] : memref<2x1x4096xf32, #tpu.memory_space<vmem>> -> memref<1x1x4096xf32, #tpu.memory_space<vmem>>
          %get3A_753 = tpu.memref_squeeze %get3A_752 : memref<1x1x4096xf32, #tpu.memory_space<vmem>> -> memref<1x4096xf32, #tpu.memory_space<vmem>>
          %get3A_754 = arith.index_cast %get3A_749 : i32 to index
          %get3A_755 = arith.index_cast %add3A_724 : i32 to index
          %get3A_756 = tpu.vector_load %get3A_753[%get3A_754, %get3A_755] {strides = array<i32>} : memref<1x4096xf32, #tpu.memory_space<vmem>>, vector<1x16xf32>,
          %get3A_757 = vector.shape_cast %get3A_756 : vector<1x16xf32> to vector<16xf32>
          %mul3A_758 = arith.mulf %bitcast_convert_type3A_748, %get3A_757 : vector<16xf32>
          %add3A_759 = arith.addf %scan3A_717, %mul3A_758 : vector<16xf32>
          %mul3A_760 = arith.constant 64 : i32
          %mul3A_761 = arith.muli %scan3A_716, %mul3A_760 : i32
          %add3A_762 = arith.constant 16 : i32
          %add3A_763 = arith.addi %mul3A_761, %add3A_762 : i32
          %get3A_764 = arith.constant 0 : i32
          %get3A_765 = arith.constant 7 : i32
          %get3A_766 = arith.constant 0 : i32
          %get3A_767 = arith.constant 0 : i32
          %get3A_768 = arith.constant 0 : i32
          %get3A_769 = tpu.memref_slice %run_scoped3A[%rem3A_387, %get3A_766, %get3A_767, %get3A_768] : memref<2x1x8x4096xf32, #tpu.memory_space<vmem>> -> memref<1x1x8x4096xf32, #tpu.memory_space<vmem>>
          %get3A_770 = tpu.memref_squeeze %get3A_769 : memref<1x1x8x4096xf32, #tpu.memory_space<vmem>> -> memref<1x8x4096xf32, #tpu.memory_space<vmem>>
          %get3A_771 = arith.index_cast %get3A_764 : i32 to index
          %get3A_772 = arith.index_cast %get3A_765 : i32 to index
          %get3A_773 = arith.index_cast %add3A_763 : i32 to index
          %get3A_774 = tpu.vector_load %get3A_770[%get3A_771, %get3A_772, %get3A_773] {strides = array<i32>} : memref<1x8x4096xf32, #tpu.memory_space<vmem>>, vector<1x1x16xf32>,
          %get3A_775 = vector.shape_cast %get3A_774 : vector<1x1x16xf32> to vector<16xf32>
          %bitcast_convert_type3A_776 = tpu.bitcast %get3A_775 : vector<16xf32> -> vector<16xi32>
          %shift_right_logical3A_777 = arith.constant 16 : i32
          %shift_right_logical3A_778 = vector.broadcast %shift_right_logical3A_777 : i32 to vector<16xi32>
          %shift_right_logical3A_779 = arith.shrui %bitcast_convert_type3A_776, %shift_right_logical3A_778 : vector<16xi32>
          %and3A_780 = arith.constant 1 : i32
          %and3A_781 = vector.broadcast %and3A_780 : i32 to vector<16xi32>
          %and3A_782 = arith.andi %shift_right_logical3A_779, %and3A_781 : vector<16xi32>
          %add3A_783 = arith.constant 32767 : i32
          %add3A_784 = vector.broadcast %add3A_783 : i32 to vector<16xi32>
          %add3A_785 = arith.addi %add3A_784, %and3A_782 : vector<16xi32>
          %add3A_786 = arith.addi %bitcast_convert_type3A_776, %add3A_785 : vector<16xi32>
          %and3A_787 = arith.constant -65536 : i32
          %and3A_788 = vector.broadcast %and3A_787 : i32 to vector<16xi32>
          %and3A_789 = arith.andi %add3A_786, %and3A_788 : vector<16xi32>
          %bitcast_convert_type3A_790 = tpu.bitcast %and3A_789 : vector<16xi32> -> vector<16xf32>
          %get3A_791 = arith.constant 0 : i32
          %get3A_792 = arith.constant 0 : i32
          %get3A_793 = arith.constant 0 : i32
          %get3A_794 = tpu.memref_slice %run_scoped3A_8[%rem3A_389, %get3A_792, %get3A_793] : memref<2x1x4096xf32, #tpu.memory_space<vmem>> -> memref<1x1x4096xf32, #tpu.memory_space<vmem>>
          %get3A_795 = tpu.memref_squeeze %get3A_794 : memref<1x1x4096xf32, #tpu.memory_space<vmem>> -> memref<1x4096xf32, #tpu.memory_space<vmem>>
          %get3A_796 = arith.index_cast %get3A_791 : i32 to index
          %get3A_797 = arith.index_cast %add3A_763 : i32 to index
          %get3A_798 = tpu.vector_load %get3A_795[%get3A_796, %get3A_797] {strides = array<i32>} : memref<1x4096xf32, #tpu.memory_space<vmem>>, vector<1x16xf32>,
          %get3A_799 = vector.shape_cast %get3A_798 : vector<1x16xf32> to vector<16xf32>
          %mul3A_800 = arith.mulf %bitcast_convert_type3A_790, %get3A_799 : vector<16xf32>
          %add3A_801 = arith.addf %scan3A_718, %mul3A_800 : vector<16xf32>
          %mul3A_802 = arith.constant 64 : i32
          %mul3A_803 = arith.muli %scan3A_716, %mul3A_802 : i32
          %add3A_804 = arith.constant 32 : i32
          %add3A_805 = arith.addi %mul3A_803, %add3A_804 : i32
          %get3A_806 = arith.constant 0 : i32
          %get3A_807 = arith.constant 7 : i32
          %get3A_808 = arith.constant 0 : i32
          %get3A_809 = arith.constant 0 : i32
          %get3A_810 = arith.constant 0 : i32
          %get3A_811 = tpu.memref_slice %run_scoped3A[%rem3A_387, %get3A_808, %get3A_809, %get3A_810] : memref<2x1x8x4096xf32, #tpu.memory_space<vmem>> -> memref<1x1x8x4096xf32, #tpu.memory_space<vmem>>
          %get3A_812 = tpu.memref_squeeze %get3A_811 : memref<1x1x8x4096xf32, #tpu.memory_space<vmem>> -> memref<1x8x4096xf32, #tpu.memory_space<vmem>>
          %get3A_813 = arith.index_cast %get3A_806 : i32 to index
          %get3A_814 = arith.index_cast %get3A_807 : i32 to index
          %get3A_815 = arith.index_cast %add3A_805 : i32 to index
          %get3A_816 = tpu.vector_load %get3A_812[%get3A_813, %get3A_814, %get3A_815] {strides = array<i32>} : memref<1x8x4096xf32, #tpu.memory_space<vmem>>, vector<1x1x16xf32>,
          %get3A_817 = vector.shape_cast %get3A_816 : vector<1x1x16xf32> to vector<16xf32>
          %bitcast_convert_type3A_818 = tpu.bitcast %get3A_817 : vector<16xf32> -> vector<16xi32>
          %shift_right_logical3A_819 = arith.constant 16 : i32
          %shift_right_logical3A_820 = vector.broadcast %shift_right_logical3A_819 : i32 to vector<16xi32>
          %shift_right_logical3A_821 = arith.shrui %bitcast_convert_type3A_818, %shift_right_logical3A_820 : vector<16xi32>
          %and3A_822 = arith.constant 1 : i32
          %and3A_823 = vector.broadcast %and3A_822 : i32 to vector<16xi32>
          %and3A_824 = arith.andi %shift_right_logical3A_821, %and3A_823 : vector<16xi32>
          %add3A_825 = arith.constant 32767 : i32
          %add3A_826 = vector.broadcast %add3A_825 : i32 to vector<16xi32>
          %add3A_827 = arith.addi %add3A_826, %and3A_824 : vector<16xi32>
          %add3A_828 = arith.addi %bitcast_convert_type3A_818, %add3A_827 : vector<16xi32>
          %and3A_829 = arith.constant -65536 : i32
          %and3A_830 = vector.broadcast %and3A_829 : i32 to vector<16xi32>
          %and3A_831 = arith.andi %add3A_828, %and3A_830 : vector<16xi32>
          %bitcast_convert_type3A_832 = tpu.bitcast %and3A_831 : vector<16xi32> -> vector<16xf32>
          %get3A_833 = arith.constant 0 : i32
          %get3A_834 = arith.constant 0 : i32
          %get3A_835 = arith.constant 0 : i32
          %get3A_836 = tpu.memref_slice %run_scoped3A_8[%rem3A_389, %get3A_834, %get3A_835] : memref<2x1x4096xf32, #tpu.memory_space<vmem>> -> memref<1x1x4096xf32, #tpu.memory_space<vmem>>
          %get3A_837 = tpu.memref_squeeze %get3A_836 : memref<1x1x4096xf32, #tpu.memory_space<vmem>> -> memref<1x4096xf32, #tpu.memory_space<vmem>>
          %get3A_838 = arith.index_cast %get3A_833 : i32 to index
          %get3A_839 = arith.index_cast %add3A_805 : i32 to index
          %get3A_840 = tpu.vector_load %get3A_837[%get3A_838, %get3A_839] {strides = array<i32>} : memref<1x4096xf32, #tpu.memory_space<vmem>>, vector<1x16xf32>,
          %get3A_841 = vector.shape_cast %get3A_840 : vector<1x16xf32> to vector<16xf32>
          %mul3A_842 = arith.mulf %bitcast_convert_type3A_832, %get3A_841 : vector<16xf32>
          %add3A_843 = arith.addf %scan3A_719, %mul3A_842 : vector<16xf32>
          %mul3A_844 = arith.constant 64 : i32
          %mul3A_845 = arith.muli %scan3A_716, %mul3A_844 : i32
          %add3A_846 = arith.constant 48 : i32
          %add3A_847 = arith.addi %mul3A_845, %add3A_846 : i32
          %get3A_848 = arith.constant 0 : i32
          %get3A_849 = arith.constant 7 : i32
          %get3A_850 = arith.constant 0 : i32
          %get3A_851 = arith.constant 0 : i32
          %get3A_852 = arith.constant 0 : i32
          %get3A_853 = tpu.memref_slice %run_scoped3A[%rem3A_387, %get3A_850, %get3A_851, %get3A_852] : memref<2x1x8x4096xf32, #tpu.memory_space<vmem>> -> memref<1x1x8x4096xf32, #tpu.memory_space<vmem>>
          %get3A_854 = tpu.memref_squeeze %get3A_853 : memref<1x1x8x4096xf32, #tpu.memory_space<vmem>> -> memref<1x8x4096xf32, #tpu.memory_space<vmem>>
          %get3A_855 = arith.index_cast %get3A_848 : i32 to index
          %get3A_856 = arith.index_cast %get3A_849 : i32 to index
          %get3A_857 = arith.index_cast %add3A_847 : i32 to index
          %get3A_858 = tpu.vector_load %get3A_854[%get3A_855, %get3A_856, %get3A_857] {strides = array<i32>} : memref<1x8x4096xf32, #tpu.memory_space<vmem>>, vector<1x1x16xf32>,
          %get3A_859 = vector.shape_cast %get3A_858 : vector<1x1x16xf32> to vector<16xf32>
          %bitcast_convert_type3A_860 = tpu.bitcast %get3A_859 : vector<16xf32> -> vector<16xi32>
          %shift_right_logical3A_861 = arith.constant 16 : i32
          %shift_right_logical3A_862 = vector.broadcast %shift_right_logical3A_861 : i32 to vector<16xi32>
          %shift_right_logical3A_863 = arith.shrui %bitcast_convert_type3A_860, %shift_right_logical3A_862 : vector<16xi32>
          %and3A_864 = arith.constant 1 : i32
          %and3A_865 = vector.broadcast %and3A_864 : i32 to vector<16xi32>
          %and3A_866 = arith.andi %shift_right_logical3A_863, %and3A_865 : vector<16xi32>
          %add3A_867 = arith.constant 32767 : i32
          %add3A_868 = vector.broadcast %add3A_867 : i32 to vector<16xi32>
          %add3A_869 = arith.addi %add3A_868, %and3A_866 : vector<16xi32>
          %add3A_870 = arith.addi %bitcast_convert_type3A_860, %add3A_869 : vector<16xi32>
          %and3A_871 = arith.constant -65536 : i32
          %and3A_872 = vector.broadcast %and3A_871 : i32 to vector<16xi32>
          %and3A_873 = arith.andi %add3A_870, %and3A_872 : vector<16xi32>
          %bitcast_convert_type3A_874 = tpu.bitcast %and3A_873 : vector<16xi32> -> vector<16xf32>
          %get3A_875 = arith.constant 0 : i32
          %get3A_876 = arith.constant 0 : i32
          %get3A_877 = arith.constant 0 : i32
          %get3A_878 = tpu.memref_slice %run_scoped3A_8[%rem3A_389, %get3A_876, %get3A_877] : memref<2x1x4096xf32, #tpu.memory_space<vmem>> -> memref<1x1x4096xf32, #tpu.memory_space<vmem>>
          %get3A_879 = tpu.memref_squeeze %get3A_878 : memref<1x1x4096xf32, #tpu.memory_space<vmem>> -> memref<1x4096xf32, #tpu.memory_space<vmem>>
          %get3A_880 = arith.index_cast %get3A_875 : i32 to index
          %get3A_881 = arith.index_cast %add3A_847 : i32 to index
          %get3A_882 = tpu.vector_load %get3A_879[%get3A_880, %get3A_881] {strides = array<i32>} : memref<1x4096xf32, #tpu.memory_space<vmem>>, vector<1x16xf32>,
          %get3A_883 = vector.shape_cast %get3A_882 : vector<1x16xf32> to vector<16xf32>
          %mul3A_884 = arith.mulf %bitcast_convert_type3A_874, %get3A_883 : vector<16xf32>
          %add3A_885 = arith.addf %scan3A_720, %mul3A_884 : vector<16xf32>
          scf.yield %add3A_759, %add3A_801, %add3A_843, %add3A_885 : vector<16xf32>, vector<16xf32>, vector<16xf32>, vector<16xf32>
        }
        %scan3A_565 = arith.constant 64 : i32
        %add3A_566 = arith.addf %scan3A_564#0, %scan3A_564#1 : vector<16xf32>
        %add3A_567 = arith.addf %scan3A_564#2, %scan3A_564#3 : vector<16xf32>
        %add3A_568 = arith.addf %add3A_566, %add3A_567 : vector<16xf32>
        %swap3A_569 = arith.constant 0 : i32
        %swap3A_570 = arith.constant 7 : i32
        %swap3A_571 = arith.constant 0 : i32
        %swap3A_572 = arith.constant 0 : i32
        %swap3A_573 = arith.constant 0 : i32
        %swap3A_574 = tpu.memref_slice %run_scoped3A_10[%rem3A_391, %swap3A_571, %swap3A_572, %swap3A_573] : memref<2x1x8x16xf32, #tpu.memory_space<vmem>> -> memref<1x1x8x16xf32, #tpu.memory_space<vmem>>
        %swap3A_575 = tpu.memref_squeeze %swap3A_574 : memref<1x1x8x16xf32, #tpu.memory_space<vmem>> -> memref<1x8x16xf32, #tpu.memory_space<vmem>>
        %swap3A_576 = arith.index_cast %swap3A_569 : i32 to index
        %swap3A_577 = arith.index_cast %swap3A_570 : i32 to index
        %swap3A_578 = arith.constant 0 : index
        %swap3A_579 = tpu.vector_load %swap3A_575[%swap3A_576, %swap3A_577, %swap3A_578] {strides = array<i32>} : memref<1x8x16xf32, #tpu.memory_space<vmem>>, vector<1x1x16xf32>,
        %swap3A_580 = vector.shape_cast %swap3A_579 : vector<1x1x16xf32> to vector<16xf32>
        %swap3A_581 = vector.shape_cast %add3A_568 : vector<16xf32> to vector<1x1x16xf32>
        tpu.vector_store %swap3A_575[%swap3A_576, %swap3A_577, %swap3A_578], %swap3A_581 {strides = array<i32>} : memref<1x8x16xf32, #tpu.memory_space<vmem>>, vector<1x1x16xf32>,
        "tpu.trace_stop"() : () -> ()
        %add3A_582 = arith.constant 224 : i32
        %add3A_583 = arith.addi %add3A_582, %add3A_246 : i32
        %add3A_584 = arith.constant 224 : i32
        %add3A_585 = arith.addi %add3A_584, %add3A_284 : i32
        %ne3A_586 = arith.cmpi ne, %add3A_244, %add3A_282 : i32
        %ne3A_587 = arith.cmpi ne, %add3A_583, %add3A_585 : i32
        %or3A_588 = arith.constant false
        %or3A_589 = arith.ori %or3A_588, %ne3A_586 : i1
        %or3A_590 = arith.ori %or3A_589, %ne3A_587 : i1
        %or3A_591 = arith.constant false
        %or3A_592 = arith.ori %or3A_590, %or3A_591 : i1
        %or3A_593 = arith.ori %or3A_592, %eq3A_242 : i1
        %convert_element_type3A_594 = arith.extui %or3A_593 : i1 to i32
        %cond3A_595 = arith.constant 0 : i32
        %cond3A_596 = arith.cmpi ne, %convert_element_type3A_594, %cond3A_595 : i32
        scf.if %cond3A_596 {
        } else {
        }
        %and3A_597 = arith.constant false
        %and3A_598 = arith.andi %or3A_593, %and3A_597 : i1
        %ne3A_599 = arith.cmpi ne, %add3A_244, %add3A_282 : i32
        %or3A_600 = arith.constant false
        %or3A_601 = arith.ori %or3A_600, %ne3A_599 : i1
        %or3A_602 = arith.constant false
        %or3A_603 = arith.ori %or3A_601, %or3A_602 : i1
        %or3A_604 = arith.ori %or3A_603, %eq3A_242 : i1
        %convert_element_type3A_605 = arith.extui %or3A_604 : i1 to i32
        %cond3A_606 = arith.constant 0 : i32
        %cond3A_607 = arith.cmpi ne, %convert_element_type3A_605, %cond3A_606 : i32
        scf.if %cond3A_607 {
        } else {
        }
        %and3A_608 = arith.constant false
        %and3A_609 = arith.andi %or3A_604, %and3A_608 : i1
        %ne3A_610 = arith.cmpi ne, %add3A_244, %add3A_282 : i32
        %ne3A_611 = arith.cmpi ne, %add3A_246, %add3A_284 : i32
        %or3A_612 = arith.constant false
        %or3A_613 = arith.ori %or3A_612, %ne3A_610 : i1
        %or3A_614 = arith.ori %or3A_613, %ne3A_611 : i1
        %or3A_615 = arith.constant false
        %or3A_616 = arith.ori %or3A_614, %or3A_615 : i1
        %or3A_617 = arith.ori %or3A_616, %eq3A_242 : i1
        %convert_element_type3A_618 = arith.extui %or3A_617 : i1 to i32
        %cond3A_619 = arith.constant 0 : i32
        %cond3A_620 = arith.cmpi ne, %convert_element_type3A_618, %cond3A_619 : i32
        scf.if %cond3A_620 {
          "tpu.trace_start"() <{level = 10 : i32, message = "ep_copy_out"}> : () -> ()
          %rem3A_716 = arith.constant 2 : i32
          %rem3A_717 = arith.remui %scan3A_235, %rem3A_716 : i32
          %mul3A_718 = arith.constant 1 : i32
          %mul3A_719 = arith.muli %mul3A_718, %add3A_244 : i32
          %mul3A_720 = arith.constant 8 : i32
          %mul3A_721 = arith.muli %mul3A_720, %add3A_246 : i32
          %dma_start3A_722 = arith.constant 0 : i32
          %dma_start3A_723 = arith.constant 0 : i32
          %dma_start3A_724 = arith.constant 0 : i32
          %dma_start3A_725 = tpu.memref_slice %run_scoped3A_10[%rem3A_717, %dma_start3A_722, %dma_start3A_723, %dma_start3A_724] : memref<2x1x8x16xf32, #tpu.memory_space<vmem>> -> memref<1x1x8x16xf32, #tpu.memory_space<vmem>>
          %dma_start3A_726 = tpu.memref_squeeze %dma_start3A_725 : memref<1x1x8x16xf32, #tpu.memory_space<vmem>> -> memref<1x8x16xf32, #tpu.memory_space<vmem>>
          %dma_start3A_727 = arith.constant 0 : i32
          %dma_start3A_728 = tpu.memref_slice %arg4[%mul3A_719, %mul3A_721, %dma_start3A_727] : memref<4x256x16xf32, #tpu.memory_space<hbm>> -> memref<1x8x16xf32, #tpu.memory_space<hbm>>
          %dma_start3A_729 = tpu.memref_slice %run_scoped3A_11[%rem3A_717] : memref<2x!tpu.dma_semaphore, #tpu.memory_space<semaphore_mem>> -> memref<1x!tpu.dma_semaphore, #tpu.memory_space<semaphore_mem>>
          %dma_start3A_730 = tpu.memref_squeeze %dma_start3A_729 : memref<1x!tpu.dma_semaphore, #tpu.memory_space<semaphore_mem>> -> memref<!tpu.dma_semaphore, #tpu.memory_space<semaphore_mem>>
          %dma_start3A_731 = arith.constant 0 : i32
          %dma_start3A_732 = tpu.memref_slice %arg4[%mul3A_719, %mul3A_721, %dma_start3A_731] : memref<4x256x16xf32, #tpu.memory_space<hbm>> -> memref<1x8x16xf32, #tpu.memory_space<hbm>>
          %dma_start3A_733 = arith.constant 0 : i32
          %dma_start3A_734 = arith.constant 0 : i32
          %dma_start3A_735 = arith.constant 0 : i32
          %dma_start3A_736 = tpu.memref_slice %run_scoped3A_10[%rem3A_717, %dma_start3A_733, %dma_start3A_734, %dma_start3A_735] : memref<2x1x8x16xf32, #tpu.memory_space<vmem>> -> memref<1x1x8x16xf32, #tpu.memory_space<vmem>>
          %dma_start3A_737 = tpu.memref_squeeze %dma_start3A_736 : memref<1x1x8x16xf32, #tpu.memory_space<vmem>> -> memref<1x8x16xf32, #tpu.memory_space<vmem>>
          tpu.enqueue_dma source(%dma_start3A_737 : memref<1x8x16xf32, #tpu.memory_space<vmem>>) target(%dma_start3A_732 : memref<1x8x16xf32, #tpu.memory_space<hbm>>) target_semaphore(%dma_start3A_730 : memref<!tpu.dma_semaphore, #tpu.memory_space<semaphore_mem>>)
          "tpu.trace_stop"() : () -> ()
        } else {
        }
        %and3A_621 = arith.constant true
        %and3A_622 = arith.andi %or3A_617, %and3A_621 : i1
        %add3A_623 = arith.constant 1 : i32
        %add3A_624 = arith.addi %scan3A_235, %add3A_623 : i32
        %select_n3A_625 = arith.select %and3A_622, %add3A_624, %scan3A_235 : i32
        %add3A_626 = arith.constant 224 : i32
        %add3A_627 = arith.addi %add3A_626, %add3A_246 : i32
        %add3A_628 = arith.constant 224 : i32
        %add3A_629 = arith.addi %add3A_628, %add3A_265 : i32
        %ne3A_630 = arith.cmpi ne, %add3A_244, %add3A_263 : i32
        %ne3A_631 = arith.cmpi ne, %add3A_627, %add3A_629 : i32
        %or3A_632 = arith.constant false
        %or3A_633 = arith.ori %or3A_632, %ne3A_630 : i1
        %or3A_634 = arith.ori %or3A_633, %ne3A_631 : i1
        %or3A_635 = arith.constant false
        %or3A_636 = arith.ori %or3A_634, %or3A_635 : i1
        %not3A_637 = arith.constant true
        %not3A_638 = arith.xori %eq3A_240, %not3A_637 : i1
        %and3A_639 = arith.andi %or3A_636, %not3A_638 : i1
        %convert_element_type3A_640 = arith.extui %and3A_639 : i1 to i32
        %cond3A_641 = arith.constant 0 : i32
        %cond3A_642 = arith.cmpi ne, %convert_element_type3A_640, %cond3A_641 : i32
        scf.if %cond3A_642 {
        } else {
        }
        %and3A_643 = arith.constant false
        %and3A_644 = arith.andi %and3A_639, %and3A_643 : i1
        %ne3A_645 = arith.cmpi ne, %add3A_244, %add3A_263 : i32
        %or3A_646 = arith.constant false
        %or3A_647 = arith.ori %or3A_646, %ne3A_645 : i1
        %or3A_648 = arith.constant false
        %or3A_649 = arith.ori %or3A_647, %or3A_648 : i1
        %not3A_650 = arith.constant true
        %not3A_651 = arith.xori %eq3A_240, %not3A_650 : i1
        %and3A_652 = arith.andi %or3A_649, %not3A_651 : i1
        %convert_element_type3A_653 = arith.extui %and3A_652 : i1 to i32
        %cond3A_654 = arith.constant 0 : i32
        %cond3A_655 = arith.cmpi ne, %convert_element_type3A_653, %cond3A_654 : i32
        scf.if %cond3A_655 {
        } else {
        }
        %and3A_656 = arith.constant false
        %and3A_657 = arith.andi %and3A_652, %and3A_656 : i1
        %ne3A_658 = arith.cmpi ne, %add3A_244, %add3A_263 : i32
        %ne3A_659 = arith.cmpi ne, %add3A_246, %add3A_265 : i32
        %or3A_660 = arith.constant false
        %or3A_661 = arith.ori %or3A_660, %ne3A_658 : i1
        %or3A_662 = arith.ori %or3A_661, %ne3A_659 : i1
        %or3A_663 = arith.constant false
        %or3A_664 = arith.ori %or3A_662, %or3A_663 : i1
        %not3A_665 = arith.constant true
        %not3A_666 = arith.xori %eq3A_240, %not3A_665 : i1
        %and3A_667 = arith.andi %or3A_664, %not3A_666 : i1
        %convert_element_type3A_668 = arith.extui %and3A_667 : i1 to i32
        %cond3A_669 = arith.constant 0 : i32
        %cond3A_670 = arith.cmpi ne, %convert_element_type3A_668, %cond3A_669 : i32
        scf.if %cond3A_670 {
          "tpu.trace_start"() <{level = 10 : i32, message = "ep_wait_out"}> : () -> ()
          %rem3A_716 = arith.constant 2 : i32
          %rem3A_717 = arith.remui %scan3A_236, %rem3A_716 : i32
          %mul3A_718 = arith.constant 1 : i32
          %mul3A_719 = arith.muli %mul3A_718, %add3A_263 : i32
          %mul3A_720 = arith.constant 8 : i32
          %mul3A_721 = arith.muli %mul3A_720, %add3A_265 : i32
          %dma_wait3A_722 = arith.constant 0 : i32
          %dma_wait3A_723 = arith.constant 0 : i32
          %dma_wait3A_724 = arith.constant 0 : i32
          %dma_wait3A_725 = tpu.memref_slice %run_scoped3A_10[%rem3A_717, %dma_wait3A_722, %dma_wait3A_723, %dma_wait3A_724] : memref<2x1x8x16xf32, #tpu.memory_space<vmem>> -> memref<1x1x8x16xf32, #tpu.memory_space<vmem>>
          %dma_wait3A_726 = tpu.memref_squeeze %dma_wait3A_725 : memref<1x1x8x16xf32, #tpu.memory_space<vmem>> -> memref<1x8x16xf32, #tpu.memory_space<vmem>>
          %dma_wait3A_727 = arith.constant 0 : i32
          %dma_wait3A_728 = tpu.memref_slice %arg4[%mul3A_719, %mul3A_721, %dma_wait3A_727] : memref<4x256x16xf32, #tpu.memory_space<hbm>> -> memref<1x8x16xf32, #tpu.memory_space<hbm>>
          %dma_wait3A_729 = tpu.memref_slice %run_scoped3A_11[%rem3A_717] : memref<2x!tpu.dma_semaphore, #tpu.memory_space<semaphore_mem>> -> memref<1x!tpu.dma_semaphore, #tpu.memory_space<semaphore_mem>>
          %dma_wait3A_730 = tpu.memref_squeeze %dma_wait3A_729 : memref<1x!tpu.dma_semaphore, #tpu.memory_space<semaphore_mem>> -> memref<!tpu.dma_semaphore, #tpu.memory_space<semaphore_mem>>
          %dma_wait3A_731 = arith.constant 0 : i32
          %dma_wait3A_732 = tpu.memref_slice %arg4[%mul3A_719, %mul3A_721, %dma_wait3A_731] : memref<4x256x16xf32, #tpu.memory_space<hbm>> -> memref<1x8x16xf32, #tpu.memory_space<hbm>>
          %dma_wait3A_733 = arith.constant 0 : i32
          %dma_wait3A_734 = arith.constant 0 : i32
          %dma_wait3A_735 = arith.constant 0 : i32
          %dma_wait3A_736 = tpu.memref_slice %run_scoped3A_10[%rem3A_717, %dma_wait3A_733, %dma_wait3A_734, %dma_wait3A_735] : memref<2x1x8x16xf32, #tpu.memory_space<vmem>> -> memref<1x1x8x16xf32, #tpu.memory_space<vmem>>
          %dma_wait3A_737 = tpu.memref_squeeze %dma_wait3A_736 : memref<1x1x8x16xf32, #tpu.memory_space<vmem>> -> memref<1x8x16xf32, #tpu.memory_space<vmem>>
          tpu.wait_dma2 semaphore(%dma_wait3A_730 : memref<!tpu.dma_semaphore, #tpu.memory_space<semaphore_mem>>) src(%dma_wait3A_737 : memref<1x8x16xf32, #tpu.memory_space<vmem>>) dst(%dma_wait3A_732 : memref<1x8x16xf32, #tpu.memory_space<hbm>>)
          "tpu.trace_stop"() : () -> ()
        } else {
        }
        %and3A_671 = arith.constant true
        %and3A_672 = arith.andi %and3A_667, %and3A_671 : i1
        %add3A_673 = arith.constant 1 : i32
        %add3A_674 = arith.addi %scan3A_236, %add3A_673 : i32
        %select_n3A_675 = arith.select %and3A_672, %add3A_674, %scan3A_236 : i32
        %add3A_676 = arith.constant 224 : i32
        %add3A_677 = arith.addi %add3A_676, %add3A_246 : i32
        %add3A_678 = arith.constant 224 : i32
        %add3A_679 = arith.addi %add3A_678, %add3A_284 : i32
        %ne3A_680 = arith.cmpi ne, %add3A_244, %add3A_282 : i32
        %ne3A_681 = arith.cmpi ne, %add3A_677, %add3A_679 : i32
        %or3A_682 = arith.constant false
        %or3A_683 = arith.ori %or3A_682, %ne3A_680 : i1
        %or3A_684 = arith.ori %or3A_683, %ne3A_681 : i1
        %or3A_685 = arith.constant false
        %or3A_686 = arith.ori %or3A_684, %or3A_685 : i1
        %or3A_687 = arith.ori %or3A_686, %eq3A_242 : i1
        %add3A_688 = arith.constant 1 : i32
        %add3A_689 = arith.addi %scan3A_232, %add3A_688 : i32
        %select_n3A_690 = arith.select %or3A_687, %add3A_689, %scan3A_232 : i32
        %ne3A_691 = arith.cmpi ne, %add3A_244, %add3A_282 : i32
        %or3A_692 = arith.constant false
        %or3A_693 = arith.ori %or3A_692, %ne3A_691 : i1
        %or3A_694 = arith.constant false
        %or3A_695 = arith.ori %or3A_693, %or3A_694 : i1
        %or3A_696 = arith.ori %or3A_695, %eq3A_242 : i1
        %add3A_697 = arith.constant 1 : i32
        %add3A_698 = arith.addi %scan3A_234, %add3A_697 : i32
        %select_n3A_699 = arith.select %or3A_696, %add3A_698, %scan3A_234 : i32
        %select_n3A_700 = arith.constant true
        %select_n3A_701 = arith.constant 0 : i32
        %select_n3A_702 = arith.constant 1 : i32
        %select_n3A_703 = arith.select %select_n3A_700, %select_n3A_702, %select_n3A_701 : i32
        %eq3A_704 = arith.constant 1 : i32
        %eq3A_705 = arith.cmpi eq, %select_n3A_703, %eq3A_704 : i32
        %select_n3A_706 = arith.constant 0 : i32
        %select_n3A_707 = arith.select %eq3A_705, %select_n3A_706, %select_n3A_703 : i32
        %add3A_708 = arith.constant 1 : i32
        %add3A_709 = arith.addi %scan3A_237, %add3A_708 : i32
        %select_n3A_710 = arith.select %eq3A_705, %add3A_709, %scan3A_237 : i32
        %eq3A_711 = arith.constant 4 : i32
        %eq3A_712 = arith.cmpi eq, %select_n3A_710, %eq3A_711 : i32
        %select_n3A_713 = arith.constant 0 : i32
        %select_n3A_714 = arith.select %eq3A_712, %select_n3A_713, %select_n3A_710 : i32
        %scan3A_715 = arith.constant 0 : i32
        scf.yield %select_n3A_320, %select_n3A_690, %select_n3A_338, %select_n3A_699, %select_n3A_625, %select_n3A_675, %select_n3A_714, %scan3A_715 : i32, i32, i32, i32, i32, i32, i32, i32
      }
      %scan3A_133 = arith.constant 4 : i32
      %sub3A = arith.constant 1 : i32
      %sub3A_134 = arith.subi %scan3A_132#7, %sub3A : i32
      %select_n3A_135 = arith.constant true
      %select_n3A_136 = arith.select %select_n3A_135, %sub3A_134, %scan3A_132#7 : i32
      %eq3A_137 = arith.constant -1 : i32
      %eq3A_138 = arith.cmpi eq, %select_n3A_136, %eq3A_137 : i32
      %select_n3A_139 = arith.constant 0 : i32
      %select_n3A_140 = arith.select %eq3A_138, %select_n3A_139, %select_n3A_136 : i32
      %sub3A_141 = arith.constant 1 : i32
      %sub3A_142 = arith.subi %scan3A_132#6, %sub3A_141 : i32
      %select_n3A_143 = arith.select %eq3A_138, %sub3A_142, %scan3A_132#6 : i32
      %eq3A_144 = arith.constant -1 : i32
      %eq3A_145 = arith.cmpi eq, %select_n3A_143, %eq3A_144 : i32
      %select_n3A_146 = arith.constant 3 : i32
      %select_n3A_147 = arith.select %eq3A_145, %select_n3A_146, %select_n3A_143 : i32
      %add3A_148 = arith.constant 0 : i32
      %add3A_149 = arith.addi %select_n3A_147, %add3A_148 : i32
      %add3A_150 = arith.constant 0 : i32
      %add3A_151 = arith.addi %add3A_150, %mul3A_6 : i32
      %select_n3A_152 = arith.constant true
      %select_n3A_153 = arith.constant 0 : i32
      %select_n3A_154 = arith.constant -1 : i32
      %select_n3A_155 = arith.select %select_n3A_152, %select_n3A_154, %select_n3A_153 : i32
      %eq3A_156 = arith.constant -1 : i32
      %eq3A_157 = arith.cmpi eq, %select_n3A_155, %eq3A_156 : i32
      %select_n3A_158 = arith.constant 0 : i32
      %select_n3A_159 = arith.select %eq3A_157, %select_n3A_158, %select_n3A_155 : i32
      %sub3A_160 = arith.constant 1 : i32
      %sub3A_161 = arith.subi %select_n3A_147, %sub3A_160 : i32
      %select_n3A_162 = arith.select %eq3A_157, %sub3A_161, %select_n3A_147 : i32
      %eq3A_163 = arith.constant -1 : i32
      %eq3A_164 = arith.cmpi eq, %select_n3A_162, %eq3A_163 : i32
      %select_n3A_165 = arith.constant 3 : i32
      %select_n3A_166 = arith.select %eq3A_164, %select_n3A_165, %select_n3A_162 : i32
      %add3A_167 = arith.constant 0 : i32
      %add3A_168 = arith.addi %select_n3A_166, %add3A_167 : i32
      %add3A_169 = arith.constant 0 : i32
      %add3A_170 = arith.addi %add3A_169, %mul3A_6 : i32
      %select_n3A_171 = arith.constant true
      %select_n3A_172 = arith.constant 0 : i32
      %select_n3A_173 = arith.constant 1 : i32
      %select_n3A_174 = arith.select %select_n3A_171, %select_n3A_173, %select_n3A_172 : i32
      %eq3A_175 = arith.constant 1 : i32
      %eq3A_176 = arith.cmpi eq, %select_n3A_174, %eq3A_175 : i32
      %select_n3A_177 = arith.constant 0 : i32
      %select_n3A_178 = arith.select %eq3A_176, %select_n3A_177, %select_n3A_174 : i32
      %add3A_179 = arith.constant 1 : i32
      %add3A_180 = arith.addi %select_n3A_147, %add3A_179 : i32
      %select_n3A_181 = arith.select %eq3A_176, %add3A_180, %select_n3A_147 : i32
      %eq3A_182 = arith.constant 4 : i32
      %eq3A_183 = arith.cmpi eq, %select_n3A_181, %eq3A_182 : i32
      %select_n3A_184 = arith.constant 0 : i32
      %select_n3A_185 = arith.select %eq3A_183, %select_n3A_184, %select_n3A_181 : i32
      %add3A_186 = arith.constant 0 : i32
      %add3A_187 = arith.addi %select_n3A_185, %add3A_186 : i32
      %add3A_188 = arith.constant 0 : i32
      %add3A_189 = arith.addi %add3A_188, %mul3A_6 : i32
      %select_n3A_190 = arith.constant true
      %select_n3A_191 = arith.constant 0 : i32
      %select_n3A_192 = arith.constant 1 : i32
      %select_n3A_193 = arith.select %select_n3A_190, %select_n3A_192, %select_n3A_191 : i32
      %eq3A_194 = arith.constant 1 : i32
      %eq3A_195 = arith.cmpi eq, %select_n3A_193, %eq3A_194 : i32
      %select_n3A_196 = arith.constant 0 : i32
      %select_n3A_197 = arith.select %eq3A_195, %select_n3A_196, %select_n3A_193 : i32
      %add3A_198 = arith.constant 1 : i32
      %add3A_199 = arith.addi %select_n3A_185, %add3A_198 : i32
      %select_n3A_200 = arith.select %eq3A_195, %add3A_199, %select_n3A_185 : i32
      %eq3A_201 = arith.constant 4 : i32
      %eq3A_202 = arith.cmpi eq, %select_n3A_200, %eq3A_201 : i32
      %select_n3A_203 = arith.constant 0 : i32
      %select_n3A_204 = arith.select %eq3A_202, %select_n3A_203, %select_n3A_200 : i32
      %add3A_205 = arith.constant 0 : i32
      %add3A_206 = arith.addi %select_n3A_204, %add3A_205 : i32
      %add3A_207 = arith.constant 0 : i32
      %add3A_208 = arith.addi %add3A_207, %mul3A_6 : i32
      "tpu.trace_start"() <{level = 10 : i32, message = "ep_finalize"}> : () -> ()
      %rem3A_209 = arith.constant 2 : i32
      %rem3A_210 = arith.remui %scan3A_132#5, %rem3A_209 : i32
      %mul3A_211 = arith.constant 1 : i32
      %mul3A_212 = arith.muli %mul3A_211, %add3A_149 : i32
      %mul3A_213 = arith.constant 8 : i32
      %mul3A_214 = arith.muli %mul3A_213, %add3A_151 : i32
      %dma_wait3A = arith.constant 0 : i32
      %dma_wait3A_215 = arith.constant 0 : i32
      %dma_wait3A_216 = arith.constant 0 : i32
      %dma_wait3A_217 = tpu.memref_slice %run_scoped3A_10[%rem3A_210, %dma_wait3A, %dma_wait3A_215, %dma_wait3A_216] : memref<2x1x8x16xf32, #tpu.memory_space<vmem>> -> memref<1x1x8x16xf32, #tpu.memory_space<vmem>>
      %dma_wait3A_218 = tpu.memref_squeeze %dma_wait3A_217 : memref<1x1x8x16xf32, #tpu.memory_space<vmem>> -> memref<1x8x16xf32, #tpu.memory_space<vmem>>
      %dma_wait3A_219 = arith.constant 0 : i32
      %dma_wait3A_220 = tpu.memref_slice %arg4[%mul3A_212, %mul3A_214, %dma_wait3A_219] : memref<4x256x16xf32, #tpu.memory_space<hbm>> -> memref<1x8x16xf32, #tpu.memory_space<hbm>>
      %dma_wait3A_221 = tpu.memref_slice %run_scoped3A_11[%rem3A_210] : memref<2x!tpu.dma_semaphore, #tpu.memory_space<semaphore_mem>> -> memref<1x!tpu.dma_semaphore, #tpu.memory_space<semaphore_mem>>
      %dma_wait3A_222 = tpu.memref_squeeze %dma_wait3A_221 : memref<1x!tpu.dma_semaphore, #tpu.memory_space<semaphore_mem>> -> memref<!tpu.dma_semaphore, #tpu.memory_space<semaphore_mem>>
      %dma_wait3A_223 = arith.constant 0 : i32
      %dma_wait3A_224 = tpu.memref_slice %arg4[%mul3A_212, %mul3A_214, %dma_wait3A_223] : memref<4x256x16xf32, #tpu.memory_space<hbm>> -> memref<1x8x16xf32, #tpu.memory_space<hbm>>
      %dma_wait3A_225 = arith.constant 0 : i32
      %dma_wait3A_226 = arith.constant 0 : i32
      %dma_wait3A_227 = arith.constant 0 : i32
      %dma_wait3A_228 = tpu.memref_slice %run_scoped3A_10[%rem3A_210, %dma_wait3A_225, %dma_wait3A_226, %dma_wait3A_227] : memref<2x1x8x16xf32, #tpu.memory_space<vmem>> -> memref<1x1x8x16xf32, #tpu.memory_space<vmem>>
      %dma_wait3A_229 = tpu.memref_squeeze %dma_wait3A_228 : memref<1x1x8x16xf32, #tpu.memory_space<vmem>> -> memref<1x8x16xf32, #tpu.memory_space<vmem>>
      tpu.wait_dma2 semaphore(%dma_wait3A_222 : memref<!tpu.dma_semaphore, #tpu.memory_space<semaphore_mem>>) src(%dma_wait3A_229 : memref<1x8x16xf32, #tpu.memory_space<vmem>>) dst(%dma_wait3A_224 : memref<1x8x16xf32, #tpu.memory_space<hbm>>)
      "tpu.trace_stop"() : () -> ()
      tpu.yield
    }) : () -> ()
    return
  }
}

module attributes {stable_mosaic.version = 14 : i64} {
  func.func @_tc_body(%arg0: i32, %arg1: memref<4x128x4096xf32, #tpu.memory_space<vmem>>, %arg2: memref<4x4096xf32, #tpu.memory_space<vmem>>, %arg3: memref<4x128xf32, #tpu.memory_space<vmem>>) attributes {dimension_semantics = [#tpu.dimension_semantics<arbitrary>], iteration_bounds = array<i64: 14>, scalar_prefetch = 0 : i64, scratch_operands = 0 : i64, tpu.core_type = #tpu.core_type<tc>, window_params = [{transform_indices = @transform_0, window_bounds = array<i64: 4, 128, 4096>}, {pipeline_mode = #tpu.pipeline_mode<synchronous>, transform_indices = @transform_1, window_bounds = array<i64: 4, 4096>}, {transform_indices = @transform_2, window_bounds = array<i64: 4, 128>}]} {
    %get3A = arith.constant 0 : index
    %get3A_0 = arith.constant 0 : index
    %get3A_1 = arith.constant 0 : index
    %get3A_2 = vector.load %arg1[%get3A, %get3A_0, %get3A_1] : memref<4x128x4096xf32, #tpu.memory_space<vmem>>, vector<4x128x4096xf32>
    %reshape3A = vector.shape_cast %get3A_2 : vector<4x128x4096xf32> to vector<512x4096xf32>
    %convert_element_type3A = arith.truncf %reshape3A : vector<512x4096xf32> to vector<512x4096xbf16>
    %get3A_3 = arith.constant 0 : index
    %get3A_4 = arith.constant 0 : index
    %get3A_5 = vector.load %arg2[%get3A_3, %get3A_4] : memref<4x4096xf32, #tpu.memory_space<vmem>>, vector<4x4096xf32>
    %convert_element_type3A_6 = arith.truncf %get3A_5 : vector<4x4096xf32> to vector<4x4096xbf16>
    %dot_general3A = arith.constant dense<0.000000e+00> : vector<4x512xf32>
    %dot_general3A_7 = tpu.matmul %convert_element_type3A_6, %convert_element_type3A, %dot_general3A {dimension_numbers = #tpu.dot_dimension_numbers<[1], [1], [0], [0], [0, 0, 1, 0], [], []>, transpose_lhs_hint = false} : vector<4x4096xbf16>, vector<512x4096xbf16>, vector<4x512xf32> -> vector<4x512xf32>
    %reshape3A_8 = vector.shape_cast %dot_general3A_7 : vector<4x512xf32> to vector<4x4x128xf32>
    %iota3A = tpu.iota {dimensions = array<i32: 0>} : vector<4x4x128xi32>
    %iota3A_9 = tpu.iota {dimensions = array<i32: 1>} : vector<4x4x128xi32>
    %eq3A = arith.cmpi eq, %iota3A, %iota3A_9 : vector<4x4x128xi32>
    %convert_element_type3A_10 = arith.extui %eq3A : vector<4x4x128xi1> to vector<4x4x128xi32>
    %convert_element_type3A_11 = arith.sitofp %convert_element_type3A_10 : vector<4x4x128xi32> to vector<4x4x128xf32>
    %mul3A = arith.mulf %reshape3A_8, %convert_element_type3A_11 : vector<4x4x128xf32>
    %reduce_sum3A = arith.constant dense<0.000000e+00> : vector<4x128xf32>
    %reduce_sum3A_12 = vector.multi_reduction <add>, %mul3A, %reduce_sum3A [1] : vector<4x4x128xf32> to vector<4x128xf32>
    %swap3A = arith.constant 0 : index
    %swap3A_13 = arith.constant 0 : index
    %swap3A_14 = vector.load %arg3[%swap3A, %swap3A_13] : memref<4x128xf32, #tpu.memory_space<vmem>>, vector<4x128xf32>
    tpu.vector_store %arg3[%swap3A, %swap3A_13], %reduce_sum3A_12 {strides = array<i32>} : memref<4x128xf32, #tpu.memory_space<vmem>>, vector<4x128xf32>,
    return
  }
  func.func @transform_0(%arg0: i32) -> (i32, i32, i32) {
    %c0_i32 = arith.constant 0 : i32
    %c0_i32_0 = arith.constant 0 : i32
    %c0_i32_1 = arith.constant 0 : i32
    return %c0_i32, %arg0, %c0_i32_0 : i32, i32, i32
  }
  func.func @transform_1(%arg0: i32) -> (i32, i32) {
    %c0_i32 = arith.constant 0 : i32
    %c0_i32_0 = arith.constant 0 : i32
    %c0_i32_1 = arith.constant 0 : i32
    return %c0_i32, %c0_i32_0 : i32, i32
  }
  func.func @transform_2(%arg0: i32) -> (i32, i32) {
    %c0_i32 = arith.constant 0 : i32
    %c0_i32_0 = arith.constant 0 : i32
    return %c0_i32, %arg0 : i32, i32
  }
}

module attributes {stable_mosaic.version = 14 : i64} {
  func.func @_post_body(%arg0: memref<4x1792xf32, #tpu.memory_space<vmem>>, %arg1: memref<4x256x16xf32, #tpu.memory_space<vmem>>, %arg2: memref<4x2xf32, #tpu.memory_space<vmem>>, %arg3: memref<1x1xf32, #tpu.memory_space<vmem>>, %arg4: memref<4x2048xf32, #tpu.memory_space<vmem>>, %arg5: memref<4x5x2xf32, #tpu.memory_space<vmem>>, %arg6: memref<4x5xf32, #tpu.memory_space<vmem>>) attributes {dimension_semantics = [], scalar_prefetch = 0 : i64, scratch_operands = 0 : i64, tpu.core_type = #tpu.core_type<tc>} {
    %get3A = arith.constant 0 : index
    %get3A_0 = arith.constant 0 : index
    %get3A_1 = arith.constant 0 : index
    %get3A_2 = vector.load %arg1[%get3A, %get3A_0, %get3A_1] : memref<4x256x16xf32, #tpu.memory_space<vmem>>, vector<4x256x16xf32>
    %reduce_sum3A = arith.constant dense<0.000000e+00> : vector<4x256xf32>
    %reduce_sum3A_3 = vector.multi_reduction <add>, %get3A_2, %reduce_sum3A [2] : vector<4x256x16xf32> to vector<4x256xf32>
    %get3A_4 = arith.constant 0 : index
    %get3A_5 = arith.constant 0 : index
    %get3A_6 = vector.load %arg0[%get3A_4, %get3A_5] : memref<4x1792xf32, #tpu.memory_space<vmem>>, vector<4x1792xf32>
    %concatenate3A = tpu.concatenate %get3A_6, %reduce_sum3A_3 in 1 : vector<4x1792xf32>, vector<4x256xf32> -> vector<4x2048xf32>
    %swap3A = arith.constant 0 : index
    %swap3A_7 = arith.constant 0 : index
    %swap3A_8 = vector.load %arg4[%swap3A, %swap3A_7] : memref<4x2048xf32, #tpu.memory_space<vmem>>, vector<4x2048xf32>
    tpu.vector_store %arg4[%swap3A, %swap3A_7], %concatenate3A {strides = array<i32>} : memref<4x2048xf32, #tpu.memory_space<vmem>>, vector<4x2048xf32>,
    %get3A_9 = arith.constant 0 : index
    %get3A_10 = arith.constant 0 : index
    %get3A_11 = vector.load %arg2[%get3A_9, %get3A_10] : memref<4x2xf32, #tpu.memory_space<vmem>>, vector<4x2xf32>
    %round3A = math.roundeven %get3A_11 : vector<4x2xf32>
    %iota3A = tpu.iota {dimensions = array<i32: 1>} : vector<4x2048xi32>
    %convert_element_type3A = arith.sitofp %iota3A : vector<4x2048xi32> to vector<4x2048xf32>
    %slice3A = vector.extract_strided_slice %round3A {offsets = [0, 0], sizes = [4, 1], strides = [1, 1]} : vector<4x2xf32> to vector<4x1xf32>
    %ge3A = vector.broadcast %slice3A : vector<4x1xf32> to vector<4x2048xf32>
    %ge3A_12 = arith.cmpf oge, %convert_element_type3A, %ge3A : vector<4x2048xf32>
    %slice3A_13 = vector.extract_strided_slice %round3A {offsets = [0, 1], sizes = [4, 1], strides = [1, 1]} : vector<4x2xf32> to vector<4x1xf32>
    %lt3A = vector.broadcast %slice3A_13 : vector<4x1xf32> to vector<4x2048xf32>
    %lt3A_14 = arith.cmpf olt, %convert_element_type3A, %lt3A : vector<4x2048xf32>
    %and3A = arith.andi %ge3A_12, %lt3A_14 : vector<4x2048xi1>
    %convert_element_type3A_15 = arith.extui %and3A : vector<4x2048xi1> to vector<4x2048xi32>
    %convert_element_type3A_16 = arith.sitofp %convert_element_type3A_15 : vector<4x2048xi32> to vector<4x2048xf32>
    %logistic3A = arith.negf %concatenate3A : vector<4x2048xf32>
    %logistic3A_17 = math.exp %logistic3A : vector<4x2048xf32>
    %logistic3A_18 = arith.constant 1.000000e+00 : f32
    %logistic3A_19 = vector.broadcast %logistic3A_18 : f32 to vector<4x2048xf32>
    %logistic3A_20 = arith.addf %logistic3A_19, %logistic3A_17 : vector<4x2048xf32>
    %logistic3A_21 = arith.divf %logistic3A_19, %logistic3A_20 : vector<4x2048xf32>
    %max3A = arith.constant 0.000000e+00 : f32
    %max3A_22 = vector.broadcast %max3A : f32 to vector<4x2048xf32>
    %max3A_23 = arith.maximumf %concatenate3A, %max3A_22 : vector<4x2048xf32>
    %mul3A = arith.mulf %concatenate3A, %convert_element_type3A_16 : vector<4x2048xf32>
    %sub3A = arith.subf %max3A_23, %mul3A : vector<4x2048xf32>
    %abs3A = math.absf %concatenate3A : vector<4x2048xf32>
    %neg3A = arith.constant 0.000000e+00 : f32
    %neg3A_24 = vector.broadcast %neg3A : f32 to vector<4x2048xf32>
    %neg3A_25 = arith.subf %neg3A_24, %abs3A : vector<4x2048xf32>
    %exp3A = math.exp %neg3A_25 : vector<4x2048xf32>
    %log1p3A = math.log1p %exp3A : vector<4x2048xf32>
    %add3A = arith.addf %sub3A, %log1p3A : vector<4x2048xf32>
    %mul3A_26 = arith.mulf %logistic3A_21, %convert_element_type3A_16 : vector<4x2048xf32>
    %sub3A_27 = arith.constant 1.000000e+00 : f32
    %sub3A_28 = vector.broadcast %sub3A_27 : f32 to vector<4x2048xf32>
    %sub3A_29 = arith.subf %sub3A_28, %logistic3A_21 : vector<4x2048xf32>
    %sub3A_30 = arith.constant 1.000000e+00 : f32
    %sub3A_31 = vector.broadcast %sub3A_30 : f32 to vector<4x2048xf32>
    %sub3A_32 = arith.subf %sub3A_31, %convert_element_type3A_16 : vector<4x2048xf32>
    %mul3A_33 = arith.mulf %sub3A_29, %sub3A_32 : vector<4x2048xf32>
    %add3A_34 = arith.addf %mul3A_26, %mul3A_33 : vector<4x2048xf32>
    %sub3A_35 = arith.constant 1.000000e+00 : f32
    %sub3A_36 = vector.broadcast %sub3A_35 : f32 to vector<4x2048xf32>
    %sub3A_37 = arith.subf %sub3A_36, %add3A_34 : vector<4x2048xf32>
    %integer_pow3A = arith.mulf %sub3A_37, %sub3A_37 : vector<4x2048xf32>
    %mul3A_38 = arith.mulf %add3A, %integer_pow3A : vector<4x2048xf32>
    %mul3A_39 = arith.constant 2.500000e-01 : f32
    %mul3A_40 = vector.broadcast %mul3A_39 : f32 to vector<4x2048xf32>
    %mul3A_41 = arith.mulf %mul3A_40, %convert_element_type3A_16 : vector<4x2048xf32>
    %sub3A_42 = arith.constant 1.000000e+00 : f32
    %sub3A_43 = vector.broadcast %sub3A_42 : f32 to vector<4x2048xf32>
    %sub3A_44 = arith.subf %sub3A_43, %convert_element_type3A_16 : vector<4x2048xf32>
    %mul3A_45 = arith.constant 7.500000e-01 : f32
    %mul3A_46 = vector.broadcast %mul3A_45 : f32 to vector<4x2048xf32>
    %mul3A_47 = arith.mulf %mul3A_46, %sub3A_44 : vector<4x2048xf32>
    %add3A_48 = arith.addf %mul3A_41, %mul3A_47 : vector<4x2048xf32>
    %mul3A_49 = arith.mulf %add3A_48, %mul3A_38 : vector<4x2048xf32>
    %reduce_sum3A_50 = vector.shape_cast %mul3A_49 : vector<4x2048xf32> to vector<1x4x2048xf32>
    %reduce_sum3A_51 = arith.constant dense<0.000000e+00> : vector<1xf32>
    %reduce_sum3A_52 = vector.multi_reduction <add>, %reduce_sum3A_50, %reduce_sum3A_51 [1, 2] : vector<1x4x2048xf32> to vector<1xf32>
    %reduce_sum3A_53 = vector.shape_cast %reduce_sum3A_52 : vector<1xf32> to vector<1x1x1xf32>
    %reduce_sum3A_54 = vector.extract %reduce_sum3A_53[0, 0, 0] : f32 from vector<1x1x1xf32>
    %div3A = arith.constant 8.192000e+03 : f32
    %div3A_55 = arith.divf %reduce_sum3A_54, %div3A : f32
    %reshape3A = vector.broadcast %div3A_55 : f32 to vector<1x1xf32>
    %swap3A_56 = arith.constant 0 : index
    %swap3A_57 = arith.constant 0 : index
    %swap3A_58 = vector.load %arg3[%swap3A_56, %swap3A_57] : memref<1x1xf32, #tpu.memory_space<vmem>>, vector<1x1xf32>
    tpu.vector_store %arg3[%swap3A_56, %swap3A_57], %reshape3A {strides = array<i32>} : memref<1x1xf32, #tpu.memory_space<vmem>>, vector<1x1xf32>,
    %iota3A_59 = tpu.iota {dimensions = array<i32: 1>} : vector<4x2048xi32>
    %reduce_max3A = arith.constant dense<0xFF800000> : vector<4xf32>
    %reduce_max3A_60 = vector.multi_reduction <maximumf>, %concatenate3A, %reduce_max3A [1] : vector<4x2048xf32> to vector<4xf32>
    %broadcast_in_dim3A = vector.shape_cast %reduce_max3A_60 : vector<4xf32> to vector<4x1xf32>
    %eq3A = vector.broadcast %broadcast_in_dim3A : vector<4x1xf32> to vector<4x2048xf32>
    %eq3A_61 = arith.cmpf oeq, %concatenate3A, %eq3A : vector<4x2048xf32>
    %jit3A = arith.constant 2048 : i32
    %broadcast_in_dim3A_62 = vector.broadcast %jit3A : i32 to vector<4x2048xi32>
    %select_n3A = arith.select %eq3A_61, %iota3A_59, %broadcast_in_dim3A_62 : vector<4x2048xi1>, vector<4x2048xi32>
    %reduce_min3A = arith.constant dense<2147483647> : vector<4xi32>
    %reduce_min3A_63 = vector.multi_reduction <minsi>, %select_n3A, %reduce_min3A [1] : vector<4x2048xi32> to vector<4xi32>
    %broadcast_in_dim3A_64 = vector.shape_cast %reduce_min3A_63 : vector<4xi32> to vector<4x1xi32>
    %convert_element_type3A_65 = arith.sitofp %broadcast_in_dim3A_64 : vector<4x1xi32> to vector<4x1xf32>
    %mul3A_66 = arith.constant 2.000000e+00 : f32
    %mul3A_67 = vector.broadcast %mul3A_66 : f32 to vector<4x1xf32>
    %mul3A_68 = arith.mulf %convert_element_type3A_65, %mul3A_67 : vector<4x1xf32>
    %sub3A_69 = vector.broadcast %broadcast_in_dim3A_64 : vector<4x1xi32> to vector<4x2048xi32>
    %sub3A_70 = arith.subi %iota3A_59, %sub3A_69 : vector<4x2048xi32>
    %abs3A_71 = math.absi %sub3A_70 : vector<4x2048xi32>
    %lt3A_72 = arith.constant 15 : i32
    %lt3A_73 = vector.broadcast %lt3A_72 : i32 to vector<4x2048xi32>
    %lt3A_74 = arith.cmpi slt, %abs3A_71, %lt3A_73 : vector<4x2048xi32>
    %jit3A_75 = arith.constant 0xFF800000 : f32
    %broadcast_in_dim3A_76 = vector.broadcast %jit3A_75 : f32 to vector<4x2048xf32>
    %select_n3A_77 = arith.select %lt3A_74, %broadcast_in_dim3A_76, %concatenate3A : vector<4x2048xi1>, vector<4x2048xf32>
    %reduce_max3A_78 = arith.constant dense<0xFF800000> : vector<4xf32>
    %reduce_max3A_79 = vector.multi_reduction <maximumf>, %select_n3A_77, %reduce_max3A_78 [1] : vector<4x2048xf32> to vector<4xf32>
    %broadcast_in_dim3A_80 = vector.shape_cast %reduce_max3A_79 : vector<4xf32> to vector<4x1xf32>
    %eq3A_81 = vector.broadcast %broadcast_in_dim3A_80 : vector<4x1xf32> to vector<4x2048xf32>
    %eq3A_82 = arith.cmpf oeq, %select_n3A_77, %eq3A_81 : vector<4x2048xf32>
    %jit3A_83 = arith.constant 2048 : i32
    %broadcast_in_dim3A_84 = vector.broadcast %jit3A_83 : i32 to vector<4x2048xi32>
    %select_n3A_85 = arith.select %eq3A_82, %iota3A_59, %broadcast_in_dim3A_84 : vector<4x2048xi1>, vector<4x2048xi32>
    %reduce_min3A_86 = arith.constant dense<2147483647> : vector<4xi32>
    %reduce_min3A_87 = vector.multi_reduction <minsi>, %select_n3A_85, %reduce_min3A_86 [1] : vector<4x2048xi32> to vector<4xi32>
    %broadcast_in_dim3A_88 = vector.shape_cast %reduce_min3A_87 : vector<4xi32> to vector<4x1xi32>
    %convert_element_type3A_89 = arith.sitofp %broadcast_in_dim3A_88 : vector<4x1xi32> to vector<4x1xf32>
    %mul3A_90 = arith.constant 2.000000e+00 : f32
    %mul3A_91 = vector.broadcast %mul3A_90 : f32 to vector<4x1xf32>
    %mul3A_92 = arith.mulf %convert_element_type3A_89, %mul3A_91 : vector<4x1xf32>
    %sub3A_93 = vector.broadcast %broadcast_in_dim3A_88 : vector<4x1xi32> to vector<4x2048xi32>
    %sub3A_94 = arith.subi %iota3A_59, %sub3A_93 : vector<4x2048xi32>
    %abs3A_95 = math.absi %sub3A_94 : vector<4x2048xi32>
    %lt3A_96 = arith.constant 15 : i32
    %lt3A_97 = vector.broadcast %lt3A_96 : i32 to vector<4x2048xi32>
    %lt3A_98 = arith.cmpi slt, %abs3A_95, %lt3A_97 : vector<4x2048xi32>
    %jit3A_99 = arith.constant 0xFF800000 : f32
    %broadcast_in_dim3A_100 = vector.broadcast %jit3A_99 : f32 to vector<4x2048xf32>
    %select_n3A_101 = arith.select %lt3A_98, %broadcast_in_dim3A_100, %select_n3A_77 : vector<4x2048xi1>, vector<4x2048xf32>
    %reduce_max3A_102 = arith.constant dense<0xFF800000> : vector<4xf32>
    %reduce_max3A_103 = vector.multi_reduction <maximumf>, %select_n3A_101, %reduce_max3A_102 [1] : vector<4x2048xf32> to vector<4xf32>
    %broadcast_in_dim3A_104 = vector.shape_cast %reduce_max3A_103 : vector<4xf32> to vector<4x1xf32>
    %eq3A_105 = vector.broadcast %broadcast_in_dim3A_104 : vector<4x1xf32> to vector<4x2048xf32>
    %eq3A_106 = arith.cmpf oeq, %select_n3A_101, %eq3A_105 : vector<4x2048xf32>
    %jit3A_107 = arith.constant 2048 : i32
    %broadcast_in_dim3A_108 = vector.broadcast %jit3A_107 : i32 to vector<4x2048xi32>
    %select_n3A_109 = arith.select %eq3A_106, %iota3A_59, %broadcast_in_dim3A_108 : vector<4x2048xi1>, vector<4x2048xi32>
    %reduce_min3A_110 = arith.constant dense<2147483647> : vector<4xi32>
    %reduce_min3A_111 = vector.multi_reduction <minsi>, %select_n3A_109, %reduce_min3A_110 [1] : vector<4x2048xi32> to vector<4xi32>
    %broadcast_in_dim3A_112 = vector.shape_cast %reduce_min3A_111 : vector<4xi32> to vector<4x1xi32>
    %convert_element_type3A_113 = arith.sitofp %broadcast_in_dim3A_112 : vector<4x1xi32> to vector<4x1xf32>
    %mul3A_114 = arith.constant 2.000000e+00 : f32
    %mul3A_115 = vector.broadcast %mul3A_114 : f32 to vector<4x1xf32>
    %mul3A_116 = arith.mulf %convert_element_type3A_113, %mul3A_115 : vector<4x1xf32>
    %sub3A_117 = vector.broadcast %broadcast_in_dim3A_112 : vector<4x1xi32> to vector<4x2048xi32>
    %sub3A_118 = arith.subi %iota3A_59, %sub3A_117 : vector<4x2048xi32>
    %abs3A_119 = math.absi %sub3A_118 : vector<4x2048xi32>
    %lt3A_120 = arith.constant 15 : i32
    %lt3A_121 = vector.broadcast %lt3A_120 : i32 to vector<4x2048xi32>
    %lt3A_122 = arith.cmpi slt, %abs3A_119, %lt3A_121 : vector<4x2048xi32>
    %jit3A_123 = arith.constant 0xFF800000 : f32
    %broadcast_in_dim3A_124 = vector.broadcast %jit3A_123 : f32 to vector<4x2048xf32>
    %select_n3A_125 = arith.select %lt3A_122, %broadcast_in_dim3A_124, %select_n3A_101 : vector<4x2048xi1>, vector<4x2048xf32>
    %reduce_max3A_126 = arith.constant dense<0xFF800000> : vector<4xf32>
    %reduce_max3A_127 = vector.multi_reduction <maximumf>, %select_n3A_125, %reduce_max3A_126 [1] : vector<4x2048xf32> to vector<4xf32>
    %broadcast_in_dim3A_128 = vector.shape_cast %reduce_max3A_127 : vector<4xf32> to vector<4x1xf32>
    %eq3A_129 = vector.broadcast %broadcast_in_dim3A_128 : vector<4x1xf32> to vector<4x2048xf32>
    %eq3A_130 = arith.cmpf oeq, %select_n3A_125, %eq3A_129 : vector<4x2048xf32>
    %jit3A_131 = arith.constant 2048 : i32
    %broadcast_in_dim3A_132 = vector.broadcast %jit3A_131 : i32 to vector<4x2048xi32>
    %select_n3A_133 = arith.select %eq3A_130, %iota3A_59, %broadcast_in_dim3A_132 : vector<4x2048xi1>, vector<4x2048xi32>
    %reduce_min3A_134 = arith.constant dense<2147483647> : vector<4xi32>
    %reduce_min3A_135 = vector.multi_reduction <minsi>, %select_n3A_133, %reduce_min3A_134 [1] : vector<4x2048xi32> to vector<4xi32>
    %broadcast_in_dim3A_136 = vector.shape_cast %reduce_min3A_135 : vector<4xi32> to vector<4x1xi32>
    %convert_element_type3A_137 = arith.sitofp %broadcast_in_dim3A_136 : vector<4x1xi32> to vector<4x1xf32>
    %mul3A_138 = arith.constant 2.000000e+00 : f32
    %mul3A_139 = vector.broadcast %mul3A_138 : f32 to vector<4x1xf32>
    %mul3A_140 = arith.mulf %convert_element_type3A_137, %mul3A_139 : vector<4x1xf32>
    %sub3A_141 = vector.broadcast %broadcast_in_dim3A_136 : vector<4x1xi32> to vector<4x2048xi32>
    %sub3A_142 = arith.subi %iota3A_59, %sub3A_141 : vector<4x2048xi32>
    %abs3A_143 = math.absi %sub3A_142 : vector<4x2048xi32>
    %lt3A_144 = arith.constant 15 : i32
    %lt3A_145 = vector.broadcast %lt3A_144 : i32 to vector<4x2048xi32>
    %lt3A_146 = arith.cmpi slt, %abs3A_143, %lt3A_145 : vector<4x2048xi32>
    %jit3A_147 = arith.constant 0xFF800000 : f32
    %broadcast_in_dim3A_148 = vector.broadcast %jit3A_147 : f32 to vector<4x2048xf32>
    %select_n3A_149 = arith.select %lt3A_146, %broadcast_in_dim3A_148, %select_n3A_125 : vector<4x2048xi1>, vector<4x2048xf32>
    %reduce_max3A_150 = arith.constant dense<0xFF800000> : vector<4xf32>
    %reduce_max3A_151 = vector.multi_reduction <maximumf>, %select_n3A_149, %reduce_max3A_150 [1] : vector<4x2048xf32> to vector<4xf32>
    %broadcast_in_dim3A_152 = vector.shape_cast %reduce_max3A_151 : vector<4xf32> to vector<4x1xf32>
    %eq3A_153 = vector.broadcast %broadcast_in_dim3A_152 : vector<4x1xf32> to vector<4x2048xf32>
    %eq3A_154 = arith.cmpf oeq, %select_n3A_149, %eq3A_153 : vector<4x2048xf32>
    %jit3A_155 = arith.constant 2048 : i32
    %broadcast_in_dim3A_156 = vector.broadcast %jit3A_155 : i32 to vector<4x2048xi32>
    %select_n3A_157 = arith.select %eq3A_154, %iota3A_59, %broadcast_in_dim3A_156 : vector<4x2048xi1>, vector<4x2048xi32>
    %reduce_min3A_158 = arith.constant dense<2147483647> : vector<4xi32>
    %reduce_min3A_159 = vector.multi_reduction <minsi>, %select_n3A_157, %reduce_min3A_158 [1] : vector<4x2048xi32> to vector<4xi32>
    %broadcast_in_dim3A_160 = vector.shape_cast %reduce_min3A_159 : vector<4xi32> to vector<4x1xi32>
    %convert_element_type3A_161 = arith.sitofp %broadcast_in_dim3A_160 : vector<4x1xi32> to vector<4x1xf32>
    %mul3A_162 = arith.constant 2.000000e+00 : f32
    %mul3A_163 = vector.broadcast %mul3A_162 : f32 to vector<4x1xf32>
    %mul3A_164 = arith.mulf %convert_element_type3A_161, %mul3A_163 : vector<4x1xf32>
    %concatenate3A_165 = tpu.concatenate %mul3A_68, %mul3A_92, %mul3A_116, %mul3A_140, %mul3A_164 in 1 : vector<4x1xf32>, vector<4x1xf32>, vector<4x1xf32>, vector<4x1xf32>, vector<4x1xf32> -> vector<4x5xf32>
    %concatenate3A_166 = tpu.concatenate %broadcast_in_dim3A, %broadcast_in_dim3A_80, %broadcast_in_dim3A_104, %broadcast_in_dim3A_128, %broadcast_in_dim3A_152 in 1 : vector<4x1xf32>, vector<4x1xf32>, vector<4x1xf32>, vector<4x1xf32>, vector<4x1xf32> -> vector<4x5xf32>
    %swap3A_167 = arith.constant 0 : index
    %swap3A_168 = arith.constant 0 : index
    %swap3A_169 = vector.load %arg6[%swap3A_167, %swap3A_168] : memref<4x5xf32, #tpu.memory_space<vmem>>, vector<4x5xf32>
    tpu.vector_store %arg6[%swap3A_167, %swap3A_168], %concatenate3A_166 {strides = array<i32>} : memref<4x5xf32, #tpu.memory_space<vmem>>, vector<4x5xf32>,
    %sub3A_170 = arith.constant 1.500000e+01 : f32
    %sub3A_171 = vector.broadcast %sub3A_170 : f32 to vector<4x5xf32>
    %sub3A_172 = arith.subf %concatenate3A_165, %sub3A_171 : vector<4x5xf32>
    %jit3A_173 = arith.constant 0.000000e+00 : f32
    %jit3A_174 = arith.constant 4.096000e+03 : f32
    %max3A_175 = vector.broadcast %jit3A_173 : f32 to vector<4x5xf32>
    %max3A_176 = arith.maximumf %max3A_175, %sub3A_172 : vector<4x5xf32>
    %min3A = vector.broadcast %jit3A_174 : f32 to vector<4x5xf32>
    %min3A_177 = arith.minimumf %min3A, %max3A_176 : vector<4x5xf32>
    %add3A_178 = arith.constant 1.500000e+01 : f32
    %add3A_179 = vector.broadcast %add3A_178 : f32 to vector<4x5xf32>
    %add3A_180 = arith.addf %concatenate3A_165, %add3A_179 : vector<4x5xf32>
    %jit3A_181 = arith.constant 0.000000e+00 : f32
    %jit3A_182 = arith.constant 4.096000e+03 : f32
    %max3A_183 = vector.broadcast %jit3A_181 : f32 to vector<4x5xf32>
    %max3A_184 = arith.maximumf %max3A_183, %add3A_180 : vector<4x5xf32>
    %min3A_185 = vector.broadcast %jit3A_182 : f32 to vector<4x5xf32>
    %min3A_186 = arith.minimumf %min3A_185, %max3A_184 : vector<4x5xf32>
    %stack3A = vector.shape_cast %min3A_177 : vector<4x5xf32> to vector<4x5x1xf32>
    %stack3A_187 = vector.shape_cast %min3A_186 : vector<4x5xf32> to vector<4x5x1xf32>
    %stack3A_188 = tpu.concatenate %stack3A, %stack3A_187 in 2 : vector<4x5x1xf32>, vector<4x5x1xf32> -> vector<4x5x2xf32>
    %swap3A_189 = arith.constant 0 : index
    %swap3A_190 = arith.constant 0 : index
    %swap3A_191 = arith.constant 0 : index
    %swap3A_192 = vector.load %arg5[%swap3A_189, %swap3A_190, %swap3A_191] : memref<4x5x2xf32, #tpu.memory_space<vmem>>, vector<4x5x2xf32>
    tpu.vector_store %arg5[%swap3A_189, %swap3A_190, %swap3A_191], %stack3A_188 {strides = array<i32>} : memref<4x5x2xf32, #tpu.memory_space<vmem>>, vector<4x5x2xf32>,
    return
  }
}

</mosaic_0001>

<sc_bundles>
// kernel: kernel.5.cloned.1.call-start
scs
__scs_entry_jumppad:
0x0: {  	(pc) =	sbr.rel $0x88, $3  }
0x1: {  	(tag) =	ssettag $0x0;
	lr =	simm.s32 $0x1  }
0x2: {  	[smem:$0x3F9E] =	sst lr;
	_ =	strace $0xD0000000  }
0x3: {  	_ = 	snop  }
0x4: {  	_ = 	snop  }
0x5: {  	_ = 	snop  }
0x6: {  	_ = 	snop  }
0x7: {  	_ = 	snop  }
__scs_overlays_trampoline_lowered:
0x8: {  	[smem:$0x3FAD] =	sst s0  }
0x9: {  	[smem:$0x3FAE] =	sst s1  }
0xa: {  	[smem:$0x3FAF] =	sst s2  }
0xb: {  	[smem:$0x3FB0] =	sst s3  }
0xc: {  	[smem:$0x3FB1] =	sst s4  }
0xd: {  	[smem:$0x3FB2] =	sst s5  }
0xe: {  	[smem:$0x3FB3] =	sst s6  }
0xf: {  	[smem:$0x3FB4] =	sst s7  }
0x10: {  	[smem:$0x3FB5] =	sst s8  }
0x11: {  	[smem:$0x3FB6] =	sst s9;
	s0 =	simm.s32 @!p0 $0x0  }
0x12: {  	s1 =	sld [smem:$0x3F9C];
	s0 =	simm.s32 @p0 $0x1  }
0x13: {  	[smem:$0x3FB7] =	sst s0;
	s0 =	simm.s32 @!p1 $0x0  }
0x14: {  	s2 =	sld [smem:$0x3F9B];
	s0 =	simm.s32 @p1 $0x1  }
0x15: {  	[smem:$0x3FB8] =	sst s0;
	s0 =	simm.s32 @!p2 $0x0  }
0x16: {  	s3 =	sld [smem:$0x3FDB];
	s0 =	simm.s32 @p2 $0x1  }
0x17: {  	s4 =	simm.s32 $0x1BF5;
	[smem:$0x3FBA] =	sst s0  }
0x18: {  	s0 =	sld [smem:$0x3F9D];
	_ =	swait.ge [sflag:s4], $0x0  }
0x19: {  	s7 =	sld [smem:$0x3F9E]  }
0x1a: {  	s8 =	sadd.s32 $0xFFFFE003, lr  }
0x1b: {  	s9 =	sadd.s32 $0xFFFFFEF7, lr;
	s5 =	simm.s32 $0xFFFFFFFF;
	p2 =	slt.u32 s8, $0xFFFFF086  }
0x1c: {  	p1 =	slt.u32 s9, $0xF7A;
	s5 =	simm.s32 @!p2 $0x0  }
0x1d: {  	s5 =	simm.s32 @p1 $0x1;
	p0 =	seq.s32 s7, s2  }
0x1e: {  	s7 =	smul.u32 @!p0 $0xF7A, s2;
	p2 =	seq.s32 @!p0 s5, $0x0  }
0x1f: {  	s9 =	smul.u32 $0xF7A, s1;
	s8 =	simm.s32 @!p0 $0x1BF5;
	p2 =	por !p2, p0  }
0x20: {  	[sflag:s8] =	ssyncset.s32 @!p0 $0xFFFFF086;
	s6 =	sadd.s32 @!p0 s3, s7;
	s7 =	simm.s32 @!p0 $0x108  }
0x21: {  	s3 =	sadd.s32 s3, s9;
	s6 =	sadd.s32 @!p0 $0x88, s6;
	s7 =	simm.s32 @p2 $0x1082  }
0x22: {  	[simem:s7], [sflag:s8] =	dma.local @!p0 [hbm:s6], $0xF7A  }
0x23: {  	s9 =	sor.u32 $0xD0000000, s2;
	s6 =	simm.s32 $0x108;
	_ =	swait.ge @!p0 [sflag:s8], $0x0  }
0x24: {  	s3 =	sadd.s32 $0x88, s3;
	s6 =	simm.s32 @!p1 $0x1082;
	[sflag:s4] =	ssyncset.s32 $0xFFFFF086  }
0x25: {  	[simem:s6], [sflag:s4] =	dma.local [hbm:s3], $0xF7A  }
0x26: {  	[smem:$0x3F9E] =	sst s1;
	(tag) =	ssettag s2;
	_ =	strace s9  }
0x27: {  	s1 =	sld [smem:$0x3FAE]  }
0x28: {  	s2 =	sld [smem:$0x3FAF]  }
0x29: {  	s4 =	sld [smem:$0x3FB1]  }
0x2a: {  	p0 =	seq.s32 s5, $0x0;
	s5 =	sld [smem:$0x3FB2]  }
0x2b: {  	s6 =	sld [smem:$0x3FB3]  }
0x2c: {  	s7 =	sld [smem:$0x3FB4]  }
0x2d: {  	s3 =	simm.s32 $0x108;
	s8 =	sld [smem:$0x3FB5]  }
0x2e: {  	s3 =	simm.s32 @!p0 $0x1082;
	s9 =	sld [smem:$0x3FB6]  }
0x2f: {  	lr =	sadd.s32 s0, s3;
	s0 =	sld [smem:$0x3FAD]  }
0x30: {  	s3 =	sld [smem:$0x3FB0]  }
0x31: {  	[smem:$0x3FB9] =	sst s10  }
0x32: {  	s10 =	sld [smem:$0x3FB7];
	_ =	sdelay $0x3  }
0x33: {  	p0 =	seq.s32 s10, $0x1;
	s10 =	sld [smem:$0x3FB9];
	_ =	sdelay $0x3  }
0x34: {  	[smem:$0x3FB9] =	sst s10  }
0x35: {  	s10 =	sld [smem:$0x3FB8];
	_ =	sdelay $0x3  }
0x36: {  	p1 =	seq.s32 s10, $0x1;
	s10 =	sld [smem:$0x3FB9];
	_ =	sdelay $0x3  }
0x37: {  	[smem:$0x3FB9] =	sst s10  }
0x38: {  	s10 =	sld [smem:$0x3FBA]  }
0x39: {  	_ = 	snop;
	(pc) =	sbr.ind lr, $3  }
0x3a: {  	_ = 	snop  }
0x3b: {  	_ = 	snop  }
0x3c: {  	p2 =	seq.s32 s10, $0x1;
	s10 =	sld [smem:$0x3FB9]  }
0x3d: {  	_ =	shalt  }
0x3e: {  	_ =	shalt  }
0x3f: {  	_ =	shalt  }
0x40: {  	_ =	shalt  }
0x41: {  	_ =	shalt  }
0x42: {  	_ =	shalt  }
0x43: {  	_ =	shalt  }
0x44: {  	_ =	shalt  }
0x45: {  	_ =	shalt  }
0x46: {  	_ =	shalt  }
0x47: {  	_ =	shalt  }
0x48: {  	_ =	shalt  }
0x49: {  	_ =	shalt  }
0x4a: {  	_ =	shalt  }
0x4b: {  	_ =	shalt  }
0x4c: {  	_ =	shalt  }
0x4d: {  	_ =	shalt  }
0x4e: {  	_ =	shalt  }
0x4f: {  	_ =	shalt  }
0x50: {  	_ =	shalt  }
0x51: {  	_ =	shalt  }
0x52: {  	_ =	shalt  }
0x53: {  	_ =	shalt  }
0x54: {  	_ =	shalt  }
0x55: {  	_ =	shalt  }
0x56: {  	_ =	shalt  }
0x57: {  	_ =	shalt  }
0x58: {  	_ =	shalt  }
0x59: {  	_ =	shalt  }
0x5a: {  	_ =	shalt  }
0x5b: {  	_ =	shalt  }
0x5c: {  	_ =	shalt  }
0x5d: {  	_ =	shalt  }
0x5e: {  	_ =	shalt  }
0x5f: {  	_ =	shalt  }
0x60: {  	_ =	shalt  }
0x61: {  	_ =	shalt  }
0x62: {  	_ =	shalt  }
0x63: {  	_ =	shalt  }
0x64: {  	_ =	shalt  }
0x65: {  	_ =	shalt  }
0x66: {  	_ =	shalt  }
0x67: {  	_ =	shalt  }
0x68: {  	_ =	shalt  }
0x69: {  	_ =	shalt  }
0x6a: {  	_ =	shalt  }
0x6b: {  	_ =	shalt  }
0x6c: {  	_ =	shalt  }
0x6d: {  	_ =	shalt  }
0x6e: {  	_ =	shalt  }
0x6f: {  	_ =	shalt  }
0x70: {  	_ =	shalt  }
0x71: {  	_ =	shalt  }
0x72: {  	_ =	shalt  }
0x73: {  	_ =	shalt  }
0x74: {  	_ =	shalt  }
0x75: {  	_ =	shalt  }
0x76: {  	_ =	shalt  }
0x77: {  	_ =	shalt  }
0x78: {  	_ =	shalt  }
0x79: {  	_ =	shalt  }
0x7a: {  	_ =	shalt  }
0x7b: {  	_ =	shalt  }
0x7c: {  	_ =	shalt  }
0x7d: {  	_ =	shalt  }
0x7e: {  	_ =	shalt  }
0x7f: {  	_ =	shalt  }
0x80: {  	_ =	shalt  }
0x81: {  	_ =	shalt  }
0x82: {  	_ =	shalt  }
0x83: {  	_ =	shalt  }
0x84: {  	_ =	shalt  }
0x85: {  	_ =	shalt  }
0x86: {  	_ =	shalt  }
0x87: {  	_ =	shalt  }
.Lfunc_end0:
.L_simem_size_0:
called_computation_lowered:
.L_overlay_start_0:
0x88: {  	s2 =	sld [smem:$0x3FD9]  }
0x89: {  	s3 =	sld [smem:$0x3FFE];
	_ =	sdelay $0x1  }
0x8a: {  	s1 =	srdreg.scid  }
0x8b: {  	s0 =	sand.u32 $0x1, s1  }
0x8c: {  	s17 =	sshll.u32 s0, $0xA;
	s2 =	sadd.s32 s3, s2  }
0x8d: {  	s2 =	sadd.s32 s2, s17  }
0x8e: {  	[smem:$0x3FC5] =	sst s2  }
0x8f: {  	_ = 	snop  }
0x90: {  	s2 =	sld [smem:$0x3FC9];
	(tm) =	ssettm $0x1  }
0x91: {  	s18 =	sld [smem:$0x3FFB];
	_ =	sdelay $0x3  }
0x92: {  	_ =	strace s18  }
0x93: {  	s3 =	sld [smem:$0x3FFC];
	_ =	sdelay $0x3  }
0x94: {  	_ =	strace s3  }
0x95: {  	s3 =	sld [smem:$0x3FFD];
	_ =	sdelay $0x3  }
0x96: {  	_ =	strace s3  }
0x97: {  	_ =	strace $0x8FFFFFFF  }
0x98: {  	s19 =	sld [smem:$0x3FDB];
	_ =	sdelay $0x1  }
0x99: {  	s4 =	simm.s32 $_scs_section_size  }
0x9a: {  	s5 =	simm.s32 $_size__tile_overlayer_lowered;
	s6 =	simm.s32 $_tile_overlayer_lowered  }
0x9b: {  	s22 =	simm.s32 $0x1BFF;
	s21 =	sshll.u32 s6, $0x1;
	s3 =	sadd.s32 s4, s19  }
0x9c: {  	s7 =	simm.s32 $0x0;
	s20 =	sshll.u32 s5, $0x1;
	s5 =	sadd.s32 s21, s3  }
0x9d: {  	[timem:s7], [sflag:s22] =	dma.local [hbm:s5], s20  }
0x9e: {  	_ =	swait.ge [sflag:s22], s20  }
0x9f: {  	s4 =	ssub.s32 $0x0, s20;
	[sflag:s22] =	ssyncset.done $0x0  }
0xa0: {  	[sflag:s22] =	ssyncadd.s32 s4;
	_ =	sdelay $0x1  }
0xa1: {  	s23 =	simm.s32 $0x1B8B  }
0xa2: {  	_ =	swait.ge [sflag:s23], $0x1  }
0xa3: {  	[sflag:s23] =	ssyncset.done $0x0  }
0xa4: {  	s25 =	simm.s32 $0x1B8E;
	s24 =	sld [smem:$0x3FFE];
	[sflag:s23] =	ssyncadd.s32 $0xFFFFFFFF  }
0xa5: {  	s26 =	simm.s32 $execute0_lowered;
	[smem:$0x3FD2] =	sst s25  }
0xa6: {  	s5 =	sshll.u32 s26, $0x1;
	_ =	strace $0x80000046;
	[dreg:$0x1] =	wrdreg $0xFFFFFFFF  }
0xa7: {  	s28 =	simm.s32 $_size_execute0_lowered;
	s3 =	sadd.s32 s3, s5;
	[dreg:$0x0] =	wrdreg $0x0  }
0xa8: {  	s5 =	sshll.u32 s28, $0x1;
	[dreg:$0x2] =	wrdreg s3  }
0xa9: {  	[dreg:$0x3] =	wrdreg s5  }
0xaa: {  	[dreg:$0x4] =	wrdreg $0xC0  }
0xab: {  	_ =	task [dreg:s7], $0x5FFFF  }
0xac: {  	[dreg:$0x1] =	wrdreg $0xFFFFFFFF  }
0xad: {  	[dreg:$0x0] =	wrdreg $0x60  }
0xae: {  	[dreg:$0x2] =	wrdreg s2  }
0xaf: {  	[dreg:$0x3] =	wrdreg s24  }
0xb0: {  	[dreg:$0x4] =	wrdreg $0x9  }
0xb1: {  	_ =	task.clear_ibuf [dreg:s7], $0x5FFFF;
	_ =	strace $0x90000046  }
0xb2: {  	s29 =	simm.s32 $0x9;
	_ =	strace $0x80000051  }
0xb3: {  	_ =	swait.ge [sflag:s29], $0x1  }
0xb4: {  	[sflag:s29] =	ssyncadd.s32 $0xFFFFFFFF  }
0xb5: {  	_ =	strace $0x90000051  }
0xb6: {  	_ =	sfence  }
0xb7: {  	s30 =	sld [smem:$0x0];
	_ =	sdelay $0x2  }
0xb8: {  	s31 =	sshll.u32 s1, $0xD;
	s1 =	sshrl.u32 s1, $0x2  }
0xb9: {  	s3 =	sand.u32 $0x4000, s31;
	s1 =	sadd.s32 s1, s30  }
0xba: {  	s0 =	sor.u32 s3, s0;
	s1 =	sshll.u32 s1, $0x11  }
0xbb: {  	s0 =	sor.u32 s1, s0  }
0xbc: {  	s0 =	sadd.s32 $0x8F2B, s0  }
0xbd: {  	[sflag:s0] =	ssyncadd.remote.s32 $0x1  }
0xbe: {  	_ =	sfence.sel $0xFFFF  }
0xbf: {  	[dreg:$0x0] =	wrdreg $0xFFFFFFFF;
	(pc) =	sbr.abs _section_cstart, $3  }
0xc0: {  	[dreg:$0x1] =	wrdreg $0xFFFFFFFF  }
0xc1: {  	_ =	task.clear_ibuf [dreg:s7], $0x2FFFF;
	_ =	strace $0x9FFFFFFF  }
0xc2: {  	(tm) =	ssettm $0x7FFFFFFF  }
0xc3: {  	_ =	shalt  }
tec
execute0_lowered:
.L_overlay_start_1:
0x0: {  	(tag) =	ssettag $0x1  }
0x1: {  	s2 =	srdreg.scid  }
0x2: {  	s0 =	rddreg [dreg:$0x1];
	s2 =	sand.u32 $0x1, s2  }
0x3: {  	s5 =	simm.s32 $0x0;
	s3 =	stileid.u32;
	s4 =	sshll.u32 s2, $0x4  }
0x4: {  	[smem:$0x7FF] =	sst s5;
	s2 =	ssub.s32 $0x2, s2;
	s8 =	sor.u32 s3, s4  }
0x5: {  	s6 =	sadd.s32 $0x1400, s0;
	s30 =	sshrl.u32 s2, $0x1;
	s29 =	sshll.u32 s8, $0xF  }
0x6: {  	s4 =	sadd.s32 $0xC00, s0;
	s0 =	ssub.s32 s2, s30;
	s5 =	sor.u32 $0x700000, s29  }
0x7: {  	s1 =	rddreg [dreg:$0x0];
	s0 =	smax.u32 s0, $0x1;
	s7 =	sshrl.u32 s5, $0x3  }
0x8: {  	_ =	strace $0x80000047;
	[dreg:$0x4] =	wrdreg s0;
	s31 =	sadd.s32 s1, s7  }
0x9: {  	s8 =	sshll.u32 s8, $0xA;
	s2 =	simm.s32 $0x0;
	[dreg:$0x3] =	wrdreg s31  }
.LBB2_1:
0xa: {  	[dreg:$0x5] =	wrdreg s2  }
0xb: {  	s0 =	simm.s32 $0x0;
	s30 =	simm.s32 $0x80;
	s31 =	simm.s32 $0x200  }
0xc: {  	s3 =	simm.s32 $0x10000;
	s23 =	simm.s32 $0x0;
	_ =	strace $0x80000048  }
0xd: {  	s15 =	simm.s32 $0x0;
	s16 =	simm.s32 $0x0;
	s29 =	rddreg [dreg:$0x3]  }
0xe: {  	[tilespmem:s0], [sflag:$0x1] =	stream.linear.gather [hbm4b:s29+s0], $0x8000, $0x200038;
	[tilespmem:$0x12800] =	vst v63  }
0xf: {  	s17 =	simm.s32 $0x0;
	s18 =	simm.s32 $0x1;
	s19 =	simm.s32 $0x0  }
0x10: {  	[tilespmem:s3], [sflag:$0x3] =	stream.strided.gather [hbm4b:s4+s30], $0x1000, s31, s30, $0x200038;
	[tilespmem:$0x12800] =	vst v63  }
0x11: {  	s20 =	simm.s32 $0x1;
	s21 =	simm.s32 $0x0;
	_ =	strace $0x90000048  }
.LBB2_2:
0x12: {  	s22 =	sadd.s32 $0x1, s23  }
0x13: {  	p0 =	seq.s32 s22, $0x4  }
0x14: {  	s22 =	simm.s32 @p0 $0x0;
	p0 =	seq.s32 s21, $0x3  }
0x15: {  	p1 =	seq.s32 @!p0 s23, s22  }
0x16: {  	p2 =	por p1, p0  }
0x17: {  	s2 =	sshll.u32 @!p2 s22, $0x17  }
0x18: {  	s10 =	sand.u32 @!p2 $0x1, s20;
	s2 =	sor.u32 @!p2 s5, s2  }
0x19: {  	_ =	strace @!p2 $0x80000049;
	s12 =	simm.s32 @!p2 $0x0;
	s2 =	sshrl.u32 @!p2 s2, $0x3  }
0x1a: {  	s11 =	sshll.u32 @!p2 s10, $0xF;
	s10 =	sadd.s32 @!p2 $0x1, s10;
	s2 =	sadd.s32 @!p2 s1, s2  }
0x1b: {  	[tilespmem:s11], [sflag:s10] =	stream.linear.gather @!p2 [hbm4b:s2+s12], $0x8000, $0x200038;
	[tilespmem:$0x12800] =	vst v63  }
0x1c: {  	s24 =	simm.s32 @!p2 $0x200;
	s2 =	sshll.u32 @!p2 s22, $0xC;
	s10 =	sshll.u32 @!p2 s22, $0x7  }
0x1d: {  	s11 =	sand.u32 @!p2 $0x1, s18;
	s2 =	sand.u32 @!p2 $0xFFFFC000, s2;
	s10 =	sand.u32 @!p2 $0x180, s10  }
0x1e: {  	s12 =	simm.s32 @!p2 $0x80;
	_ =	strace @!p2 $0x90000049;
	s2 =	sor.u32 @!p2 s10, s2  }
0x1f: {  	_ =	strace @!p2 $0x8000004A;
	s10 =	sshll.u32 @!p2 s11, $0xC;
	s2 =	sshrl.u32 @!p2 s2, $0x3  }
0x20: {  	s11 =	sadd.s32 @!p2 $0x3, s11;
	s10 =	sor.u32 @!p2 $0x10000, s10;
	s2 =	sadd.s32 @!p2 s4, s2  }
0x21: {  	[tilespmem:s10], [sflag:s11] =	stream.strided.gather @!p2 [hbm4b:s2+s12], $0x1000, s24, s12, $0x200038;
	[tilespmem:$0x12800] =	vst v63  }
0x22: {  	s26 =	sand.u32 $0x1, s19;
	_ =	strace @!p2 $0x9000004A  }
0x23: {  	s30 =	sadd.s32 $0x1, s26;
	_ =	strace $0x8000004B  }
0x24: {  	_ =	swait.ge [sflag:s30], $0x8000  }
0x25: {  	[sflag:s30] =	ssyncset.done $0x0  }
0x26: {  	[sflag:s30] =	ssyncadd.s32 $0xFFFF8000  }
0x27: {  	s0 =	smov.u32 s20;
	s31 =	sand.u32 $0x1, s17;
	_ =	strace $0x9000004B  }
0x28: {  	s7 =	simm.s32 $0x0;
	s3 =	sadd.s32 $0x3, s31;
	_ =	strace $0x8000004C  }
0x29: {  	s9 =	sand.u32 $0x1F000, s7;
	s13 =	sand.u32 $0x40, s7;
	_ =	swait.ge [sflag:s3], $0x1000  }
0x2a: {  	s26 =	sshll.u32 s26, $0xF;
	s28 =	sor.u32 $0x30, s13;
	[sflag:s3] =	ssyncset.done $0x0  }
0x2b: {  	p1 =	por !p1, p0;
	s11 =	sshrl.u32 s9, $0x2;
	[sflag:s3] =	ssyncadd.s32 $0xFFFFF000  }
0x2c: {  	s25 =	sadd.s32 @!p2 $0x1, s20;
	s11 =	sadd.s32 s11, s26;
	_ =	strace $0x9000004C  }
0x2d: {  	s20 =	smov.u32 @p1 s25;
	s14 =	sadd.s32 s28, s11;
	_ =	strace $0x8000004D  }
0x2e: {  	s10 =	sshll.u32 s31, $0xC;
	s29 =	sadd.s32 s13, s11;
	s30 =	sor.u32 $0x10, s13;
	v8 =	vld [tilespmem:s14+$0x0]  }
0x2f: {  	s24 =	simm.s32 $0x0;
	s2 =	sor.u32 $0x20, s13;
	v4 =	vld [tilespmem:s29+$0x0];
	s29 =	sadd.s32 s30, s11  }
0x30: {  	s12 =	sand.u32 $0xF80, s7;
	s25 =	sor.u32 $0x10000, s10;
	s11 =	sadd.s32 s2, s11;
	v5 =	vld [tilespmem:s29+$0x0]  }
0x31: {  	s20 =	smov.u32 @p0 s0;
	s24 =	simm.s32 @p1 $0x1;
	s12 =	sadd.s32 s12, s25;
	v7 =	vld [tilespmem:s11+$0x0]  }
0x32: {  	v1 =	vimm.f32 $0.0e+00;
	s0 =	simm.s32 $0x800;
	s24 =	simm.s32 @p0 $0x0;
	s31 =	sadd.s32 s28, s12  }
0x33: {  	v2 =	vimm.f32 $0.0e+00;
	v3 =	vimm.f32 $0.0e+00;
	s10 =	sadd.s32 s2, s12;
	s28 =	sadd.s32 s30, s12;
	v9 =	vld [tilespmem:s31+$0x0];
	s2 =	simm.s32 $0x80;
	v0 =	vshrl.u32 v8, $0x10  }
0x34: {  	v6 =	vld [tilespmem:s28+$0x0];
	s28 =	smov.u32 s25;
	s29 =	simm.s32 $0x40;
	s11 =	sand.u32 $0x1F000, s0;
	v11 =	vshrl.u32 v4, $0x10;
	v10 =	vand.u32 $0x1, v0;
	v0 =	vimm.f32 $0.0e+00  }
.LBB2_3:
0x35: {  	p1 =	sne.s32 s2, $0xFC0;
	s12 =	sand.u32 $0x40, s29;
	s11 =	sshrl.u32 s11, $0x2;
	v11 =	vand.u32 $0x1, v11;
	v12 =	vshrl.u32 v5, $0x10;
	v13 =	vld [tilespmem:s10+$0x0];
	v8 =	vadd.s32 v10, v8  }
0x36: {  	s10 =	sadd.s32 s11, s26;
	s11 =	sor.u32 $0x10, s12;
	s30 =	sor.u32 $0x30, s12;
	v10 =	vld [tilespmem:s28+$0x0];
	v12 =	vand.u32 $0x1, v12;
	v14 =	vshrl.u32 v7, $0x10;
	v8 =	vadd.s32 $0x7FFF, v8  }
0x37: {  	v11 =	vadd.s32 v11, v4;
	s31 =	sadd.s32 s12, s10;
	s12 =	sor.u32 $0x20, s12;
	s3 =	sadd.s32 s30, s10;
	v4 =	vand.u32 $0x1, v14;
	v14 =	vand.u32 $0xFFFF0000, v8  }
0x38: {  	s7 =	sadd.s32 s11, s10;
	v5 =	vadd.s32 v12, v5;
	s10 =	sadd.s32 s12, s10;
	v8 =	vld [tilespmem:s3+$0x0];
	v7 =	vadd.s32 v4, v7;
	v9 =	vmul.f32 v14, v9  }
0x39: {  	v11 =	vadd.s32 $0x7FFF, v11;
	v12 =	vadd.s32 $0x7FFF, v5;
	v4 =	vld [tilespmem:s31+$0x0];
	v14 =	vadd.s32 $0x7FFF, v7  }
.Ltmp0:
0x3a: {  	s3 =	sand.u32 $0xF80, s29;
	v11 =	vand.u32 $0xFFFF0000, v11;
	s29 =	smov.u32 s2;
	v12 =	vand.u32 $0xFFFF0000, v12;
	v5 =	vld [tilespmem:s7+$0x0];
	v1 =	vadd.f32 v9, v1;
	(pc) =	sbr.rel @p1 .LBB2_3-.Ltmp0, $4  }
0x3b: {  	s3 =	sadd.s32 s3, s25;
	v6 =	vmul.f32 v12, v6;
	v9 =	vand.u32 $0xFFFF0000, v14;
	v7 =	vld [tilespmem:s10+$0x0];
	v10 =	vmul.f32 v11, v10  }
0x3c: {  	s7 =	sadd.s32 s11, s3;
	s10 =	sadd.s32 s12, s3;
	s3 =	sadd.s32 s30, s3;
	v12 =	vmul.f32 v9, v13  }
0x3d: {  	s0 =	sadd.s32 $0x800, s0;
	v3 =	vadd.f32 v6, v3;
	v13 =	vshrl.u32 v8, $0x10;
	v9 =	vld [tilespmem:s3+$0x0];
	v2 =	vadd.f32 v10, v2  }
0x3e: {  	s28 =	sadd.s32 $0x40, s28;
	s2 =	sadd.s32 $0x40, s2;
	s11 =	sand.u32 $0x1F000, s0;
	v0 =	vadd.f32 v12, v0;
	v11 =	vshrl.u32 v4, $0x10;
	v6 =	vld [tilespmem:s7+$0x0];
	v10 =	vand.u32 $0x1, v13  }
0x3f: {  	s0 =	sand.u32 $0x40, s29;
	s2 =	sshrl.u32 s11, $0x2  }
0x40: {  	v11 =	vand.u32 $0x1, v11;
	v12 =	vshrl.u32 v5, $0x10;
	v13 =	vld [tilespmem:s10+$0x0];
	s2 =	sadd.s32 s2, s26;
	s3 =	sor.u32 $0x30, s0  }
0x41: {  	v8 =	vadd.s32 v10, v8;
	v10 =	vld [tilespmem:s28+$0x0];
	v12 =	vand.u32 $0x1, v12;
	v14 =	vshrl.u32 v7, $0x10;
	s7 =	sadd.s32 s3, s2  }
0x42: {  	s10 =	sor.u32 $0x10, s0;
	v8 =	vadd.s32 $0x7FFF, v8;
	v4 =	vadd.s32 v11, v4;
	s14 =	sadd.s32 s0, s2;
	v11 =	vand.u32 $0x1, v14;
	v60 =	vld [tilespmem:s7+$0x0]  }
0x43: {  	v8 =	vand.u32 $0xFFFF0000, v8;
	s9 =	sadd.s32 s10, s2;
	v5 =	vadd.s32 v12, v5;
	v7 =	vadd.s32 v11, v7;
	v11 =	vld [tilespmem:s14+$0x0]  }
0x44: {  	s0 =	sor.u32 $0x20, s0;
	v4 =	vadd.s32 $0x7FFF, v4;
	v8 =	vmul.f32 v8, v9;
	v5 =	vadd.s32 $0x7FFF, v5;
	v9 =	vld [tilespmem:s9+$0x0]  }
0x45: {  	s12 =	sand.u32 $0xF80, s29;
	s2 =	sadd.s32 s0, s2;
	v4 =	vand.u32 $0xFFFF0000, v4;
	v7 =	vadd.s32 $0x7FFF, v7;
	v5 =	vand.u32 $0xFFFF0000, v5  }
0x46: {  	s7 =	sadd.s32 s12, s25;
	v61 =	vld [tilespmem:s2+$0x0];
	v4 =	vmul.f32 v4, v10;
	v5 =	vmul.f32 v5, v6;
	v6 =	vand.u32 $0xFFFF0000, v7  }
0x47: {  	s13 =	sadd.s32 s3, s7;
	v1 =	vadd.f32 v8, v1;
	v6 =	vmul.f32 v6, v13  }
0x48: {  	s3 =	sadd.s32 $0x40, s28;
	v8 =	vld [tilespmem:s13+$0x0];
	v2 =	vadd.f32 v4, v2;
	v3 =	vadd.f32 v5, v3;
	v7 =	vshrl.u32 v60, $0x10  }
0x49: {  	s0 =	sadd.s32 s0, s7;
	v62 =	vld [tilespmem:s3+$0x0];
	v4 =	vshrl.u32 v11, $0x10;
	v10 =	vshrl.u32 v9, $0x10;
	v7 =	vand.u32 $0x1, v7  }
0x4a: {  	s14 =	sadd.s32 s10, s7;
	v63 =	vld [tilespmem:s0+$0x0];
	v4 =	vand.u32 $0x1, v4;
	v10 =	vand.u32 $0x1, v10;
	v7 =	vadd.s32 v7, v60  }
0x4b: {  	v5 =	vld [tilespmem:s14+$0x0];
	v4 =	vadd.s32 v4, v11;
	v11 =	vshrl.u32 v61, $0x10;
	v9 =	vadd.s32 v10, v9  }
0x4c: {  	v7 =	vadd.s32 $0x7FFF, v7;
	v11 =	vand.u32 $0x1, v11;
	v4 =	vadd.s32 $0x7FFF, v4  }
0x4d: {  	v7 =	vand.u32 $0xFFFF0000, v7;
	v10 =	vadd.s32 v11, v61;
	v4 =	vand.u32 $0xFFFF0000, v4  }
0x4e: {  	v7 =	vmul.f32 v7, v8;
	v8 =	vadd.s32 $0x7FFF, v9;
	v9 =	vadd.s32 $0x7FFF, v10  }
0x4f: {  	v4 =	vmul.f32 v4, v62;
	v8 =	vand.u32 $0xFFFF0000, v8;
	v9 =	vand.u32 $0xFFFF0000, v9  }
0x50: {  	v0 =	vadd.f32 v6, v0;
	v5 =	vmul.f32 v8, v5;
	v6 =	vmul.f32 v9, v63  }
0x51: {  	v1 =	vadd.f32 v7, v1;
	v2 =	vadd.f32 v4, v2  }
0x52: {  	v3 =	vadd.f32 v5, v3;
	v0 =	vadd.f32 v6, v0;
	_ =	sdelay $0x1  }
0x53: {  	s0 =	simm.s32 $0x0;
	v2 =	vadd.f32 v3, v2;
	v0 =	vadd.f32 v1, v0  }
0x54: {  	s7 =	sand.u32 $0x1F000, s0  }
0x55: {  	s28 =	sand.u32 $0x1, s16;
	s9 =	sand.u32 $0x40, s0;
	s2 =	sshrl.u32 s7, $0x2;
	v0 =	vadd.f32 v0, v2  }
0x56: {  	s29 =	sshll.u32 s28, $0xA;
	s7 =	sor.u32 $0x30, s9;
	s2 =	sadd.s32 s2, s26  }
0x57: {  	s12 =	sadd.s32 s7, s2;
	[tilespmem:s29+$0x12000] =	vst v0  }
0x58: {  	s14 =	sor.u32 $0x10, s9;
	s13 =	sadd.s32 s9, s2;
	v8 =	vld [tilespmem:s12+$0x80]  }
0x59: {  	s3 =	sor.u32 $0x20, s9;
	s9 =	sadd.s32 s14, s2;
	v5 =	vld [tilespmem:s13+$0x80]  }
0x5a: {  	s0 =	sand.u32 $0xF80, s0;
	s2 =	sadd.s32 s3, s2;
	v4 =	vld [tilespmem:s9+$0x80]  }
0x5b: {  	s12 =	sadd.s32 s0, s25;
	v7 =	vld [tilespmem:s2+$0x80]  }
0x5c: {  	s31 =	smov.u32 s25;
	s10 =	simm.s32 $0x80;
	v1 =	vimm.f32 $0.0e+00;
	s13 =	sadd.s32 s7, s12  }
0x5d: {  	s30 =	sor.u32 $0x12000, s29;
	v3 =	vimm.f32 $0.0e+00;
	v2 =	vimm.f32 $0.0e+00;
	s2 =	simm.s32 $0x800;
	s14 =	sadd.s32 s14, s12;
	v9 =	vld [tilespmem:s13+$0x0];
	v0 =	vshrl.u32 v8, $0x10  }
0x5e: {  	s0 =	simm.s32 $0x40;
	s11 =	sadd.s32 s3, s12;
	s12 =	sand.u32 $0x1F000, s2;
	v6 =	vld [tilespmem:s14+$0x0];
	v11 =	vshrl.u32 v5, $0x10;
	v10 =	vand.u32 $0x1, v0;
	v0 =	vimm.f32 $0.0e+00  }
.LBB2_5:
0x5f: {  	p1 =	sne.s32 s10, $0xFC0;
	s3 =	sand.u32 $0x40, s0;
	s7 =	sshrl.u32 s12, $0x2;
	v11 =	vand.u32 $0x1, v11;
	v12 =	vshrl.u32 v4, $0x10;
	v13 =	vld [tilespmem:s11+$0x0];
	v8 =	vadd.s32 v10, v8  }
0x60: {  	s7 =	sadd.s32 s7, s26;
	s11 =	sor.u32 $0x10, s3;
	s12 =	sor.u32 $0x30, s3;
	v10 =	vld [tilespmem:s31+$0x0];
	v12 =	vand.u32 $0x1, v12;
	v14 =	vshrl.u32 v7, $0x10;
	v8 =	vadd.s32 $0x7FFF, v8  }
0x61: {  	v11 =	vadd.s32 v11, v5;
	s9 =	sadd.s32 s3, s7;
	s3 =	sor.u32 $0x20, s3;
	s13 =	sadd.s32 s12, s7;
	v5 =	vand.u32 $0x1, v14;
	v14 =	vand.u32 $0xFFFF0000, v8  }
0x62: {  	s14 =	sadd.s32 s11, s7;
	v4 =	vadd.s32 v12, v4;
	s7 =	sadd.s32 s3, s7;
	v8 =	vld [tilespmem:s13+$0x80];
	v7 =	vadd.s32 v5, v7;
	v9 =	vmul.f32 v14, v9  }
0x63: {  	v11 =	vadd.s32 $0x7FFF, v11;
	v12 =	vadd.s32 $0x7FFF, v4;
	v5 =	vld [tilespmem:s9+$0x80];
	v14 =	vadd.s32 $0x7FFF, v7  }
.Ltmp1:
0x64: {  	v11 =	vand.u32 $0xFFFF0000, v11;
	s9 =	sand.u32 $0xF80, s0;
	v12 =	vand.u32 $0xFFFF0000, v12;
	s0 =	smov.u32 s10;
	v4 =	vld [tilespmem:s14+$0x80];
	v1 =	vadd.f32 v9, v1;
	(pc) =	sbr.rel @p1 .LBB2_5-.Ltmp1, $4  }
0x65: {  	s9 =	sadd.s32 s9, s25;
	v6 =	vmul.f32 v12, v6;
	v9 =	vand.u32 $0xFFFF0000, v14;
	v7 =	vld [tilespmem:s7+$0x80];
	v10 =	vmul.f32 v11, v10  }
0x66: {  	s7 =	sadd.s32 s11, s9;
	s11 =	sadd.s32 s3, s9;
	s3 =	sadd.s32 s12, s9;
	v12 =	vmul.f32 v9, v13  }
0x67: {  	s2 =	sadd.s32 $0x800, s2;
	v3 =	vadd.f32 v6, v3;
	v13 =	vshrl.u32 v8, $0x10;
	v9 =	vld [tilespmem:s3+$0x0];
	v2 =	vadd.f32 v10, v2  }
0x68: {  	s31 =	sadd.s32 $0x40, s31;
	s10 =	sadd.s32 $0x40, s10;
	s12 =	sand.u32 $0x1F000, s2;
	v0 =	vadd.f32 v12, v0;
	v11 =	vshrl.u32 v5, $0x10;
	v6 =	vld [tilespmem:s7+$0x0];
	v10 =	vand.u32 $0x1, v13  }
0x69: {  	s2 =	sand.u32 $0x40, s0;
	s3 =	sshrl.u32 s12, $0x2  }
0x6a: {  	v11 =	vand.u32 $0x1, v11;
	v12 =	vshrl.u32 v4, $0x10;
	v13 =	vld [tilespmem:s11+$0x0];
	s3 =	sadd.s32 s3, s26;
	s7 =	sor.u32 $0x30, s2  }
0x6b: {  	v8 =	vadd.s32 v10, v8;
	v10 =	vld [tilespmem:s31+$0x0];
	v12 =	vand.u32 $0x1, v12;
	v14 =	vshrl.u32 v7, $0x10;
	s9 =	sadd.s32 s7, s3  }
0x6c: {  	s10 =	sor.u32 $0x10, s2;
	v8 =	vadd.s32 $0x7FFF, v8;
	v5 =	vadd.s32 v11, v5;
	s13 =	sadd.s32 s2, s3;
	v11 =	vand.u32 $0x1, v14;
	v60 =	vld [tilespmem:s9+$0x80]  }
0x6d: {  	v8 =	vand.u32 $0xFFFF0000, v8;
	s14 =	sadd.s32 s10, s3;
	v4 =	vadd.s32 v12, v4;
	v7 =	vadd.s32 v11, v7;
	v11 =	vld [tilespmem:s13+$0x80]  }
0x6e: {  	s2 =	sor.u32 $0x20, s2;
	v5 =	vadd.s32 $0x7FFF, v5;
	v8 =	vmul.f32 v8, v9;
	v4 =	vadd.s32 $0x7FFF, v4;
	v9 =	vld [tilespmem:s14+$0x80]  }
0x6f: {  	s3 =	sadd.s32 s2, s3;
	v5 =	vand.u32 $0xFFFF0000, v5;
	v7 =	vadd.s32 $0x7FFF, v7;
	v4 =	vand.u32 $0xFFFF0000, v4  }
0x70: {  	s12 =	sand.u32 $0xF80, s0;
	v61 =	vld [tilespmem:s3+$0x80];
	v5 =	vmul.f32 v5, v10;
	v4 =	vmul.f32 v4, v6;
	v6 =	vand.u32 $0xFFFF0000, v7  }
0x71: {  	s0 =	sadd.s32 s12, s25;
	s9 =	sadd.s32 $0x40, s31;
	v1 =	vadd.f32 v8, v1;
	v6 =	vmul.f32 v6, v13  }
0x72: {  	s13 =	sadd.s32 s7, s0;
	v62 =	vld [tilespmem:s9+$0x0];
	v2 =	vadd.f32 v5, v2;
	v3 =	vadd.f32 v4, v3;
	v7 =	vshrl.u32 v60, $0x10  }
0x73: {  	s14 =	sadd.s32 s10, s0;
	s0 =	sadd.s32 s2, s0;
	v8 =	vld [tilespmem:s13+$0x0];
	v4 =	vshrl.u32 v11, $0x10;
	v10 =	vshrl.u32 v9, $0x10;
	v7 =	vand.u32 $0x1, v7  }
0x74: {  	v63 =	vld [tilespmem:s0+$0x0];
	v4 =	vand.u32 $0x1, v4;
	v10 =	vand.u32 $0x1, v10;
	v7 =	vadd.s32 v7, v60  }
0x75: {  	v5 =	vld [tilespmem:s14+$0x0];
	v4 =	vadd.s32 v4, v11;
	v11 =	vshrl.u32 v61, $0x10;
	v9 =	vadd.s32 v10, v9  }
0x76: {  	v7 =	vadd.s32 $0x7FFF, v7;
	v11 =	vand.u32 $0x1, v11;
	v4 =	vadd.s32 $0x7FFF, v4  }
0x77: {  	v7 =	vand.u32 $0xFFFF0000, v7;
	v10 =	vadd.s32 v11, v61;
	v4 =	vand.u32 $0xFFFF0000, v4  }
0x78: {  	v7 =	vmul.f32 v7, v8;
	v8 =	vadd.s32 $0x7FFF, v9;
	v9 =	vadd.s32 $0x7FFF, v10  }
0x79: {  	v4 =	vmul.f32 v4, v62;
	v8 =	vand.u32 $0xFFFF0000, v8;
	v9 =	vand.u32 $0xFFFF0000, v9  }
0x7a: {  	v0 =	vadd.f32 v6, v0;
	v5 =	vmul.f32 v8, v5;
	v6 =	vmul.f32 v9, v63  }
0x7b: {  	v1 =	vadd.f32 v7, v1;
	v2 =	vadd.f32 v4, v2  }
0x7c: {  	v3 =	vadd.f32 v5, v3;
	v0 =	vadd.f32 v6, v0;
	_ =	sdelay $0x1  }
0x7d: {  	s0 =	simm.s32 $0x0;
	v2 =	vadd.f32 v3, v2;
	v0 =	vadd.f32 v1, v0  }
0x7e: {  	s10 =	sand.u32 $0x1F000, s0  }
0x7f: {  	s11 =	sand.u32 $0x40, s0;
	s2 =	sshrl.u32 s10, $0x2;
	v0 =	vadd.f32 v0, v2  }
0x80: {  	s7 =	sor.u32 $0x30, s11;
	s2 =	sadd.s32 s2, s26  }
0x81: {  	s12 =	sadd.s32 s7, s2;
	[tilespmem:s29+$0x12080] =	vst v0  }
0x82: {  	s14 =	sor.u32 $0x10, s11;
	s13 =	sadd.s32 s11, s2;
	v8 =	vld [tilespmem:s12+$0x100]  }
0x83: {  	s3 =	sor.u32 $0x20, s11;
	s11 =	sadd.s32 s14, s2;
	v5 =	vld [tilespmem:s13+$0x100]  }
0x84: {  	s0 =	sand.u32 $0xF80, s0;
	s2 =	sadd.s32 s3, s2;
	v4 =	vld [tilespmem:s11+$0x100]  }
0x85: {  	s12 =	sadd.s32 s0, s25;
	v7 =	vld [tilespmem:s2+$0x100]  }
0x86: {  	s31 =	smov.u32 s25;
	v1 =	vimm.f32 $0.0e+00;
	s13 =	sadd.s32 s7, s12  }
0x87: {  	s10 =	simm.s32 $0x80;
	v3 =	vimm.f32 $0.0e+00;
	v2 =	vimm.f32 $0.0e+00;
	s2 =	simm.s32 $0x800;
	s14 =	sadd.s32 s14, s12;
	v9 =	vld [tilespmem:s13+$0x0];
	v0 =	vshrl.u32 v8, $0x10  }
0x88: {  	s0 =	simm.s32 $0x40;
	s11 =	sadd.s32 s3, s12;
	s12 =	sand.u32 $0x1F000, s2;
	v6 =	vld [tilespmem:s14+$0x0];
	v11 =	vshrl.u32 v5, $0x10;
	v10 =	vand.u32 $0x1, v0;
	v0 =	vimm.f32 $0.0e+00  }
.LBB2_7:
0x89: {  	p1 =	sne.s32 s10, $0xFC0;
	s3 =	sand.u32 $0x40, s0;
	s7 =	sshrl.u32 s12, $0x2;
	v11 =	vand.u32 $0x1, v11;
	v12 =	vshrl.u32 v4, $0x10;
	v13 =	vld [tilespmem:s11+$0x0];
	v8 =	vadd.s32 v10, v8  }
0x8a: {  	s7 =	sadd.s32 s7, s26;
	s9 =	sor.u32 $0x10, s3;
	s12 =	sor.u32 $0x30, s3;
	v10 =	vld [tilespmem:s31+$0x0];
	v12 =	vand.u32 $0x1, v12;
	v14 =	vshrl.u32 v7, $0x10;
	v8 =	vadd.s32 $0x7FFF, v8  }
0x8b: {  	v11 =	vadd.s32 v11, v5;
	s11 =	sadd.s32 s3, s7;
	s3 =	sor.u32 $0x20, s3;
	s13 =	sadd.s32 s12, s7;
	v5 =	vand.u32 $0x1, v14;
	v14 =	vand.u32 $0xFFFF0000, v8  }
0x8c: {  	s14 =	sadd.s32 s9, s7;
	v4 =	vadd.s32 v12, v4;
	s7 =	sadd.s32 s3, s7;
	v8 =	vld [tilespmem:s13+$0x100];
	v7 =	vadd.s32 v5, v7;
	v9 =	vmul.f32 v14, v9  }
0x8d: {  	v11 =	vadd.s32 $0x7FFF, v11;
	v12 =	vadd.s32 $0x7FFF, v4;
	v5 =	vld [tilespmem:s11+$0x100];
	v14 =	vadd.s32 $0x7FFF, v7  }
.Ltmp2:
0x8e: {  	v11 =	vand.u32 $0xFFFF0000, v11;
	s11 =	sand.u32 $0xF80, s0;
	v12 =	vand.u32 $0xFFFF0000, v12;
	s0 =	smov.u32 s10;
	v4 =	vld [tilespmem:s14+$0x100];
	v1 =	vadd.f32 v9, v1;
	(pc) =	sbr.rel @p1 .LBB2_7-.Ltmp2, $4  }
0x8f: {  	s13 =	sadd.s32 s11, s25;
	v6 =	vmul.f32 v12, v6;
	v9 =	vand.u32 $0xFFFF0000, v14;
	v7 =	vld [tilespmem:s7+$0x100];
	v10 =	vmul.f32 v11, v10  }
0x90: {  	s7 =	sadd.s32 s9, s13;
	s11 =	sadd.s32 s3, s13;
	s3 =	sadd.s32 s12, s13;
	v12 =	vmul.f32 v9, v13  }
0x91: {  	s2 =	sadd.s32 $0x800, s2;
	v3 =	vadd.f32 v6, v3;
	v13 =	vshrl.u32 v8, $0x10;
	v9 =	vld [tilespmem:s3+$0x0];
	v2 =	vadd.f32 v10, v2  }
0x92: {  	s31 =	sadd.s32 $0x40, s31;
	s10 =	sadd.s32 $0x40, s10;
	s12 =	sand.u32 $0x1F000, s2;
	v0 =	vadd.f32 v12, v0;
	v11 =	vshrl.u32 v5, $0x10;
	v6 =	vld [tilespmem:s7+$0x0];
	v10 =	vand.u32 $0x1, v13  }
0x93: {  	s2 =	sand.u32 $0x40, s0;
	s3 =	sshrl.u32 s12, $0x2  }
0x94: {  	v11 =	vand.u32 $0x1, v11;
	v12 =	vshrl.u32 v4, $0x10;
	v13 =	vld [tilespmem:s11+$0x0];
	s3 =	sadd.s32 s3, s26;
	s7 =	sor.u32 $0x30, s2  }
0x95: {  	v8 =	vadd.s32 v10, v8;
	v10 =	vld [tilespmem:s31+$0x0];
	v12 =	vand.u32 $0x1, v12;
	v14 =	vshrl.u32 v7, $0x10;
	s9 =	sadd.s32 s7, s3  }
0x96: {  	s10 =	sor.u32 $0x10, s2;
	v8 =	vadd.s32 $0x7FFF, v8;
	v5 =	vadd.s32 v11, v5;
	s13 =	sadd.s32 s2, s3;
	v11 =	vand.u32 $0x1, v14;
	v60 =	vld [tilespmem:s9+$0x100]  }
0x97: {  	v8 =	vand.u32 $0xFFFF0000, v8;
	s14 =	sadd.s32 s10, s3;
	v4 =	vadd.s32 v12, v4;
	v7 =	vadd.s32 v11, v7;
	v11 =	vld [tilespmem:s13+$0x100]  }
0x98: {  	s2 =	sor.u32 $0x20, s2;
	v5 =	vadd.s32 $0x7FFF, v5;
	v8 =	vmul.f32 v8, v9;
	v4 =	vadd.s32 $0x7FFF, v4;
	v9 =	vld [tilespmem:s14+$0x100]  }
0x99: {  	s3 =	sadd.s32 s2, s3;
	v5 =	vand.u32 $0xFFFF0000, v5;
	v7 =	vadd.s32 $0x7FFF, v7;
	v4 =	vand.u32 $0xFFFF0000, v4  }
0x9a: {  	s12 =	sand.u32 $0xF80, s0;
	v61 =	vld [tilespmem:s3+$0x100];
	v5 =	vmul.f32 v5, v10;
	v4 =	vmul.f32 v4, v6;
	v6 =	vand.u32 $0xFFFF0000, v7  }
0x9b: {  	s0 =	sadd.s32 s12, s25;
	s9 =	sadd.s32 $0x40, s31;
	v1 =	vadd.f32 v8, v1;
	v6 =	vmul.f32 v6, v13  }
0x9c: {  	s13 =	sadd.s32 s7, s0;
	v62 =	vld [tilespmem:s9+$0x0];
	v2 =	vadd.f32 v5, v2;
	v3 =	vadd.f32 v4, v3;
	v7 =	vshrl.u32 v60, $0x10  }
0x9d: {  	s14 =	sadd.s32 s10, s0;
	s0 =	sadd.s32 s2, s0;
	v8 =	vld [tilespmem:s13+$0x0];
	v4 =	vshrl.u32 v11, $0x10;
	v10 =	vshrl.u32 v9, $0x10;
	v7 =	vand.u32 $0x1, v7  }
0x9e: {  	v63 =	vld [tilespmem:s0+$0x0];
	v4 =	vand.u32 $0x1, v4;
	v10 =	vand.u32 $0x1, v10;
	v7 =	vadd.s32 v7, v60  }
0x9f: {  	v5 =	vld [tilespmem:s14+$0x0];
	v4 =	vadd.s32 v4, v11;
	v11 =	vshrl.u32 v61, $0x10;
	v9 =	vadd.s32 v10, v9  }
0xa0: {  	v7 =	vadd.s32 $0x7FFF, v7;
	v11 =	vand.u32 $0x1, v11;
	v4 =	vadd.s32 $0x7FFF, v4  }
0xa1: {  	v7 =	vand.u32 $0xFFFF0000, v7;
	v10 =	vadd.s32 v11, v61;
	v4 =	vand.u32 $0xFFFF0000, v4  }
0xa2: {  	v7 =	vmul.f32 v7, v8;
	v8 =	vadd.s32 $0x7FFF, v9;
	v9 =	vadd.s32 $0x7FFF, v10  }
0xa3: {  	v4 =	vmul.f32 v4, v62;
	v8 =	vand.u32 $0xFFFF0000, v8;
	v9 =	vand.u32 $0xFFFF0000, v9  }
0xa4: {  	v0 =	vadd.f32 v6, v0;
	v5 =	vmul.f32 v8, v5;
	v6 =	vmul.f32 v9, v63  }
0xa5: {  	v1 =	vadd.f32 v7, v1;
	v2 =	vadd.f32 v4, v2  }
0xa6: {  	v3 =	vadd.f32 v5, v3;
	v0 =	vadd.f32 v6, v0;
	_ =	sdelay $0x1  }
0xa7: {  	s0 =	simm.s32 $0x0;
	v2 =	vadd.f32 v3, v2;
	v0 =	vadd.f32 v1, v0  }
0xa8: {  	s10 =	sand.u32 $0x1F000, s0  }
0xa9: {  	s11 =	sand.u32 $0x40, s0;
	s2 =	sshrl.u32 s10, $0x2;
	v0 =	vadd.f32 v0, v2  }
0xaa: {  	s7 =	sor.u32 $0x30, s11;
	s2 =	sadd.s32 s2, s26  }
0xab: {  	s12 =	sadd.s32 s7, s2;
	[tilespmem:s29+$0x12100] =	vst v0  }
0xac: {  	s14 =	sor.u32 $0x10, s11;
	s13 =	sadd.s32 s11, s2;
	v8 =	vld [tilespmem:s12+$0x180]  }
0xad: {  	s3 =	sor.u32 $0x20, s11;
	s11 =	sadd.s32 s14, s2;
	v5 =	vld [tilespmem:s13+$0x180]  }
0xae: {  	s0 =	sand.u32 $0xF80, s0;
	s2 =	sadd.s32 s3, s2;
	v4 =	vld [tilespmem:s11+$0x180]  }
0xaf: {  	s12 =	sadd.s32 s0, s25;
	v7 =	vld [tilespmem:s2+$0x180]  }
0xb0: {  	s31 =	smov.u32 s25;
	v1 =	vimm.f32 $0.0e+00;
	s13 =	sadd.s32 s7, s12  }
0xb1: {  	s10 =	simm.s32 $0x80;
	v3 =	vimm.f32 $0.0e+00;
	v2 =	vimm.f32 $0.0e+00;
	s2 =	simm.s32 $0x800;
	s14 =	sadd.s32 s14, s12;
	v9 =	vld [tilespmem:s13+$0x0];
	v0 =	vshrl.u32 v8, $0x10  }
0xb2: {  	s0 =	simm.s32 $0x40;
	s11 =	sadd.s32 s3, s12;
	s12 =	sand.u32 $0x1F000, s2;
	v6 =	vld [tilespmem:s14+$0x0];
	v11 =	vshrl.u32 v5, $0x10;
	v10 =	vand.u32 $0x1, v0;
	v0 =	vimm.f32 $0.0e+00  }
.LBB2_9:
0xb3: {  	p1 =	sne.s32 s10, $0xFC0;
	s3 =	sand.u32 $0x40, s0;
	s7 =	sshrl.u32 s12, $0x2;
	v11 =	vand.u32 $0x1, v11;
	v12 =	vshrl.u32 v4, $0x10;
	v13 =	vld [tilespmem:s11+$0x0];
	v8 =	vadd.s32 v10, v8  }
0xb4: {  	s7 =	sadd.s32 s7, s26;
	s9 =	sor.u32 $0x10, s3;
	s12 =	sor.u32 $0x30, s3;
	v10 =	vld [tilespmem:s31+$0x0];
	v12 =	vand.u32 $0x1, v12;
	v14 =	vshrl.u32 v7, $0x10;
	v8 =	vadd.s32 $0x7FFF, v8  }
0xb5: {  	v11 =	vadd.s32 v11, v5;
	s11 =	sadd.s32 s3, s7;
	s3 =	sor.u32 $0x20, s3;
	s13 =	sadd.s32 s12, s7;
	v5 =	vand.u32 $0x1, v14;
	v14 =	vand.u32 $0xFFFF0000, v8  }
0xb6: {  	s14 =	sadd.s32 s9, s7;
	v4 =	vadd.s32 v12, v4;
	s7 =	sadd.s32 s3, s7;
	v8 =	vld [tilespmem:s13+$0x180];
	v7 =	vadd.s32 v5, v7;
	v9 =	vmul.f32 v14, v9  }
0xb7: {  	v11 =	vadd.s32 $0x7FFF, v11;
	v12 =	vadd.s32 $0x7FFF, v4;
	v5 =	vld [tilespmem:s11+$0x180];
	v14 =	vadd.s32 $0x7FFF, v7  }
.Ltmp3:
0xb8: {  	v11 =	vand.u32 $0xFFFF0000, v11;
	s11 =	sand.u32 $0xF80, s0;
	v12 =	vand.u32 $0xFFFF0000, v12;
	s0 =	smov.u32 s10;
	v4 =	vld [tilespmem:s14+$0x180];
	v1 =	vadd.f32 v9, v1;
	(pc) =	sbr.rel @p1 .LBB2_9-.Ltmp3, $4  }
0xb9: {  	s13 =	sadd.s32 s11, s25;
	v6 =	vmul.f32 v12, v6;
	v9 =	vand.u32 $0xFFFF0000, v14;
	v7 =	vld [tilespmem:s7+$0x180];
	v10 =	vmul.f32 v11, v10  }
0xba: {  	s7 =	sadd.s32 s9, s13;
	s11 =	sadd.s32 s3, s13;
	s3 =	sadd.s32 s12, s13;
	v12 =	vmul.f32 v9, v13  }
0xbb: {  	s2 =	sadd.s32 $0x800, s2;
	v3 =	vadd.f32 v6, v3;
	v13 =	vshrl.u32 v8, $0x10;
	v9 =	vld [tilespmem:s3+$0x0];
	v2 =	vadd.f32 v10, v2  }
0xbc: {  	s31 =	sadd.s32 $0x40, s31;
	s10 =	sadd.s32 $0x40, s10;
	s12 =	sand.u32 $0x1F000, s2;
	v0 =	vadd.f32 v12, v0;
	v11 =	vshrl.u32 v5, $0x10;
	v6 =	vld [tilespmem:s7+$0x0];
	v10 =	vand.u32 $0x1, v13  }
0xbd: {  	s2 =	sand.u32 $0x40, s0;
	s3 =	sshrl.u32 s12, $0x2  }
0xbe: {  	v11 =	vand.u32 $0x1, v11;
	v12 =	vshrl.u32 v4, $0x10;
	v13 =	vld [tilespmem:s11+$0x0];
	s3 =	sadd.s32 s3, s26;
	s7 =	sor.u32 $0x30, s2  }
0xbf: {  	v8 =	vadd.s32 v10, v8;
	v10 =	vld [tilespmem:s31+$0x0];
	v12 =	vand.u32 $0x1, v12;
	v14 =	vshrl.u32 v7, $0x10;
	s9 =	sadd.s32 s7, s3  }
0xc0: {  	s10 =	sor.u32 $0x10, s2;
	v8 =	vadd.s32 $0x7FFF, v8;
	v5 =	vadd.s32 v11, v5;
	s13 =	sadd.s32 s2, s3;
	v11 =	vand.u32 $0x1, v14;
	v60 =	vld [tilespmem:s9+$0x180]  }
0xc1: {  	v8 =	vand.u32 $0xFFFF0000, v8;
	s14 =	sadd.s32 s10, s3;
	v4 =	vadd.s32 v12, v4;
	v7 =	vadd.s32 v11, v7;
	v11 =	vld [tilespmem:s13+$0x180]  }
0xc2: {  	s2 =	sor.u32 $0x20, s2;
	v5 =	vadd.s32 $0x7FFF, v5;
	v8 =	vmul.f32 v8, v9;
	v4 =	vadd.s32 $0x7FFF, v4;
	v9 =	vld [tilespmem:s14+$0x180]  }
0xc3: {  	s3 =	sadd.s32 s2, s3;
	v5 =	vand.u32 $0xFFFF0000, v5;
	v7 =	vadd.s32 $0x7FFF, v7;
	v4 =	vand.u32 $0xFFFF0000, v4  }
0xc4: {  	s12 =	sand.u32 $0xF80, s0;
	v61 =	vld [tilespmem:s3+$0x180];
	v5 =	vmul.f32 v5, v10;
	v4 =	vmul.f32 v4, v6;
	v6 =	vand.u32 $0xFFFF0000, v7  }
0xc5: {  	s0 =	sadd.s32 s12, s25;
	s9 =	sadd.s32 $0x40, s31;
	v1 =	vadd.f32 v8, v1;
	v6 =	vmul.f32 v6, v13  }
0xc6: {  	s13 =	sadd.s32 s7, s0;
	v62 =	vld [tilespmem:s9+$0x0];
	v2 =	vadd.f32 v5, v2;
	v3 =	vadd.f32 v4, v3;
	v7 =	vshrl.u32 v60, $0x10  }
0xc7: {  	s14 =	sadd.s32 s10, s0;
	s0 =	sadd.s32 s2, s0;
	v8 =	vld [tilespmem:s13+$0x0];
	v4 =	vshrl.u32 v11, $0x10;
	v10 =	vshrl.u32 v9, $0x10;
	v7 =	vand.u32 $0x1, v7  }
0xc8: {  	v63 =	vld [tilespmem:s0+$0x0];
	v4 =	vand.u32 $0x1, v4;
	v10 =	vand.u32 $0x1, v10;
	v7 =	vadd.s32 v7, v60  }
0xc9: {  	v5 =	vld [tilespmem:s14+$0x0];
	v4 =	vadd.s32 v4, v11;
	v11 =	vshrl.u32 v61, $0x10;
	v9 =	vadd.s32 v10, v9  }
0xca: {  	v7 =	vadd.s32 $0x7FFF, v7;
	v11 =	vand.u32 $0x1, v11;
	v4 =	vadd.s32 $0x7FFF, v4  }
0xcb: {  	v7 =	vand.u32 $0xFFFF0000, v7;
	v10 =	vadd.s32 v11, v61;
	v4 =	vand.u32 $0xFFFF0000, v4  }
0xcc: {  	v7 =	vmul.f32 v7, v8;
	v8 =	vadd.s32 $0x7FFF, v9;
	v9 =	vadd.s32 $0x7FFF, v10  }
0xcd: {  	v4 =	vmul.f32 v4, v62;
	v8 =	vand.u32 $0xFFFF0000, v8;
	v9 =	vand.u32 $0xFFFF0000, v9  }
0xce: {  	v0 =	vadd.f32 v6, v0;
	v5 =	vmul.f32 v8, v5;
	v6 =	vmul.f32 v9, v63  }
0xcf: {  	v1 =	vadd.f32 v7, v1;
	v2 =	vadd.f32 v4, v2  }
0xd0: {  	v3 =	vadd.f32 v5, v3;
	v0 =	vadd.f32 v6, v0;
	_ =	sdelay $0x1  }
0xd1: {  	s0 =	simm.s32 $0x0;
	v2 =	vadd.f32 v3, v2;
	v0 =	vadd.f32 v1, v0  }
0xd2: {  	s10 =	sand.u32 $0x1F000, s0  }
0xd3: {  	s11 =	sand.u32 $0x40, s0;
	s2 =	sshrl.u32 s10, $0x2;
	v0 =	vadd.f32 v0, v2  }
0xd4: {  	s7 =	sor.u32 $0x30, s11;
	s2 =	sadd.s32 s2, s26  }
0xd5: {  	s12 =	sadd.s32 s7, s2;
	[tilespmem:s29+$0x12180] =	vst v0  }
0xd6: {  	s14 =	sor.u32 $0x10, s11;
	s13 =	sadd.s32 s11, s2;
	v8 =	vld [tilespmem:s12+$0x200]  }
0xd7: {  	s3 =	sor.u32 $0x20, s11;
	s11 =	sadd.s32 s14, s2;
	v5 =	vld [tilespmem:s13+$0x200]  }
0xd8: {  	s0 =	sand.u32 $0xF80, s0;
	s2 =	sadd.s32 s3, s2;
	v4 =	vld [tilespmem:s11+$0x200]  }
0xd9: {  	s12 =	sadd.s32 s0, s25;
	v7 =	vld [tilespmem:s2+$0x200]  }
0xda: {  	s31 =	smov.u32 s25;
	v1 =	vimm.f32 $0.0e+00;
	s13 =	sadd.s32 s7, s12  }
0xdb: {  	s10 =	simm.s32 $0x80;
	v3 =	vimm.f32 $0.0e+00;
	v2 =	vimm.f32 $0.0e+00;
	s2 =	simm.s32 $0x800;
	s14 =	sadd.s32 s14, s12;
	v9 =	vld [tilespmem:s13+$0x0];
	v0 =	vshrl.u32 v8, $0x10  }
0xdc: {  	s0 =	simm.s32 $0x40;
	s11 =	sadd.s32 s3, s12;
	s12 =	sand.u32 $0x1F000, s2;
	v6 =	vld [tilespmem:s14+$0x0];
	v11 =	vshrl.u32 v5, $0x10;
	v10 =	vand.u32 $0x1, v0;
	v0 =	vimm.f32 $0.0e+00  }
.LBB2_11:
0xdd: {  	p1 =	sne.s32 s10, $0xFC0;
	s3 =	sand.u32 $0x40, s0;
	s7 =	sshrl.u32 s12, $0x2;
	v11 =	vand.u32 $0x1, v11;
	v12 =	vshrl.u32 v4, $0x10;
	v13 =	vld [tilespmem:s11+$0x0];
	v8 =	vadd.s32 v10, v8  }
0xde: {  	s7 =	sadd.s32 s7, s26;
	s9 =	sor.u32 $0x10, s3;
	s12 =	sor.u32 $0x30, s3;
	v10 =	vld [tilespmem:s31+$0x0];
	v12 =	vand.u32 $0x1, v12;
	v14 =	vshrl.u32 v7, $0x10;
	v8 =	vadd.s32 $0x7FFF, v8  }
0xdf: {  	v11 =	vadd.s32 v11, v5;
	s11 =	sadd.s32 s3, s7;
	s3 =	sor.u32 $0x20, s3;
	s13 =	sadd.s32 s12, s7;
	v5 =	vand.u32 $0x1, v14;
	v14 =	vand.u32 $0xFFFF0000, v8  }
0xe0: {  	s14 =	sadd.s32 s9, s7;
	v4 =	vadd.s32 v12, v4;
	s7 =	sadd.s32 s3, s7;
	v8 =	vld [tilespmem:s13+$0x200];
	v7 =	vadd.s32 v5, v7;
	v9 =	vmul.f32 v14, v9  }
0xe1: {  	v11 =	vadd.s32 $0x7FFF, v11;
	v12 =	vadd.s32 $0x7FFF, v4;
	v5 =	vld [tilespmem:s11+$0x200];
	v14 =	vadd.s32 $0x7FFF, v7  }
.Ltmp4:
0xe2: {  	v11 =	vand.u32 $0xFFFF0000, v11;
	s11 =	sand.u32 $0xF80, s0;
	v12 =	vand.u32 $0xFFFF0000, v12;
	s0 =	smov.u32 s10;
	v4 =	vld [tilespmem:s14+$0x200];
	v1 =	vadd.f32 v9, v1;
	(pc) =	sbr.rel @p1 .LBB2_11-.Ltmp4, $4  }
0xe3: {  	s13 =	sadd.s32 s11, s25;
	v6 =	vmul.f32 v12, v6;
	v9 =	vand.u32 $0xFFFF0000, v14;
	v7 =	vld [tilespmem:s7+$0x200];
	v10 =	vmul.f32 v11, v10  }
0xe4: {  	s7 =	sadd.s32 s9, s13;
	s11 =	sadd.s32 s3, s13;
	s3 =	sadd.s32 s12, s13;
	v12 =	vmul.f32 v9, v13  }
0xe5: {  	s2 =	sadd.s32 $0x800, s2;
	v3 =	vadd.f32 v6, v3;
	v13 =	vshrl.u32 v8, $0x10;
	v9 =	vld [tilespmem:s3+$0x0];
	v2 =	vadd.f32 v10, v2  }
0xe6: {  	s31 =	sadd.s32 $0x40, s31;
	s10 =	sadd.s32 $0x40, s10;
	s12 =	sand.u32 $0x1F000, s2;
	v0 =	vadd.f32 v12, v0;
	v11 =	vshrl.u32 v5, $0x10;
	v6 =	vld [tilespmem:s7+$0x0];
	v10 =	vand.u32 $0x1, v13  }
0xe7: {  	s2 =	sand.u32 $0x40, s0;
	s3 =	sshrl.u32 s12, $0x2  }
0xe8: {  	v11 =	vand.u32 $0x1, v11;
	v12 =	vshrl.u32 v4, $0x10;
	v13 =	vld [tilespmem:s11+$0x0];
	s3 =	sadd.s32 s3, s26;
	s7 =	sor.u32 $0x30, s2  }
0xe9: {  	v8 =	vadd.s32 v10, v8;
	v10 =	vld [tilespmem:s31+$0x0];
	v12 =	vand.u32 $0x1, v12;
	v14 =	vshrl.u32 v7, $0x10;
	s9 =	sadd.s32 s7, s3  }
0xea: {  	s10 =	sor.u32 $0x10, s2;
	v8 =	vadd.s32 $0x7FFF, v8;
	v5 =	vadd.s32 v11, v5;
	s13 =	sadd.s32 s2, s3;
	v11 =	vand.u32 $0x1, v14;
	v60 =	vld [tilespmem:s9+$0x200]  }
0xeb: {  	v8 =	vand.u32 $0xFFFF0000, v8;
	s14 =	sadd.s32 s10, s3;
	v4 =	vadd.s32 v12, v4;
	v7 =	vadd.s32 v11, v7;
	v11 =	vld [tilespmem:s13+$0x200]  }
0xec: {  	s2 =	sor.u32 $0x20, s2;
	v5 =	vadd.s32 $0x7FFF, v5;
	v8 =	vmul.f32 v8, v9;
	v4 =	vadd.s32 $0x7FFF, v4;
	v9 =	vld [tilespmem:s14+$0x200]  }
0xed: {  	s3 =	sadd.s32 s2, s3;
	v5 =	vand.u32 $0xFFFF0000, v5;
	v7 =	vadd.s32 $0x7FFF, v7;
	v4 =	vand.u32 $0xFFFF0000, v4  }
0xee: {  	s12 =	sand.u32 $0xF80, s0;
	v61 =	vld [tilespmem:s3+$0x200];
	v5 =	vmul.f32 v5, v10;
	v4 =	vmul.f32 v4, v6;
	v6 =	vand.u32 $0xFFFF0000, v7  }
0xef: {  	s0 =	sadd.s32 s12, s25;
	s9 =	sadd.s32 $0x40, s31;
	v1 =	vadd.f32 v8, v1;
	v6 =	vmul.f32 v6, v13  }
0xf0: {  	s13 =	sadd.s32 s7, s0;
	v62 =	vld [tilespmem:s9+$0x0];
	v2 =	vadd.f32 v5, v2;
	v3 =	vadd.f32 v4, v3;
	v7 =	vshrl.u32 v60, $0x10  }
0xf1: {  	s14 =	sadd.s32 s10, s0;
	s0 =	sadd.s32 s2, s0;
	v8 =	vld [tilespmem:s13+$0x0];
	v4 =	vshrl.u32 v11, $0x10;
	v10 =	vshrl.u32 v9, $0x10;
	v7 =	vand.u32 $0x1, v7  }
0xf2: {  	v63 =	vld [tilespmem:s0+$0x0];
	v4 =	vand.u32 $0x1, v4;
	v10 =	vand.u32 $0x1, v10;
	v7 =	vadd.s32 v7, v60  }
0xf3: {  	v5 =	vld [tilespmem:s14+$0x0];
	v4 =	vadd.s32 v4, v11;
	v11 =	vshrl.u32 v61, $0x10;
	v9 =	vadd.s32 v10, v9  }
0xf4: {  	v7 =	vadd.s32 $0x7FFF, v7;
	v11 =	vand.u32 $0x1, v11;
	v4 =	vadd.s32 $0x7FFF, v4  }
0xf5: {  	v7 =	vand.u32 $0xFFFF0000, v7;
	v10 =	vadd.s32 v11, v61;
	v4 =	vand.u32 $0xFFFF0000, v4  }
0xf6: {  	v7 =	vmul.f32 v7, v8;
	v8 =	vadd.s32 $0x7FFF, v9;
	v9 =	vadd.s32 $0x7FFF, v10  }
0xf7: {  	v4 =	vmul.f32 v4, v62;
	v8 =	vand.u32 $0xFFFF0000, v8;
	v9 =	vand.u32 $0xFFFF0000, v9  }
0xf8: {  	v0 =	vadd.f32 v6, v0;
	v5 =	vmul.f32 v8, v5;
	v6 =	vmul.f32 v9, v63  }
0xf9: {  	v1 =	vadd.f32 v7, v1;
	v2 =	vadd.f32 v4, v2  }
0xfa: {  	v3 =	vadd.f32 v5, v3;
	v0 =	vadd.f32 v6, v0;
	_ =	sdelay $0x1  }
0xfb: {  	s0 =	simm.s32 $0x0;
	v2 =	vadd.f32 v3, v2;
	v0 =	vadd.f32 v1, v0  }
0xfc: {  	s10 =	sand.u32 $0x1F000, s0  }
0xfd: {  	s11 =	sand.u32 $0x40, s0;
	s2 =	sshrl.u32 s10, $0x2;
	v0 =	vadd.f32 v0, v2  }
0xfe: {  	s7 =	sor.u32 $0x30, s11;
	s2 =	sadd.s32 s2, s26  }
0xff: {  	s12 =	sadd.s32 s7, s2;
	[tilespmem:s29+$0x12200] =	vst v0  }
0x100: {  	s14 =	sor.u32 $0x10, s11;
	s13 =	sadd.s32 s11, s2;
	v8 =	vld [tilespmem:s12+$0x280]  }
0x101: {  	s3 =	sor.u32 $0x20, s11;
	s11 =	sadd.s32 s14, s2;
	v5 =	vld [tilespmem:s13+$0x280]  }
0x102: {  	s0 =	sand.u32 $0xF80, s0;
	s2 =	sadd.s32 s3, s2;
	v4 =	vld [tilespmem:s11+$0x280]  }
0x103: {  	s12 =	sadd.s32 s0, s25;
	v7 =	vld [tilespmem:s2+$0x280]  }
0x104: {  	s31 =	smov.u32 s25;
	v1 =	vimm.f32 $0.0e+00;
	s13 =	sadd.s32 s7, s12  }
0x105: {  	s10 =	simm.s32 $0x80;
	v3 =	vimm.f32 $0.0e+00;
	v2 =	vimm.f32 $0.0e+00;
	s2 =	simm.s32 $0x800;
	s14 =	sadd.s32 s14, s12;
	v9 =	vld [tilespmem:s13+$0x0];
	v0 =	vshrl.u32 v8, $0x10  }
0x106: {  	s0 =	simm.s32 $0x40;
	s11 =	sadd.s32 s3, s12;
	s12 =	sand.u32 $0x1F000, s2;
	v6 =	vld [tilespmem:s14+$0x0];
	v11 =	vshrl.u32 v5, $0x10;
	v10 =	vand.u32 $0x1, v0;
	v0 =	vimm.f32 $0.0e+00  }
.LBB2_13:
0x107: {  	p1 =	sne.s32 s10, $0xFC0;
	s3 =	sand.u32 $0x40, s0;
	s7 =	sshrl.u32 s12, $0x2;
	v11 =	vand.u32 $0x1, v11;
	v12 =	vshrl.u32 v4, $0x10;
	v13 =	vld [tilespmem:s11+$0x0];
	v8 =	vadd.s32 v10, v8  }
0x108: {  	s7 =	sadd.s32 s7, s26;
	s9 =	sor.u32 $0x10, s3;
	s12 =	sor.u32 $0x30, s3;
	v10 =	vld [tilespmem:s31+$0x0];
	v12 =	vand.u32 $0x1, v12;
	v14 =	vshrl.u32 v7, $0x10;
	v8 =	vadd.s32 $0x7FFF, v8  }
0x109: {  	v11 =	vadd.s32 v11, v5;
	s11 =	sadd.s32 s3, s7;
	s3 =	sor.u32 $0x20, s3;
	s13 =	sadd.s32 s12, s7;
	v5 =	vand.u32 $0x1, v14;
	v14 =	vand.u32 $0xFFFF0000, v8  }
0x10a: {  	s14 =	sadd.s32 s9, s7;
	v4 =	vadd.s32 v12, v4;
	s7 =	sadd.s32 s3, s7;
	v8 =	vld [tilespmem:s13+$0x280];
	v7 =	vadd.s32 v5, v7;
	v9 =	vmul.f32 v14, v9  }
0x10b: {  	v11 =	vadd.s32 $0x7FFF, v11;
	v12 =	vadd.s32 $0x7FFF, v4;
	v5 =	vld [tilespmem:s11+$0x280];
	v14 =	vadd.s32 $0x7FFF, v7  }
.Ltmp5:
0x10c: {  	v11 =	vand.u32 $0xFFFF0000, v11;
	s11 =	sand.u32 $0xF80, s0;
	v12 =	vand.u32 $0xFFFF0000, v12;
	s0 =	smov.u32 s10;
	v4 =	vld [tilespmem:s14+$0x280];
	v1 =	vadd.f32 v9, v1;
	(pc) =	sbr.rel @p1 .LBB2_13-.Ltmp5, $4  }
0x10d: {  	s13 =	sadd.s32 s11, s25;
	v6 =	vmul.f32 v12, v6;
	v9 =	vand.u32 $0xFFFF0000, v14;
	v7 =	vld [tilespmem:s7+$0x280];
	v10 =	vmul.f32 v11, v10  }
0x10e: {  	s7 =	sadd.s32 s9, s13;
	s11 =	sadd.s32 s3, s13;
	s3 =	sadd.s32 s12, s13;
	v12 =	vmul.f32 v9, v13  }
0x10f: {  	s2 =	sadd.s32 $0x800, s2;
	v3 =	vadd.f32 v6, v3;
	v13 =	vshrl.u32 v8, $0x10;
	v9 =	vld [tilespmem:s3+$0x0];
	v2 =	vadd.f32 v10, v2  }
0x110: {  	s31 =	sadd.s32 $0x40, s31;
	s10 =	sadd.s32 $0x40, s10;
	s12 =	sand.u32 $0x1F000, s2;
	v0 =	vadd.f32 v12, v0;
	v11 =	vshrl.u32 v5, $0x10;
	v6 =	vld [tilespmem:s7+$0x0];
	v10 =	vand.u32 $0x1, v13  }
0x111: {  	s2 =	sand.u32 $0x40, s0;
	s3 =	sshrl.u32 s12, $0x2  }
0x112: {  	v11 =	vand.u32 $0x1, v11;
	v12 =	vshrl.u32 v4, $0x10;
	v13 =	vld [tilespmem:s11+$0x0];
	s3 =	sadd.s32 s3, s26;
	s7 =	sor.u32 $0x30, s2  }
0x113: {  	v8 =	vadd.s32 v10, v8;
	v10 =	vld [tilespmem:s31+$0x0];
	v12 =	vand.u32 $0x1, v12;
	v14 =	vshrl.u32 v7, $0x10;
	s9 =	sadd.s32 s7, s3  }
0x114: {  	s10 =	sor.u32 $0x10, s2;
	v8 =	vadd.s32 $0x7FFF, v8;
	v5 =	vadd.s32 v11, v5;
	s13 =	sadd.s32 s2, s3;
	v11 =	vand.u32 $0x1, v14;
	v60 =	vld [tilespmem:s9+$0x280]  }
0x115: {  	v8 =	vand.u32 $0xFFFF0000, v8;
	s14 =	sadd.s32 s10, s3;
	v4 =	vadd.s32 v12, v4;
	v7 =	vadd.s32 v11, v7;
	v11 =	vld [tilespmem:s13+$0x280]  }
0x116: {  	s2 =	sor.u32 $0x20, s2;
	v5 =	vadd.s32 $0x7FFF, v5;
	v8 =	vmul.f32 v8, v9;
	v4 =	vadd.s32 $0x7FFF, v4;
	v9 =	vld [tilespmem:s14+$0x280]  }
0x117: {  	s3 =	sadd.s32 s2, s3;
	v5 =	vand.u32 $0xFFFF0000, v5;
	v7 =	vadd.s32 $0x7FFF, v7;
	v4 =	vand.u32 $0xFFFF0000, v4  }
0x118: {  	s12 =	sand.u32 $0xF80, s0;
	v61 =	vld [tilespmem:s3+$0x280];
	v5 =	vmul.f32 v5, v10;
	v4 =	vmul.f32 v4, v6;
	v6 =	vand.u32 $0xFFFF0000, v7  }
0x119: {  	s0 =	sadd.s32 s12, s25;
	s9 =	sadd.s32 $0x40, s31;
	v1 =	vadd.f32 v8, v1;
	v6 =	vmul.f32 v6, v13  }
0x11a: {  	s13 =	sadd.s32 s7, s0;
	v62 =	vld [tilespmem:s9+$0x0];
	v2 =	vadd.f32 v5, v2;
	v3 =	vadd.f32 v4, v3;
	v7 =	vshrl.u32 v60, $0x10  }
0x11b: {  	s14 =	sadd.s32 s10, s0;
	s0 =	sadd.s32 s2, s0;
	v8 =	vld [tilespmem:s13+$0x0];
	v4 =	vshrl.u32 v11, $0x10;
	v10 =	vshrl.u32 v9, $0x10;
	v7 =	vand.u32 $0x1, v7  }
0x11c: {  	v63 =	vld [tilespmem:s0+$0x0];
	v4 =	vand.u32 $0x1, v4;
	v10 =	vand.u32 $0x1, v10;
	v7 =	vadd.s32 v7, v60  }
0x11d: {  	v5 =	vld [tilespmem:s14+$0x0];
	v4 =	vadd.s32 v4, v11;
	v11 =	vshrl.u32 v61, $0x10;
	v9 =	vadd.s32 v10, v9  }
0x11e: {  	v7 =	vadd.s32 $0x7FFF, v7;
	v11 =	vand.u32 $0x1, v11;
	v4 =	vadd.s32 $0x7FFF, v4  }
0x11f: {  	v7 =	vand.u32 $0xFFFF0000, v7;
	v10 =	vadd.s32 v11, v61;
	v4 =	vand.u32 $0xFFFF0000, v4  }
0x120: {  	v7 =	vmul.f32 v7, v8;
	v8 =	vadd.s32 $0x7FFF, v9;
	v9 =	vadd.s32 $0x7FFF, v10  }
0x121: {  	v4 =	vmul.f32 v4, v62;
	v8 =	vand.u32 $0xFFFF0000, v8;
	v9 =	vand.u32 $0xFFFF0000, v9  }
0x122: {  	v0 =	vadd.f32 v6, v0;
	v5 =	vmul.f32 v8, v5;
	v6 =	vmul.f32 v9, v63  }
0x123: {  	v1 =	vadd.f32 v7, v1;
	v2 =	vadd.f32 v4, v2  }
0x124: {  	v3 =	vadd.f32 v5, v3;
	v0 =	vadd.f32 v6, v0;
	_ =	sdelay $0x1  }
0x125: {  	s0 =	simm.s32 $0x0;
	v2 =	vadd.f32 v3, v2;
	v0 =	vadd.f32 v1, v0  }
0x126: {  	s10 =	sand.u32 $0x1F000, s0  }
0x127: {  	s11 =	sand.u32 $0x40, s0;
	s2 =	sshrl.u32 s10, $0x2;
	v0 =	vadd.f32 v0, v2  }
0x128: {  	s7 =	sor.u32 $0x30, s11;
	s2 =	sadd.s32 s2, s26  }
0x129: {  	s12 =	sadd.s32 s7, s2;
	[tilespmem:s29+$0x12280] =	vst v0  }
0x12a: {  	s14 =	sor.u32 $0x10, s11;
	s13 =	sadd.s32 s11, s2;
	v8 =	vld [tilespmem:s12+$0x300]  }
0x12b: {  	s3 =	sor.u32 $0x20, s11;
	s11 =	sadd.s32 s14, s2;
	v5 =	vld [tilespmem:s13+$0x300]  }
0x12c: {  	s0 =	sand.u32 $0xF80, s0;
	s2 =	sadd.s32 s3, s2;
	v4 =	vld [tilespmem:s11+$0x300]  }
0x12d: {  	s12 =	sadd.s32 s0, s25;
	v7 =	vld [tilespmem:s2+$0x300]  }
0x12e: {  	s31 =	smov.u32 s25;
	v1 =	vimm.f32 $0.0e+00;
	s13 =	sadd.s32 s7, s12  }
0x12f: {  	s10 =	simm.s32 $0x80;
	v3 =	vimm.f32 $0.0e+00;
	v2 =	vimm.f32 $0.0e+00;
	s2 =	simm.s32 $0x800;
	s14 =	sadd.s32 s14, s12;
	v9 =	vld [tilespmem:s13+$0x0];
	v0 =	vshrl.u32 v8, $0x10  }
0x130: {  	s0 =	simm.s32 $0x40;
	s11 =	sadd.s32 s3, s12;
	s12 =	sand.u32 $0x1F000, s2;
	v6 =	vld [tilespmem:s14+$0x0];
	v11 =	vshrl.u32 v5, $0x10;
	v10 =	vand.u32 $0x1, v0;
	v0 =	vimm.f32 $0.0e+00  }
.LBB2_15:
0x131: {  	p1 =	sne.s32 s10, $0xFC0;
	s3 =	sand.u32 $0x40, s0;
	s7 =	sshrl.u32 s12, $0x2;
	v11 =	vand.u32 $0x1, v11;
	v12 =	vshrl.u32 v4, $0x10;
	v13 =	vld [tilespmem:s11+$0x0];
	v8 =	vadd.s32 v10, v8  }
0x132: {  	s7 =	sadd.s32 s7, s26;
	s9 =	sor.u32 $0x10, s3;
	s12 =	sor.u32 $0x30, s3;
	v10 =	vld [tilespmem:s31+$0x0];
	v12 =	vand.u32 $0x1, v12;
	v14 =	vshrl.u32 v7, $0x10;
	v8 =	vadd.s32 $0x7FFF, v8  }
0x133: {  	v11 =	vadd.s32 v11, v5;
	s11 =	sadd.s32 s3, s7;
	s3 =	sor.u32 $0x20, s3;
	s13 =	sadd.s32 s12, s7;
	v5 =	vand.u32 $0x1, v14;
	v14 =	vand.u32 $0xFFFF0000, v8  }
0x134: {  	s14 =	sadd.s32 s9, s7;
	v4 =	vadd.s32 v12, v4;
	s7 =	sadd.s32 s3, s7;
	v8 =	vld [tilespmem:s13+$0x300];
	v7 =	vadd.s32 v5, v7;
	v9 =	vmul.f32 v14, v9  }
0x135: {  	v11 =	vadd.s32 $0x7FFF, v11;
	v12 =	vadd.s32 $0x7FFF, v4;
	v5 =	vld [tilespmem:s11+$0x300];
	v14 =	vadd.s32 $0x7FFF, v7  }
.Ltmp6:
0x136: {  	v11 =	vand.u32 $0xFFFF0000, v11;
	s11 =	sand.u32 $0xF80, s0;
	v12 =	vand.u32 $0xFFFF0000, v12;
	s0 =	smov.u32 s10;
	v4 =	vld [tilespmem:s14+$0x300];
	v1 =	vadd.f32 v9, v1;
	(pc) =	sbr.rel @p1 .LBB2_15-.Ltmp6, $4  }
0x137: {  	s13 =	sadd.s32 s11, s25;
	v6 =	vmul.f32 v12, v6;
	v9 =	vand.u32 $0xFFFF0000, v14;
	v7 =	vld [tilespmem:s7+$0x300];
	v10 =	vmul.f32 v11, v10  }
0x138: {  	s7 =	sadd.s32 s9, s13;
	s11 =	sadd.s32 s3, s13;
	s3 =	sadd.s32 s12, s13;
	v12 =	vmul.f32 v9, v13  }
0x139: {  	s2 =	sadd.s32 $0x800, s2;
	v3 =	vadd.f32 v6, v3;
	v13 =	vshrl.u32 v8, $0x10;
	v9 =	vld [tilespmem:s3+$0x0];
	v2 =	vadd.f32 v10, v2  }
0x13a: {  	s31 =	sadd.s32 $0x40, s31;
	s10 =	sadd.s32 $0x40, s10;
	s12 =	sand.u32 $0x1F000, s2;
	v0 =	vadd.f32 v12, v0;
	v11 =	vshrl.u32 v5, $0x10;
	v6 =	vld [tilespmem:s7+$0x0];
	v10 =	vand.u32 $0x1, v13  }
0x13b: {  	s2 =	sand.u32 $0x40, s0;
	s3 =	sshrl.u32 s12, $0x2  }
0x13c: {  	v11 =	vand.u32 $0x1, v11;
	v12 =	vshrl.u32 v4, $0x10;
	v13 =	vld [tilespmem:s11+$0x0];
	s3 =	sadd.s32 s3, s26;
	s7 =	sor.u32 $0x30, s2  }
0x13d: {  	v8 =	vadd.s32 v10, v8;
	v10 =	vld [tilespmem:s31+$0x0];
	v12 =	vand.u32 $0x1, v12;
	v14 =	vshrl.u32 v7, $0x10;
	s9 =	sadd.s32 s7, s3  }
0x13e: {  	s10 =	sor.u32 $0x10, s2;
	v8 =	vadd.s32 $0x7FFF, v8;
	v5 =	vadd.s32 v11, v5;
	s13 =	sadd.s32 s2, s3;
	v11 =	vand.u32 $0x1, v14;
	v60 =	vld [tilespmem:s9+$0x300]  }
0x13f: {  	v8 =	vand.u32 $0xFFFF0000, v8;
	s14 =	sadd.s32 s10, s3;
	v4 =	vadd.s32 v12, v4;
	v7 =	vadd.s32 v11, v7;
	v11 =	vld [tilespmem:s13+$0x300]  }
0x140: {  	s2 =	sor.u32 $0x20, s2;
	v5 =	vadd.s32 $0x7FFF, v5;
	v8 =	vmul.f32 v8, v9;
	v4 =	vadd.s32 $0x7FFF, v4;
	v9 =	vld [tilespmem:s14+$0x300]  }
0x141: {  	s3 =	sadd.s32 s2, s3;
	v5 =	vand.u32 $0xFFFF0000, v5;
	v7 =	vadd.s32 $0x7FFF, v7;
	v4 =	vand.u32 $0xFFFF0000, v4  }
0x142: {  	s12 =	sand.u32 $0xF80, s0;
	v61 =	vld [tilespmem:s3+$0x300];
	v5 =	vmul.f32 v5, v10;
	v4 =	vmul.f32 v4, v6;
	v6 =	vand.u32 $0xFFFF0000, v7  }
0x143: {  	s0 =	sadd.s32 s12, s25;
	s9 =	sadd.s32 $0x40, s31;
	v1 =	vadd.f32 v8, v1;
	v6 =	vmul.f32 v6, v13  }
0x144: {  	s13 =	sadd.s32 s7, s0;
	v62 =	vld [tilespmem:s9+$0x0];
	v2 =	vadd.f32 v5, v2;
	v3 =	vadd.f32 v4, v3;
	v7 =	vshrl.u32 v60, $0x10  }
0x145: {  	s14 =	sadd.s32 s10, s0;
	s0 =	sadd.s32 s2, s0;
	v8 =	vld [tilespmem:s13+$0x0];
	v4 =	vshrl.u32 v11, $0x10;
	v10 =	vshrl.u32 v9, $0x10;
	v7 =	vand.u32 $0x1, v7  }
0x146: {  	v63 =	vld [tilespmem:s0+$0x0];
	v4 =	vand.u32 $0x1, v4;
	v10 =	vand.u32 $0x1, v10;
	v7 =	vadd.s32 v7, v60  }
0x147: {  	v5 =	vld [tilespmem:s14+$0x0];
	v4 =	vadd.s32 v4, v11;
	v11 =	vshrl.u32 v61, $0x10;
	v9 =	vadd.s32 v10, v9  }
0x148: {  	v7 =	vadd.s32 $0x7FFF, v7;
	v11 =	vand.u32 $0x1, v11;
	v4 =	vadd.s32 $0x7FFF, v4  }
0x149: {  	v7 =	vand.u32 $0xFFFF0000, v7;
	v10 =	vadd.s32 v11, v61;
	v4 =	vand.u32 $0xFFFF0000, v4  }
0x14a: {  	v7 =	vmul.f32 v7, v8;
	v8 =	vadd.s32 $0x7FFF, v9;
	v9 =	vadd.s32 $0x7FFF, v10  }
0x14b: {  	v4 =	vmul.f32 v4, v62;
	v8 =	vand.u32 $0xFFFF0000, v8;
	v9 =	vand.u32 $0xFFFF0000, v9  }
0x14c: {  	v0 =	vadd.f32 v6, v0;
	v5 =	vmul.f32 v8, v5;
	v6 =	vmul.f32 v9, v63  }
0x14d: {  	v1 =	vadd.f32 v7, v1;
	v2 =	vadd.f32 v4, v2  }
0x14e: {  	v3 =	vadd.f32 v5, v3;
	v0 =	vadd.f32 v6, v0;
	_ =	sdelay $0x1  }
0x14f: {  	s0 =	simm.s32 $0x0;
	v2 =	vadd.f32 v3, v2;
	v0 =	vadd.f32 v1, v0  }
0x150: {  	s10 =	sand.u32 $0x1F000, s0  }
0x151: {  	s11 =	sand.u32 $0x40, s0;
	s2 =	sshrl.u32 s10, $0x2;
	v0 =	vadd.f32 v0, v2  }
0x152: {  	s7 =	sor.u32 $0x30, s11;
	s2 =	sadd.s32 s2, s26  }
0x153: {  	s12 =	sadd.s32 s7, s2;
	[tilespmem:s29+$0x12300] =	vst v0  }
0x154: {  	s14 =	sor.u32 $0x10, s11;
	s13 =	sadd.s32 s11, s2;
	v8 =	vld [tilespmem:s12+$0x380]  }
0x155: {  	s3 =	sor.u32 $0x20, s11;
	s11 =	sadd.s32 s14, s2;
	v5 =	vld [tilespmem:s13+$0x380]  }
0x156: {  	s0 =	sand.u32 $0xF80, s0;
	s2 =	sadd.s32 s3, s2;
	v4 =	vld [tilespmem:s11+$0x380]  }
0x157: {  	s12 =	sadd.s32 s0, s25;
	v7 =	vld [tilespmem:s2+$0x380]  }
0x158: {  	s31 =	smov.u32 s25;
	v1 =	vimm.f32 $0.0e+00;
	s13 =	sadd.s32 s7, s12  }
0x159: {  	s10 =	simm.s32 $0x80;
	v3 =	vimm.f32 $0.0e+00;
	v2 =	vimm.f32 $0.0e+00;
	s2 =	simm.s32 $0x800;
	s14 =	sadd.s32 s14, s12;
	v9 =	vld [tilespmem:s13+$0x0];
	v0 =	vshrl.u32 v8, $0x10  }
0x15a: {  	s0 =	simm.s32 $0x40;
	s11 =	sadd.s32 s3, s12;
	s12 =	sand.u32 $0x1F000, s2;
	v6 =	vld [tilespmem:s14+$0x0];
	v11 =	vshrl.u32 v5, $0x10;
	v10 =	vand.u32 $0x1, v0;
	v0 =	vimm.f32 $0.0e+00  }
.LBB2_17:
0x15b: {  	p1 =	sne.s32 s10, $0xFC0;
	s3 =	sand.u32 $0x40, s0;
	s7 =	sshrl.u32 s12, $0x2;
	v11 =	vand.u32 $0x1, v11;
	v12 =	vshrl.u32 v4, $0x10;
	v13 =	vld [tilespmem:s11+$0x0];
	v8 =	vadd.s32 v10, v8  }
0x15c: {  	s7 =	sadd.s32 s7, s26;
	s9 =	sor.u32 $0x10, s3;
	s12 =	sor.u32 $0x30, s3;
	v10 =	vld [tilespmem:s31+$0x0];
	v12 =	vand.u32 $0x1, v12;
	v14 =	vshrl.u32 v7, $0x10;
	v8 =	vadd.s32 $0x7FFF, v8  }
0x15d: {  	v11 =	vadd.s32 v11, v5;
	s11 =	sadd.s32 s3, s7;
	s3 =	sor.u32 $0x20, s3;
	s13 =	sadd.s32 s12, s7;
	v5 =	vand.u32 $0x1, v14;
	v14 =	vand.u32 $0xFFFF0000, v8  }
0x15e: {  	s14 =	sadd.s32 s9, s7;
	v4 =	vadd.s32 v12, v4;
	s7 =	sadd.s32 s3, s7;
	v8 =	vld [tilespmem:s13+$0x380];
	v7 =	vadd.s32 v5, v7;
	v9 =	vmul.f32 v14, v9  }
0x15f: {  	v11 =	vadd.s32 $0x7FFF, v11;
	v12 =	vadd.s32 $0x7FFF, v4;
	v5 =	vld [tilespmem:s11+$0x380];
	v14 =	vadd.s32 $0x7FFF, v7  }
.Ltmp7:
0x160: {  	v11 =	vand.u32 $0xFFFF0000, v11;
	s11 =	sand.u32 $0xF80, s0;
	v12 =	vand.u32 $0xFFFF0000, v12;
	s0 =	smov.u32 s10;
	v4 =	vld [tilespmem:s14+$0x380];
	v1 =	vadd.f32 v9, v1;
	(pc) =	sbr.rel @p1 .LBB2_17-.Ltmp7, $4  }
0x161: {  	s13 =	sadd.s32 s11, s25;
	v6 =	vmul.f32 v12, v6;
	v9 =	vand.u32 $0xFFFF0000, v14;
	v7 =	vld [tilespmem:s7+$0x380];
	v10 =	vmul.f32 v11, v10  }
0x162: {  	s7 =	sadd.s32 s9, s13;
	s11 =	sadd.s32 s3, s13;
	s3 =	sadd.s32 s12, s13;
	v12 =	vmul.f32 v9, v13  }
0x163: {  	s2 =	sadd.s32 $0x800, s2;
	v3 =	vadd.f32 v6, v3;
	v13 =	vshrl.u32 v8, $0x10;
	v9 =	vld [tilespmem:s3+$0x0];
	v2 =	vadd.f32 v10, v2  }
0x164: {  	s31 =	sadd.s32 $0x40, s31;
	s10 =	sadd.s32 $0x40, s10;
	s12 =	sand.u32 $0x1F000, s2;
	v0 =	vadd.f32 v12, v0;
	v11 =	vshrl.u32 v5, $0x10;
	v6 =	vld [tilespmem:s7+$0x0];
	v10 =	vand.u32 $0x1, v13  }
0x165: {  	s2 =	sand.u32 $0x40, s0;
	s3 =	sshrl.u32 s12, $0x2  }
0x166: {  	v11 =	vand.u32 $0x1, v11;
	v12 =	vshrl.u32 v4, $0x10;
	v13 =	vld [tilespmem:s11+$0x0];
	s3 =	sadd.s32 s3, s26;
	s7 =	sor.u32 $0x30, s2  }
0x167: {  	v8 =	vadd.s32 v10, v8;
	v43 =	vld [tilespmem:s31+$0x0];
	v12 =	vand.u32 $0x1, v12;
	v14 =	vshrl.u32 v7, $0x10;
	s9 =	sadd.s32 s7, s3  }
0x168: {  	s10 =	sor.u32 $0x10, s2;
	v8 =	vadd.s32 $0x7FFF, v8;
	v5 =	vadd.s32 v11, v5;
	s12 =	sadd.s32 s2, s3;
	v44 =	vand.u32 $0x1, v14;
	v45 =	vld [tilespmem:s9+$0x380]  }
0x169: {  	v8 =	vand.u32 $0xFFFF0000, v8;
	s13 =	sadd.s32 s10, s3;
	v46 =	vadd.s32 v12, v4;
	s2 =	sor.u32 $0x20, s2;
	v5 =	vadd.s32 $0x7FFF, v5;
	v48 =	vld [tilespmem:s12+$0x380]  }
0x16a: {  	v47 =	vadd.s32 v44, v7;
	v8 =	vmul.f32 v8, v9;
	v4 =	vadd.s32 $0x7FFF, v46;
	v49 =	vld [tilespmem:s13+$0x380];
	s3 =	sadd.s32 s2, s3  }
0x16b: {  	v5 =	vand.u32 $0xFFFF0000, v5;
	v7 =	vadd.s32 $0x7FFF, v47;
	v4 =	vand.u32 $0xFFFF0000, v4;
	v50 =	vld [tilespmem:s3+$0x380]  }
0x16c: {  	s14 =	sand.u32 $0xF80, s0;
	v5 =	vmul.f32 v5, v43;
	v4 =	vmul.f32 v4, v6;
	v51 =	vand.u32 $0xFFFF0000, v7  }
0x16d: {  	s31 =	sadd.s32 $0x40, s31;
	s0 =	sadd.s32 s14, s25;
	v1 =	vadd.f32 v8, v1;
	v6 =	vmul.f32 v51, v13  }
0x16e: {  	v57 =	vld [tilespmem:s31+$0x0];
	s25 =	sadd.s32 s7, s0;
	v2 =	vadd.f32 v5, v2;
	v3 =	vadd.f32 v4, v3;
	v52 =	vshrl.u32 v45, $0x10  }
0x16f: {  	s26 =	sadd.s32 s10, s0;
	v53 =	vld [tilespmem:s25+$0x0];
	v54 =	vshrl.u32 v48, $0x10;
	v56 =	vshrl.u32 v49, $0x10;
	v7 =	vand.u32 $0x1, v52  }
0x170: {  	v55 =	vld [tilespmem:s26+$0x0];
	s0 =	sadd.s32 s2, s0;
	v4 =	vand.u32 $0x1, v54;
	v10 =	vand.u32 $0x1, v56;
	v59 =	vshrl.u32 v50, $0x10  }
0x171: {  	v58 =	vld [tilespmem:s0+$0x0];
	v7 =	vadd.s32 v7, v45;
	v4 =	vadd.s32 v4, v48;
	v11 =	vand.u32 $0x1, v59  }
0x172: {  	v9 =	vadd.s32 v10, v49;
	v7 =	vadd.s32 $0x7FFF, v7;
	v60 =	vadd.s32 v11, v50  }
0x173: {  	v4 =	vadd.s32 $0x7FFF, v4;
	v61 =	vadd.s32 $0x7FFF, v9;
	v7 =	vand.u32 $0xFFFF0000, v7  }
0x174: {  	v62 =	vadd.s32 $0x7FFF, v60;
	v4 =	vand.u32 $0xFFFF0000, v4;
	v8 =	vand.u32 $0xFFFF0000, v61  }
0x175: {  	v7 =	vmul.f32 v7, v53;
	v4 =	vmul.f32 v4, v57;
	v9 =	vand.u32 $0xFFFF0000, v62  }
0x176: {  	v0 =	vadd.f32 v6, v0;
	v5 =	vmul.f32 v8, v55;
	v63 =	vmul.f32 v9, v58  }
0x177: {  	v1 =	vadd.f32 v7, v1;
	v2 =	vadd.f32 v4, v2  }
0x178: {  	v3 =	vadd.f32 v5, v3;
	v0 =	vadd.f32 v63, v0;
	_ =	sdelay $0x1  }
0x179: {  	v2 =	vadd.f32 v3, v2;
	v0 =	vadd.f32 v1, v0  }
0x17a: {  	p1 =	sne.s32 s23, s22  }
0x17b: {  	p0 =	por p0, p1;
	v0 =	vadd.f32 v0, v2  }
0x17c: {  	s0 =	sshll.u32 @p0 s23, $0xF  }
0x17d: {  	p1 =	seq.s32 s21, $0x0;
	s0 =	sor.u32 @p0 s8, s0;
	[tilespmem:s29+$0x12380] =	vst v0  }
0x17e: {  	s2 =	sadd.s32 @p0 $0x5, s28;
	s0 =	sshrl.u32 @p0 s0, $0x3;
	_ =	strace $0x9000004D  }
0x17f: {  	s3 =	simm.s32 @p0 $0x0;
	s0 =	sadd.s32 @p0 s6, s0;
	_ =	strace @p0 $0x8000004E  }
0x180: {  	[hbm4b:s0+s3] =	stream.linear.scatter @p0 [tilespmem:s30], [sflag:s2], $0x400, $0x200038;
	[tilespmem:$0x12800] =	vst v63  }
0x181: {  	s0 =	sand.u32 @!p1 $0x1, s15;
	_ =	strace @p0 $0x9000004E  }
0x182: {  	s0 =	sadd.s32 @!p1 $0x5, s0;
	_ =	strace @!p1 $0x8000004F  }
0x183: {  	s2 =	simm.s32 $0x1;
	_ =	swait.ge @!p1 [sflag:s0], $0x400  }
0x184: {  	s2 =	simm.s32 @!p0 $0x0;
	p0 =	sne.s32 s21, $0x0;
	[sflag:s0] =	ssyncset.done @!p1 $0x0  }
0x185: {  	s21 =	sadd.s32 $0x1, s21;
	[sflag:s0] =	ssyncadd.s32 @!p1 $0xFFFFFC00;
	s0 =	simm.s32 $0x1  }
0x186: {  	s0 =	simm.s32 @!p0 $0x0;
	p0 =	sne.s32 s21, $0x4  }
.Ltmp8:
0x187: {  	_ = 	snop;
	(pc) =	sbr.rel @p0 .LBB2_2-.Ltmp8, $4  }
0x188: {  	_ = 	snop  }
0x189: {  	s18 =	sadd.s32 s18, s24  }
0x18a: {  	s23 =	smov.u32 s22;
	s16 =	sadd.s32 s2, s16;
	s19 =	sadd.s32 s2, s19  }
0x18b: {  	s17 =	sadd.s32 s2, s17;
	_ =	strace @!p1 $0x9000004F;
	s15 =	sadd.s32 s0, s15  }
0x18c: {  	_ =	strace $0x80000050;
	s0 =	simm.s32 $0x6  }
0x18d: {  	_ =	swait.ge [sflag:s0], $0x400  }
0x18e: {  	s2 =	rddreg [dreg:$0x5]  }
0x18f: {  	s31 =	rddreg [dreg:$0x4];
	s2 =	sadd.s32 $0x1, s2  }
0x190: {  	p0 =	sne.s32 s2, s31  }
.Ltmp9:
0x191: {  	_ = 	snop;
	(pc) =	sbr.rel @p0 .LBB2_1-.Ltmp9, $4  }
0x192: {  	_ = 	snop  }
0x193: {  	[sflag:s0] =	ssyncset.done $0x0  }
0x194: {  	[sflag:s0] =	ssyncadd.s32 $0xFFFFFC00  }
0x195: {  	_ =	strace $0x90000050  }
0x196: {  	_ =	sfence.sel $0x180000  }
0x197: {  	[bflag:$0x0] =	sbarrier.arrive $0xFFFF  }
0x198: {  	_ =	strace $0x90000047  }
0x199: {  	s0 =	stileid.u32;
	[bflag:$0x2] =	sbarrier.arrive $0xFFFF  }
0x19a: {  	p0 =	sne.s32 s0, $0x0;
	s0 =	rddreg [dreg:$0x2]  }
0x19b: {  	s0 =	sadd.s32 @!p0 $0x100000, s0  }
0x19c: {  	[sflag:s0] =	ssyncadd.tile.s32 @!p0 $0x1;
	_ =	shalt  }
.Lfunc_end2:
_tile_overlayer_lowered:
.L_overlay_start_2:
0x19d: {  	(tag) =	ssettag $0x2  }
0x19e: {  	s0 =	rddreg [dreg:$0x0];
	s2 =	stileid.u32  }
0x19f: {  	s1 =	rddreg [dreg:$0x1];
	p0 =	sne.s32 s2, $0x0  }
0x1a0: {  	s3 =	rddreg [dreg:$0x2];
	[bflag:$0x3] =	sbarrier.arrive $0xFFFF;
	s2 =	simm.s32 @!p0 $0x1C01  }
0x1a1: {  	[timem:s3], [sflag:s2] =	dma.local @!p0 [hbm:s0], s1  }
0x1a2: {  	s0 =	simm.s32 @!p0 $0x1  }
0x1a3: {  	_ =	swait.ge @!p0 [sflag:s0], s1  }
0x1a4: {  	s1 =	ssub.s32 @!p0 $0x0, s1;
	[sflag:s0] =	ssyncset.done @!p0 $0x0  }
0x1a5: {  	[sflag:s0] =	ssyncadd.s32 @!p0 s1  }
0x1a6: {  	[bflag:$0x3] =	sbarrier.arrive $0xFFFF  }
0x1a7: {  	_ =	shalt  }

</sc_bundles>
